<compile_context>
chip_gen: v7x
topology: tpu7x:2x2x1
jax: 0.10.2.dev20260603
libtpu: 0.0.44.dev20260713+nightly
codegen_flags: <defaults>
</compile_context>

<pallas_src>
import functools

import jax
import jax.numpy as jnp
from jax import lax
from jax.experimental import pallas as pl
from jax.experimental.pallas import tpu as pltpu
from jax.experimental.pallas import tpu_sc as plsc

_INFO = plsc.get_sparse_core_info()
_NC, _NS = _INFO.num_cores, _INFO.num_subcores
_NW = _NC * _NS
_K = 16
_W = 16


def _gather_kernel(B, NU, NI):
    b_per_w = B // _NW
    n_chunks = b_per_w // _K
    mesh = plsc.VectorSubcoreMesh(core_axis_name="c", subcore_axis_name="s")
    nbuf = 2

    @functools.partial(
        pl.kernel,
        mesh=mesh,
        out_type=(
            jax.ShapeDtypeStruct((4, 8, B), jnp.float32),
            jax.ShapeDtypeStruct((4, 8, B), jnp.float32),
        ),
        scratch_types=[
            pltpu.VMEM((b_per_w + _K,), jnp.int32),
            pltpu.VMEM((b_per_w + _K,), jnp.int32),
            pltpu.VMEM((b_per_w + _K,), jnp.int32),
            pltpu.VMEM((b_per_w + _K,), jnp.int32),
            [pltpu.VMEM((4, 8, _K * _W), jnp.float32) for _ in range(nbuf)],
            [pltpu.VMEM((4, 8, _K * _W), jnp.float32) for _ in range(nbuf)],
            pltpu.VMEM((4, 8, b_per_w), jnp.float32),
            pltpu.VMEM((4, 8, b_per_w), jnp.float32),
            [pltpu.SemaphoreType.DMA for _ in range(nbuf)],
            [pltpu.SemaphoreType.DMA for _ in range(nbuf)],
        ],
        compiler_params=pltpu.CompilerParams(needs_layout_passes=False),
    )
    def k(uid_hbm, iid_hbm, tu_hbm, ti_hbm, out_u, out_i,
          idx_u, idx_i, wb_u, wb_i, stage_u, stage_i, buf_u, buf_i,
          sem_u, sem_i):
        wid = lax.axis_index("s") * _NC + lax.axis_index("c")
        base = wid * b_per_w
        cu0 = pltpu.async_copy(uid_hbm.at[pl.ds(base, b_per_w)],
                               idx_u.at[pl.ds(0, b_per_w)], sem_u[0])
        ci0 = pltpu.async_copy(iid_hbm.at[pl.ds(base, b_per_w)],
                               idx_i.at[pl.ds(0, b_per_w)], sem_i[0])
        cu0.wait()
        ci0.wait()
        zeros = jnp.zeros((_K,), jnp.int32)
        idx_u[pl.ds(b_per_w, _K)] = zeros
        idx_i[pl.ds(b_per_w, _K)] = zeros
        lanes = lax.iota(jnp.int32, _K) * _W

        def wb_body(c, carry2):
            off = c * _K
            wb_u[pl.ds(off, _K)] = (idx_u[pl.ds(off, _K)] // _W) * _W
            wb_i[pl.ds(off, _K)] = (idx_i[pl.ds(off, _K)] // _W) * _W
            return carry2

        lax.fori_loop(0, n_chunks + 1, wb_body, 0)

        def fire(c, slot):
            def j_body(j, carry2):
                wu = pl.multiple_of(wb_u[pl.ds(c * _K + j, _K)][0], _W)
                wi = pl.multiple_of(wb_i[pl.ds(c * _K + j, _K)][0], _W)
                pltpu.async_copy(
                    tu_hbm.at[:, :, pl.ds(wu, _W)],
                    stage_u[slot].at[:, :, pl.ds(j * _W, _W)], sem_u[slot])
                pltpu.async_copy(
                    ti_hbm.at[:, :, pl.ds(wi, _W)],
                    stage_i[slot].at[:, :, pl.ds(j * _W, _W)], sem_i[slot])
                return carry2

            lax.fori_loop(0, _K, j_body, 0)

        def drain(slot):
            dummy = tu_hbm.at[:, :, pl.ds(0, _K * _W)]
            pltpu.make_async_copy(dummy, stage_u[slot], sem_u[slot]).wait()
            pltpu.make_async_copy(dummy, stage_i[slot], sem_i[slot]).wait()

        def select(c, slot):
            vec_u = idx_u[pl.ds(c * _K, _K)]
            vec_i = idx_i[pl.ds(c * _K, _K)]
            sel_u = lanes + lax.rem(vec_u, _W)
            sel_i = lanes + lax.rem(vec_i, _W)

            def p_body(p, carry2):
                pv = jnp.full((_K,), p, jnp.int32)
                for s in range(8):
                    sv = jnp.full((_K,), s, jnp.int32)
                    vu = plsc.load_gather(stage_u[slot], [pv, sv, sel_u])
                    vi = plsc.load_gather(stage_i[slot], [pv, sv, sel_i])
                    buf_u[p, s, pl.ds(c * _K, _K)] = vu
                    buf_i[p, s, pl.ds(c * _K, _K)] = vi
                return carry2

            lax.fori_loop(0, 4, p_body, 0)

        for b in range(nbuf):
            fire(b, b)

        def group_body(g, carry):
            for b in range(nbuf):
                c = g * nbuf + b
                drain(b)
                select(c, b)
                nxt = c + nbuf

                @pl.when(nxt < n_chunks)
                def _():
                    fire(nxt, b)
            return carry

        lax.fori_loop(0, n_chunks // nbuf, group_body, 0)
        pltpu.sync_copy(buf_u, out_u.at[:, :, pl.ds(base, b_per_w)])
        pltpu.sync_copy(buf_i, out_i.at[:, :, pl.ds(base, b_per_w)])

    return k


def kernel(nid_user, nid_item, table_user, table_item):
    B = nid_user.shape[0]
    NU = table_user.shape[0]
    NI = table_item.shape[0]
    tu3 = table_user.T.reshape(4, 8, NU)
    ti3 = table_item.T.reshape(4, 8, NI)
    k = _gather_kernel(B, NU, NI)
    out_u3, out_i3 = k(nid_user.astype(jnp.int32), nid_item.astype(jnp.int32),
                       tu3, ti3)
    return (out_u3.reshape(32, B).T, out_i3.reshape(32, B).T)

# --- scband reference (transcript-rebuilt; emitter-appended) ---
"""Pipeline reference for scband-rel-graph-embed-19696720019606 (READ-ONLY COPY).

The authoritative reference and input builder live on the scoring server;
editing this copy changes nothing except your own understanding.
"""

import jax, jax.numpy as jnp
import numpy as np
import math

NUM_USER = 1000000
NUM_ITEM = 100000
EMBED_SIZE = 32
BATCH = 16384

def _xavier_uniform(key, shape, gain):
    # torch xavier_uniform_ for 2D param [fan_out, fan_in]
    fan_out, fan_in = shape
    a = gain * math.sqrt(6.0 / (fan_in + fan_out))
    return jax.random.uniform(key, shape, dtype=jnp.float32, minval=-a, maxval=a)

def setup_inputs(seed: int = 0) -> dict:
    key = jax.random.key(seed)
    k1, k2, k3, k4 = jax.random.split(key, 4)
    gain = math.sqrt(2.0)  # calculate_gain('relu')
    nid_user = jax.random.randint(k1, (BATCH,), 0, NUM_USER, dtype=jnp.int64) if jax.config.jax_enable_x64 else jax.random.randint(k1, (BATCH,), 0, NUM_USER, dtype=jnp.int32)
    nid_item = jax.random.randint(k2, (BATCH,), 0, NUM_ITEM, dtype=jnp.int32)
    table_user = _xavier_uniform(k3, (NUM_USER, EMBED_SIZE), gain)
    table_item = _xavier_uniform(k4, (NUM_ITEM, EMBED_SIZE), gain)
    return {"nid_user": nid_user, "nid_item": nid_item, "table_user": table_user, "table_item": table_item}

def reference(nid_user, nid_item, table_user, table_item):
    # forward: per-ntype embedding gather (RelGraphEmbed.forward)
    emb_user = jnp.take(table_user, nid_user, axis=0)
    emb_item = jnp.take(table_item, nid_item, axis=0)
    return (emb_user, emb_item)

if __name__ == "__main__":
    import jax
    _d = setup_inputs()
    print(jax.jit(kernel)(*tuple(_d.values())))

</pallas_src>

<mosaic_0001>
#map = affine_map<(d0, d1) -> (0)>
#map1 = affine_map<(d0, d1) -> (0, 0, 0)>
module attributes {stable_mosaic.version = 14 : i64} {
  func.func @k(%arg0: i32, %arg1: i32, %arg2: memref<16384xi32, #tpu.memory_space<hbm>>, %arg3: memref<16384xi32, #tpu.memory_space<hbm>>, %arg4: memref<4x8x1000000xf32, #tpu.memory_space<hbm>>, %arg5: memref<4x8x100000xf32, #tpu.memory_space<hbm>>, %arg6: memref<4x8x16384xf32, #tpu.memory_space<hbm>>, %arg7: memref<4x8x16384xf32, #tpu.memory_space<hbm>>, %arg8: memref<528xi32, #tpu.memory_space<vmem>>, %arg9: memref<528xi32, #tpu.memory_space<vmem>>, %arg10: memref<528xi32, #tpu.memory_space<vmem>>, %arg11: memref<528xi32, #tpu.memory_space<vmem>>, %arg12: memref<4x8x256xf32, #tpu.memory_space<vmem>>, %arg13: memref<4x8x256xf32, #tpu.memory_space<vmem>>, %arg14: memref<4x8x256xf32, #tpu.memory_space<vmem>>, %arg15: memref<4x8x256xf32, #tpu.memory_space<vmem>>, %arg16: memref<4x8x512xf32, #tpu.memory_space<vmem>>, %arg17: memref<4x8x512xf32, #tpu.memory_space<vmem>>, %arg18: memref<!tpu.dma_semaphore, #tpu.memory_space<semaphore_mem>>, %arg19: memref<!tpu.dma_semaphore, #tpu.memory_space<semaphore_mem>>, %arg20: memref<!tpu.dma_semaphore, #tpu.memory_space<semaphore_mem>>, %arg21: memref<!tpu.dma_semaphore, #tpu.memory_space<semaphore_mem>>) attributes {dimension_semantics = [#tpu.dimension_semantics<core_parallel>, #tpu.dimension_semantics<subcore_parallel>], iteration_bounds = array<i64: 2, 16>, scalar_prefetch = 0 : i64, scratch_operands = 14 : i64, tpu.core_type = #tpu.core_type<sc_vector_subcore>, window_params = [{transform_indices = #map}, {transform_indices = #map}, {transform_indices = #map1}, {transform_indices = #map1}, {transform_indices = #map1}, {transform_indices = #map1}]} {
    %mul3A = arith.constant 2 : i32
    %mul3A_0 = arith.muli %arg1, %mul3A : i32
    %add3A = arith.addi %mul3A_0, %arg0 : i32
    %mul3A_1 = arith.constant 512 : i32
    %mul3A_2 = arith.muli %add3A, %mul3A_1 : i32
    %dma_start3A = arith.constant 0 : i32
    %dma_start3A_3 = tpu.memref_slice %arg8[%dma_start3A] : memref<528xi32, #tpu.memory_space<vmem>> -> memref<512xi32, #tpu.memory_space<vmem>>
    %dma_start3A_4 = tpu.memref_slice %arg2[%mul3A_2] : memref<16384xi32, #tpu.memory_space<hbm>> -> memref<512xi32, #tpu.memory_space<hbm>>
    %dma_start3A_5 = arith.constant 0 : i32
    %dma_start3A_6 = tpu.memref_slice %arg8[%dma_start3A_5] : memref<528xi32, #tpu.memory_space<vmem>> -> memref<512xi32, #tpu.memory_space<vmem>>
    %dma_start3A_7 = tpu.memref_slice %arg2[%mul3A_2] : memref<16384xi32, #tpu.memory_space<hbm>> -> memref<512xi32, #tpu.memory_space<hbm>>
    tpu.enqueue_dma source(%dma_start3A_7 : memref<512xi32, #tpu.memory_space<hbm>>) target(%dma_start3A_6 : memref<512xi32, #tpu.memory_space<vmem>>) target_semaphore(%arg18 : memref<!tpu.dma_semaphore, #tpu.memory_space<semaphore_mem>>)
    %dma_start3A_8 = arith.constant 0 : i32
    %dma_start3A_9 = tpu.memref_slice %arg9[%dma_start3A_8] : memref<528xi32, #tpu.memory_space<vmem>> -> memref<512xi32, #tpu.memory_space<vmem>>
    %dma_start3A_10 = tpu.memref_slice %arg3[%mul3A_2] : memref<16384xi32, #tpu.memory_space<hbm>> -> memref<512xi32, #tpu.memory_space<hbm>>
    %dma_start3A_11 = arith.constant 0 : i32
    %dma_start3A_12 = tpu.memref_slice %arg9[%dma_start3A_11] : memref<528xi32, #tpu.memory_space<vmem>> -> memref<512xi32, #tpu.memory_space<vmem>>
    %dma_start3A_13 = tpu.memref_slice %arg3[%mul3A_2] : memref<16384xi32, #tpu.memory_space<hbm>> -> memref<512xi32, #tpu.memory_space<hbm>>
    tpu.enqueue_dma source(%dma_start3A_13 : memref<512xi32, #tpu.memory_space<hbm>>) target(%dma_start3A_12 : memref<512xi32, #tpu.memory_space<vmem>>) target_semaphore(%arg20 : memref<!tpu.dma_semaphore, #tpu.memory_space<semaphore_mem>>)
    %dma_wait3A = arith.constant 0 : i32
    %dma_wait3A_14 = tpu.memref_slice %arg8[%dma_wait3A] : memref<528xi32, #tpu.memory_space<vmem>> -> memref<512xi32, #tpu.memory_space<vmem>>
    %dma_wait3A_15 = tpu.memref_slice %arg2[%mul3A_2] : memref<16384xi32, #tpu.memory_space<hbm>> -> memref<512xi32, #tpu.memory_space<hbm>>
    %dma_wait3A_16 = arith.constant 0 : i32
    %dma_wait3A_17 = tpu.memref_slice %arg8[%dma_wait3A_16] : memref<528xi32, #tpu.memory_space<vmem>> -> memref<512xi32, #tpu.memory_space<vmem>>
    %dma_wait3A_18 = tpu.memref_slice %arg2[%mul3A_2] : memref<16384xi32, #tpu.memory_space<hbm>> -> memref<512xi32, #tpu.memory_space<hbm>>
    tpu.wait_dma2 semaphore(%arg18 : memref<!tpu.dma_semaphore, #tpu.memory_space<semaphore_mem>>) src(%dma_wait3A_18 : memref<512xi32, #tpu.memory_space<hbm>>) dst(%dma_wait3A_17 : memref<512xi32, #tpu.memory_space<vmem>>)
    %dma_wait3A_19 = arith.constant 0 : i32
    %dma_wait3A_20 = tpu.memref_slice %arg9[%dma_wait3A_19] : memref<528xi32, #tpu.memory_space<vmem>> -> memref<512xi32, #tpu.memory_space<vmem>>
    %dma_wait3A_21 = tpu.memref_slice %arg3[%mul3A_2] : memref<16384xi32, #tpu.memory_space<hbm>> -> memref<512xi32, #tpu.memory_space<hbm>>
    %dma_wait3A_22 = arith.constant 0 : i32
    %dma_wait3A_23 = tpu.memref_slice %arg9[%dma_wait3A_22] : memref<528xi32, #tpu.memory_space<vmem>> -> memref<512xi32, #tpu.memory_space<vmem>>
    %dma_wait3A_24 = tpu.memref_slice %arg3[%mul3A_2] : memref<16384xi32, #tpu.memory_space<hbm>> -> memref<512xi32, #tpu.memory_space<hbm>>
    tpu.wait_dma2 semaphore(%arg20 : memref<!tpu.dma_semaphore, #tpu.memory_space<semaphore_mem>>) src(%dma_wait3A_24 : memref<512xi32, #tpu.memory_space<hbm>>) dst(%dma_wait3A_23 : memref<512xi32, #tpu.memory_space<vmem>>)
    %broadcast_in_dim3A = arith.constant 0 : i32
    %broadcast_in_dim3A_25 = vector.broadcast %broadcast_in_dim3A : i32 to vector<16xi32>
    %swap3A = arith.constant 512 : index
    %swap3A_26 = tpu.vector_load %arg8[%swap3A] {strides = array<i32>} : memref<528xi32, #tpu.memory_space<vmem>>, vector<16xi32>,
    tpu.vector_store %arg8[%swap3A], %broadcast_in_dim3A_25 {strides = array<i32>} : memref<528xi32, #tpu.memory_space<vmem>>, vector<16xi32>,
    %swap3A_27 = arith.constant 512 : index
    %swap3A_28 = tpu.vector_load %arg9[%swap3A_27] {strides = array<i32>} : memref<528xi32, #tpu.memory_space<vmem>>, vector<16xi32>,
    tpu.vector_store %arg9[%swap3A_27], %broadcast_in_dim3A_25 {strides = array<i32>} : memref<528xi32, #tpu.memory_space<vmem>>, vector<16xi32>,
    %iota3A = tpu.iota {dimensions = array<i32: 0>} : vector<16xi32>
    %mul3A_29 = arith.constant 16 : i32
    %mul3A_30 = vector.broadcast %mul3A_29 : i32 to vector<16xi32>
    %mul3A_31 = arith.muli %iota3A, %mul3A_30 : vector<16xi32>
    %scan3A = arith.constant 0 : i32
    %scan3A_32 = arith.constant 0 : i32
    %scan3A_33 = arith.constant 33 : i32
    %scan3A_34 = arith.addi %scan3A_32, %scan3A_33 : i32
    %scan3A_35 = arith.constant 1 : i32
    scf.for %scan3A_55 = %scan3A_32 to %scan3A_34 step %scan3A_35  : i32 {
      %mul3A_56 = arith.constant 16 : i32
      %mul3A_57 = arith.muli %scan3A_55, %mul3A_56 : i32
      %get3A = arith.index_cast %mul3A_57 : i32 to index
      %get3A_58 = tpu.vector_load %arg8[%get3A] {strides = array<i32>} : memref<528xi32, #tpu.memory_space<vmem>>, vector<16xi32>,
      %jit3A = arith.constant 16 : i32
      %div3A = vector.broadcast %jit3A : i32 to vector<16xi32>
      %div3A_59 = arith.divsi %get3A_58, %div3A : vector<16xi32>
      %sign3A = arith.constant 0 : i32
      %sign3A_60 = vector.broadcast %sign3A : i32 to vector<16xi32>
      %sign3A_61 = arith.cmpi sgt, %get3A_58, %sign3A_60 : vector<16xi32>
      %sign3A_62 = arith.extui %sign3A_61 : vector<16xi1> to vector<16xi32>
      %sign3A_63 = arith.constant 0 : i32
      %sign3A_64 = vector.broadcast %sign3A_63 : i32 to vector<16xi32>
      %sign3A_65 = arith.cmpi slt, %get3A_58, %sign3A_64 : vector<16xi32>
      %sign3A_66 = arith.extui %sign3A_65 : vector<16xi1> to vector<16xi32>
      %sign3A_67 = arith.subi %sign3A_62, %sign3A_66 : vector<16xi32>
      %sign3A_68 = arith.constant 0 : i32
      %sign3A_69 = arith.cmpi sgt, %jit3A, %sign3A_68 : i32
      %sign3A_70 = arith.extui %sign3A_69 : i1 to i32
      %sign3A_71 = arith.constant 0 : i32
      %sign3A_72 = arith.cmpi slt, %jit3A, %sign3A_71 : i32
      %sign3A_73 = arith.extui %sign3A_72 : i1 to i32
      %sign3A_74 = arith.subi %sign3A_70, %sign3A_73 : i32
      %ne3A = vector.broadcast %sign3A_74 : i32 to vector<16xi32>
      %ne3A_75 = arith.cmpi ne, %sign3A_67, %ne3A : vector<16xi32>
      %rem3A = vector.broadcast %jit3A : i32 to vector<16xi32>
      %rem3A_76 = arith.remsi %get3A_58, %rem3A : vector<16xi32>
      %ne3A_77 = arith.constant 0 : i32
      %ne3A_78 = vector.broadcast %ne3A_77 : i32 to vector<16xi32>
      %ne3A_79 = arith.cmpi ne, %rem3A_76, %ne3A_78 : vector<16xi32>
      %and3A = arith.andi %ne3A_75, %ne3A_79 : vector<16xi1>
      %sub3A = arith.constant 1 : i32
      %sub3A_80 = vector.broadcast %sub3A : i32 to vector<16xi32>
      %sub3A_81 = arith.subi %div3A_59, %sub3A_80 : vector<16xi32>
      %select_n3A = arith.select %and3A, %sub3A_81, %div3A_59 : vector<16xi1>, vector<16xi32>
      %mul3A_82 = arith.constant 16 : i32
      %mul3A_83 = vector.broadcast %mul3A_82 : i32 to vector<16xi32>
      %mul3A_84 = arith.muli %select_n3A, %mul3A_83 : vector<16xi32>
      %swap3A_85 = arith.index_cast %mul3A_57 : i32 to index
      %swap3A_86 = tpu.vector_load %arg10[%swap3A_85] {strides = array<i32>} : memref<528xi32, #tpu.memory_space<vmem>>, vector<16xi32>,
      tpu.vector_store %arg10[%swap3A_85], %mul3A_84 {strides = array<i32>} : memref<528xi32, #tpu.memory_space<vmem>>, vector<16xi32>,
      %get3A_87 = arith.index_cast %mul3A_57 : i32 to index
      %get3A_88 = tpu.vector_load %arg9[%get3A_87] {strides = array<i32>} : memref<528xi32, #tpu.memory_space<vmem>>, vector<16xi32>,
      %jit3A_89 = arith.constant 16 : i32
      %div3A_90 = vector.broadcast %jit3A_89 : i32 to vector<16xi32>
      %div3A_91 = arith.divsi %get3A_88, %div3A_90 : vector<16xi32>
      %sign3A_92 = arith.constant 0 : i32
      %sign3A_93 = vector.broadcast %sign3A_92 : i32 to vector<16xi32>
      %sign3A_94 = arith.cmpi sgt, %get3A_88, %sign3A_93 : vector<16xi32>
      %sign3A_95 = arith.extui %sign3A_94 : vector<16xi1> to vector<16xi32>
      %sign3A_96 = arith.constant 0 : i32
      %sign3A_97 = vector.broadcast %sign3A_96 : i32 to vector<16xi32>
      %sign3A_98 = arith.cmpi slt, %get3A_88, %sign3A_97 : vector<16xi32>
      %sign3A_99 = arith.extui %sign3A_98 : vector<16xi1> to vector<16xi32>
      %sign3A_100 = arith.subi %sign3A_95, %sign3A_99 : vector<16xi32>
      %sign3A_101 = arith.constant 0 : i32
      %sign3A_102 = arith.cmpi sgt, %jit3A_89, %sign3A_101 : i32
      %sign3A_103 = arith.extui %sign3A_102 : i1 to i32
      %sign3A_104 = arith.constant 0 : i32
      %sign3A_105 = arith.cmpi slt, %jit3A_89, %sign3A_104 : i32
      %sign3A_106 = arith.extui %sign3A_105 : i1 to i32
      %sign3A_107 = arith.subi %sign3A_103, %sign3A_106 : i32
      %ne3A_108 = vector.broadcast %sign3A_107 : i32 to vector<16xi32>
      %ne3A_109 = arith.cmpi ne, %sign3A_100, %ne3A_108 : vector<16xi32>
      %rem3A_110 = vector.broadcast %jit3A_89 : i32 to vector<16xi32>
      %rem3A_111 = arith.remsi %get3A_88, %rem3A_110 : vector<16xi32>
      %ne3A_112 = arith.constant 0 : i32
      %ne3A_113 = vector.broadcast %ne3A_112 : i32 to vector<16xi32>
      %ne3A_114 = arith.cmpi ne, %rem3A_111, %ne3A_113 : vector<16xi32>
      %and3A_115 = arith.andi %ne3A_109, %ne3A_114 : vector<16xi1>
      %sub3A_116 = arith.constant 1 : i32
      %sub3A_117 = vector.broadcast %sub3A_116 : i32 to vector<16xi32>
      %sub3A_118 = arith.subi %div3A_91, %sub3A_117 : vector<16xi32>
      %select_n3A_119 = arith.select %and3A_115, %sub3A_118, %div3A_91 : vector<16xi1>, vector<16xi32>
      %mul3A_120 = arith.constant 16 : i32
      %mul3A_121 = vector.broadcast %mul3A_120 : i32 to vector<16xi32>
      %mul3A_122 = arith.muli %select_n3A_119, %mul3A_121 : vector<16xi32>
      %swap3A_123 = arith.index_cast %mul3A_57 : i32 to index
      %swap3A_124 = tpu.vector_load %arg11[%swap3A_123] {strides = array<i32>} : memref<528xi32, #tpu.memory_space<vmem>>, vector<16xi32>,
      tpu.vector_store %arg11[%swap3A_123], %mul3A_122 {strides = array<i32>} : memref<528xi32, #tpu.memory_space<vmem>>, vector<16xi32>,
    }
    %scan3A_36 = arith.constant 33 : i32
    %scan3A_37 = arith.constant 0 : i32
    %scan3A_38 = arith.constant 0 : i32
    %scan3A_39 = arith.constant 16 : i32
    %scan3A_40 = arith.addi %scan3A_38, %scan3A_39 : i32
    %scan3A_41 = arith.constant 1 : i32
    scf.for %scan3A_55 = %scan3A_38 to %scan3A_40 step %scan3A_41  : i32 {
      %add3A_56 = arith.constant 0 : i32
      %add3A_57 = arith.addi %add3A_56, %scan3A_55 : i32
      %get3A = arith.index_cast %add3A_57 : i32 to index
      %get3A_58 = tpu.vector_load %arg10[%get3A] {strides = array<i32>} : memref<528xi32, #tpu.memory_space<vmem>>, vector<16xi32>,
      %slice3A = vector.extract_strided_slice %get3A_58 {offsets = [0], sizes = [1], strides = [1]} : vector<16xi32> to vector<1xi32>
      %squeeze3A = vector.extract %slice3A[0] : i32 from vector<1xi32>
      %multiple_of3A = tpu.assume_multiple %squeeze3A, 16 : i32
      %add3A_59 = arith.constant 0 : i32
      %add3A_60 = arith.addi %add3A_59, %scan3A_55 : i32
      %get3A_61 = arith.index_cast %add3A_60 : i32 to index
      %get3A_62 = tpu.vector_load %arg11[%get3A_61] {strides = array<i32>} : memref<528xi32, #tpu.memory_space<vmem>>, vector<16xi32>,
      %slice3A_63 = vector.extract_strided_slice %get3A_62 {offsets = [0], sizes = [1], strides = [1]} : vector<16xi32> to vector<1xi32>
      %squeeze3A_64 = vector.extract %slice3A_63[0] : i32 from vector<1xi32>
      %multiple_of3A_65 = tpu.assume_multiple %squeeze3A_64, 16 : i32
      %mul3A_66 = arith.constant 16 : i32
      %mul3A_67 = arith.muli %scan3A_55, %mul3A_66 : i32
      %dma_start3A_68 = arith.constant 0 : i32
      %dma_start3A_69 = arith.constant 0 : i32
      %dma_start3A_70 = tpu.memref_slice %arg12[%dma_start3A_68, %dma_start3A_69, %mul3A_67] : memref<4x8x256xf32, #tpu.memory_space<vmem>> -> memref<4x8x16xf32, #tpu.memory_space<vmem>>
      %dma_start3A_71 = arith.constant 0 : i32
      %dma_start3A_72 = arith.constant 0 : i32
      %dma_start3A_73 = tpu.memref_slice %arg4[%dma_start3A_71, %dma_start3A_72, %multiple_of3A] : memref<4x8x1000000xf32, #tpu.memory_space<hbm>> -> memref<4x8x16xf32, #tpu.memory_space<hbm>>
      %dma_start3A_74 = arith.constant 0 : i32
      %dma_start3A_75 = arith.constant 0 : i32
      %dma_start3A_76 = tpu.memref_slice %arg12[%dma_start3A_74, %dma_start3A_75, %mul3A_67] : memref<4x8x256xf32, #tpu.memory_space<vmem>> -> memref<4x8x16xf32, #tpu.memory_space<vmem>>
      %dma_start3A_77 = arith.constant 0 : i32
      %dma_start3A_78 = arith.constant 0 : i32
      %dma_start3A_79 = tpu.memref_slice %arg4[%dma_start3A_77, %dma_start3A_78, %multiple_of3A] : memref<4x8x1000000xf32, #tpu.memory_space<hbm>> -> memref<4x8x16xf32, #tpu.memory_space<hbm>>
      tpu.enqueue_dma source(%dma_start3A_79 : memref<4x8x16xf32, #tpu.memory_space<hbm>>) target(%dma_start3A_76 : memref<4x8x16xf32, #tpu.memory_space<vmem>>) target_semaphore(%arg18 : memref<!tpu.dma_semaphore, #tpu.memory_space<semaphore_mem>>)
      %mul3A_80 = arith.constant 16 : i32
      %mul3A_81 = arith.muli %scan3A_55, %mul3A_80 : i32
      %dma_start3A_82 = arith.constant 0 : i32
      %dma_start3A_83 = arith.constant 0 : i32
      %dma_start3A_84 = tpu.memref_slice %arg14[%dma_start3A_82, %dma_start3A_83, %mul3A_81] : memref<4x8x256xf32, #tpu.memory_space<vmem>> -> memref<4x8x16xf32, #tpu.memory_space<vmem>>
      %dma_start3A_85 = arith.constant 0 : i32
      %dma_start3A_86 = arith.constant 0 : i32
      %dma_start3A_87 = tpu.memref_slice %arg5[%dma_start3A_85, %dma_start3A_86, %multiple_of3A_65] : memref<4x8x100000xf32, #tpu.memory_space<hbm>> -> memref<4x8x16xf32, #tpu.memory_space<hbm>>
      %dma_start3A_88 = arith.constant 0 : i32
      %dma_start3A_89 = arith.constant 0 : i32
      %dma_start3A_90 = tpu.memref_slice %arg14[%dma_start3A_88, %dma_start3A_89, %mul3A_81] : memref<4x8x256xf32, #tpu.memory_space<vmem>> -> memref<4x8x16xf32, #tpu.memory_space<vmem>>
      %dma_start3A_91 = arith.constant 0 : i32
      %dma_start3A_92 = arith.constant 0 : i32
      %dma_start3A_93 = tpu.memref_slice %arg5[%dma_start3A_91, %dma_start3A_92, %multiple_of3A_65] : memref<4x8x100000xf32, #tpu.memory_space<hbm>> -> memref<4x8x16xf32, #tpu.memory_space<hbm>>
      tpu.enqueue_dma source(%dma_start3A_93 : memref<4x8x16xf32, #tpu.memory_space<hbm>>) target(%dma_start3A_90 : memref<4x8x16xf32, #tpu.memory_space<vmem>>) target_semaphore(%arg20 : memref<!tpu.dma_semaphore, #tpu.memory_space<semaphore_mem>>)
    }
    %scan3A_42 = arith.constant 16 : i32
    %scan3A_43 = arith.constant 0 : i32
    %scan3A_44 = arith.constant 0 : i32
    %scan3A_45 = arith.constant 16 : i32
    %scan3A_46 = arith.addi %scan3A_44, %scan3A_45 : i32
    %scan3A_47 = arith.constant 1 : i32
    scf.for %scan3A_55 = %scan3A_44 to %scan3A_46 step %scan3A_47  : i32 {
      %add3A_56 = arith.constant 16 : i32
      %add3A_57 = arith.addi %add3A_56, %scan3A_55 : i32
      %get3A = arith.index_cast %add3A_57 : i32 to index
      %get3A_58 = tpu.vector_load %arg10[%get3A] {strides = array<i32>} : memref<528xi32, #tpu.memory_space<vmem>>, vector<16xi32>,
      %slice3A = vector.extract_strided_slice %get3A_58 {offsets = [0], sizes = [1], strides = [1]} : vector<16xi32> to vector<1xi32>
      %squeeze3A = vector.extract %slice3A[0] : i32 from vector<1xi32>
      %multiple_of3A = tpu.assume_multiple %squeeze3A, 16 : i32
      %add3A_59 = arith.constant 16 : i32
      %add3A_60 = arith.addi %add3A_59, %scan3A_55 : i32
      %get3A_61 = arith.index_cast %add3A_60 : i32 to index
      %get3A_62 = tpu.vector_load %arg11[%get3A_61] {strides = array<i32>} : memref<528xi32, #tpu.memory_space<vmem>>, vector<16xi32>,
      %slice3A_63 = vector.extract_strided_slice %get3A_62 {offsets = [0], sizes = [1], strides = [1]} : vector<16xi32> to vector<1xi32>
      %squeeze3A_64 = vector.extract %slice3A_63[0] : i32 from vector<1xi32>
      %multiple_of3A_65 = tpu.assume_multiple %squeeze3A_64, 16 : i32
      %mul3A_66 = arith.constant 16 : i32
      %mul3A_67 = arith.muli %scan3A_55, %mul3A_66 : i32
      %dma_start3A_68 = arith.constant 0 : i32
      %dma_start3A_69 = arith.constant 0 : i32
      %dma_start3A_70 = tpu.memref_slice %arg13[%dma_start3A_68, %dma_start3A_69, %mul3A_67] : memref<4x8x256xf32, #tpu.memory_space<vmem>> -> memref<4x8x16xf32, #tpu.memory_space<vmem>>
      %dma_start3A_71 = arith.constant 0 : i32
      %dma_start3A_72 = arith.constant 0 : i32
      %dma_start3A_73 = tpu.memref_slice %arg4[%dma_start3A_71, %dma_start3A_72, %multiple_of3A] : memref<4x8x1000000xf32, #tpu.memory_space<hbm>> -> memref<4x8x16xf32, #tpu.memory_space<hbm>>
      %dma_start3A_74 = arith.constant 0 : i32
      %dma_start3A_75 = arith.constant 0 : i32
      %dma_start3A_76 = tpu.memref_slice %arg13[%dma_start3A_74, %dma_start3A_75, %mul3A_67] : memref<4x8x256xf32, #tpu.memory_space<vmem>> -> memref<4x8x16xf32, #tpu.memory_space<vmem>>
      %dma_start3A_77 = arith.constant 0 : i32
      %dma_start3A_78 = arith.constant 0 : i32
      %dma_start3A_79 = tpu.memref_slice %arg4[%dma_start3A_77, %dma_start3A_78, %multiple_of3A] : memref<4x8x1000000xf32, #tpu.memory_space<hbm>> -> memref<4x8x16xf32, #tpu.memory_space<hbm>>
      tpu.enqueue_dma source(%dma_start3A_79 : memref<4x8x16xf32, #tpu.memory_space<hbm>>) target(%dma_start3A_76 : memref<4x8x16xf32, #tpu.memory_space<vmem>>) target_semaphore(%arg19 : memref<!tpu.dma_semaphore, #tpu.memory_space<semaphore_mem>>)
      %mul3A_80 = arith.constant 16 : i32
      %mul3A_81 = arith.muli %scan3A_55, %mul3A_80 : i32
      %dma_start3A_82 = arith.constant 0 : i32
      %dma_start3A_83 = arith.constant 0 : i32
      %dma_start3A_84 = tpu.memref_slice %arg15[%dma_start3A_82, %dma_start3A_83, %mul3A_81] : memref<4x8x256xf32, #tpu.memory_space<vmem>> -> memref<4x8x16xf32, #tpu.memory_space<vmem>>
      %dma_start3A_85 = arith.constant 0 : i32
      %dma_start3A_86 = arith.constant 0 : i32
      %dma_start3A_87 = tpu.memref_slice %arg5[%dma_start3A_85, %dma_start3A_86, %multiple_of3A_65] : memref<4x8x100000xf32, #tpu.memory_space<hbm>> -> memref<4x8x16xf32, #tpu.memory_space<hbm>>
      %dma_start3A_88 = arith.constant 0 : i32
      %dma_start3A_89 = arith.constant 0 : i32
      %dma_start3A_90 = tpu.memref_slice %arg15[%dma_start3A_88, %dma_start3A_89, %mul3A_81] : memref<4x8x256xf32, #tpu.memory_space<vmem>> -> memref<4x8x16xf32, #tpu.memory_space<vmem>>
      %dma_start3A_91 = arith.constant 0 : i32
      %dma_start3A_92 = arith.constant 0 : i32
      %dma_start3A_93 = tpu.memref_slice %arg5[%dma_start3A_91, %dma_start3A_92, %multiple_of3A_65] : memref<4x8x100000xf32, #tpu.memory_space<hbm>> -> memref<4x8x16xf32, #tpu.memory_space<hbm>>
      tpu.enqueue_dma source(%dma_start3A_93 : memref<4x8x16xf32, #tpu.memory_space<hbm>>) target(%dma_start3A_90 : memref<4x8x16xf32, #tpu.memory_space<vmem>>) target_semaphore(%arg21 : memref<!tpu.dma_semaphore, #tpu.memory_space<semaphore_mem>>)
    }
    %scan3A_48 = arith.constant 16 : i32
    %scan3A_49 = arith.constant 0 : i32
    %scan3A_50 = arith.constant 0 : i32
    %scan3A_51 = arith.constant 16 : i32
    %scan3A_52 = arith.addi %scan3A_50, %scan3A_51 : i32
    %scan3A_53 = arith.constant 1 : i32
    scf.for %scan3A_55 = %scan3A_50 to %scan3A_52 step %scan3A_53  : i32 {
      %mul3A_56 = arith.constant 2 : i32
      %mul3A_57 = arith.muli %scan3A_55, %mul3A_56 : i32
      %add3A_58 = arith.constant 0 : i32
      %add3A_59 = arith.addi %mul3A_57, %add3A_58 : i32
      %dma_wait3A_60 = arith.constant 0 : i32
      %dma_wait3A_61 = arith.constant 0 : i32
      %dma_wait3A_62 = arith.constant 0 : i32
      %dma_wait3A_63 = tpu.memref_slice %arg4[%dma_wait3A_60, %dma_wait3A_61, %dma_wait3A_62] : memref<4x8x1000000xf32, #tpu.memory_space<hbm>> -> memref<4x8x256xf32, #tpu.memory_space<hbm>>
      %dma_wait3A_64 = arith.constant 0 : i32
      %dma_wait3A_65 = arith.constant 0 : i32
      %dma_wait3A_66 = arith.constant 0 : i32
      %dma_wait3A_67 = tpu.memref_slice %arg4[%dma_wait3A_64, %dma_wait3A_65, %dma_wait3A_66] : memref<4x8x1000000xf32, #tpu.memory_space<hbm>> -> memref<4x8x256xf32, #tpu.memory_space<hbm>>
      tpu.wait_dma2 semaphore(%arg18 : memref<!tpu.dma_semaphore, #tpu.memory_space<semaphore_mem>>) src(%dma_wait3A_67 : memref<4x8x256xf32, #tpu.memory_space<hbm>>) dst(%arg12 : memref<4x8x256xf32, #tpu.memory_space<vmem>>)
      %dma_wait3A_68 = arith.constant 0 : i32
      %dma_wait3A_69 = arith.constant 0 : i32
      %dma_wait3A_70 = arith.constant 0 : i32
      %dma_wait3A_71 = tpu.memref_slice %arg4[%dma_wait3A_68, %dma_wait3A_69, %dma_wait3A_70] : memref<4x8x1000000xf32, #tpu.memory_space<hbm>> -> memref<4x8x256xf32, #tpu.memory_space<hbm>>
      %dma_wait3A_72 = arith.constant 0 : i32
      %dma_wait3A_73 = arith.constant 0 : i32
      %dma_wait3A_74 = arith.constant 0 : i32
      %dma_wait3A_75 = tpu.memref_slice %arg4[%dma_wait3A_72, %dma_wait3A_73, %dma_wait3A_74] : memref<4x8x1000000xf32, #tpu.memory_space<hbm>> -> memref<4x8x256xf32, #tpu.memory_space<hbm>>
      tpu.wait_dma2 semaphore(%arg20 : memref<!tpu.dma_semaphore, #tpu.memory_space<semaphore_mem>>) src(%dma_wait3A_75 : memref<4x8x256xf32, #tpu.memory_space<hbm>>) dst(%arg14 : memref<4x8x256xf32, #tpu.memory_space<vmem>>)
      %mul3A_76 = arith.constant 16 : i32
      %mul3A_77 = arith.muli %add3A_59, %mul3A_76 : i32
      %get3A = arith.index_cast %mul3A_77 : i32 to index
      %get3A_78 = tpu.vector_load %arg8[%get3A] {strides = array<i32>} : memref<528xi32, #tpu.memory_space<vmem>>, vector<16xi32>,
      %mul3A_79 = arith.constant 16 : i32
      %mul3A_80 = arith.muli %add3A_59, %mul3A_79 : i32
      %get3A_81 = arith.index_cast %mul3A_80 : i32 to index
      %get3A_82 = tpu.vector_load %arg9[%get3A_81] {strides = array<i32>} : memref<528xi32, #tpu.memory_space<vmem>>, vector<16xi32>,
      %rem3A = arith.constant 16 : i32
      %rem3A_83 = vector.broadcast %rem3A : i32 to vector<16xi32>
      %rem3A_84 = arith.remsi %get3A_78, %rem3A_83 : vector<16xi32>
      %add3A_85 = arith.addi %mul3A_31, %rem3A_84 : vector<16xi32>
      %rem3A_86 = arith.constant 16 : i32
      %rem3A_87 = vector.broadcast %rem3A_86 : i32 to vector<16xi32>
      %rem3A_88 = arith.remsi %get3A_82, %rem3A_87 : vector<16xi32>
      %add3A_89 = arith.addi %mul3A_31, %rem3A_88 : vector<16xi32>
      %scan3A_90 = arith.constant 0 : i32
      %scan3A_91 = arith.constant 0 : i32
      %scan3A_92 = arith.constant 4 : i32
      %scan3A_93 = arith.addi %scan3A_91, %scan3A_92 : i32
      %scan3A_94 = arith.constant 1 : i32
      scf.for %scan3A_149 = %scan3A_91 to %scan3A_93 step %scan3A_94  : i32 {
        %broadcast_in_dim3A_150 = vector.broadcast %scan3A_149 : i32 to vector<16xi32>
        %broadcast_in_dim3A_151 = arith.constant 0 : i32
        %broadcast_in_dim3A_152 = vector.broadcast %broadcast_in_dim3A_151 : i32 to vector<16xi32>
        %gather3A = tpu.vector_load_idx %arg12[%broadcast_in_dim3A_150, %broadcast_in_dim3A_152, %add3A_85] : memref<4x8x256xf32, #tpu.memory_space<vmem>>[vector<16xi32>, vector<16xi32>, vector<16xi32>], vector<16xf32>,
        %gather3A_153 = tpu.vector_load_idx %arg14[%broadcast_in_dim3A_150, %broadcast_in_dim3A_152, %add3A_89] : memref<4x8x256xf32, #tpu.memory_space<vmem>>[vector<16xi32>, vector<16xi32>, vector<16xi32>], vector<16xf32>,
        %mul3A_154 = arith.constant 16 : i32
        %mul3A_155 = arith.muli %add3A_59, %mul3A_154 : i32
        %swap3A_156 = arith.constant 0 : i32
        %swap3A_157 = arith.index_cast %scan3A_149 : i32 to index
        %swap3A_158 = arith.index_cast %swap3A_156 : i32 to index
        %swap3A_159 = arith.index_cast %mul3A_155 : i32 to index
        %swap3A_160 = tpu.vector_load %arg16[%swap3A_157, %swap3A_158, %swap3A_159] {strides = array<i32>} : memref<4x8x512xf32, #tpu.memory_space<vmem>>, vector<16xf32>,
        tpu.vector_store %arg16[%swap3A_157, %swap3A_158, %swap3A_159], %gather3A {strides = array<i32>} : memref<4x8x512xf32, #tpu.memory_space<vmem>>, vector<16xf32>,
        %mul3A_161 = arith.constant 16 : i32
        %mul3A_162 = arith.muli %add3A_59, %mul3A_161 : i32
        %swap3A_163 = arith.constant 0 : i32
        %swap3A_164 = arith.index_cast %scan3A_149 : i32 to index
        %swap3A_165 = arith.index_cast %swap3A_163 : i32 to index
        %swap3A_166 = arith.index_cast %mul3A_162 : i32 to index
        %swap3A_167 = tpu.vector_load %arg17[%swap3A_164, %swap3A_165, %swap3A_166] {strides = array<i32>} : memref<4x8x512xf32, #tpu.memory_space<vmem>>, vector<16xf32>,
        tpu.vector_store %arg17[%swap3A_164, %swap3A_165, %swap3A_166], %gather3A_153 {strides = array<i32>} : memref<4x8x512xf32, #tpu.memory_space<vmem>>, vector<16xf32>,
        %broadcast_in_dim3A_168 = arith.constant 1 : i32
        %broadcast_in_dim3A_169 = vector.broadcast %broadcast_in_dim3A_168 : i32 to vector<16xi32>
        %gather3A_170 = tpu.vector_load_idx %arg12[%broadcast_in_dim3A_150, %broadcast_in_dim3A_169, %add3A_85] : memref<4x8x256xf32, #tpu.memory_space<vmem>>[vector<16xi32>, vector<16xi32>, vector<16xi32>], vector<16xf32>,
        %gather3A_171 = tpu.vector_load_idx %arg14[%broadcast_in_dim3A_150, %broadcast_in_dim3A_169, %add3A_89] : memref<4x8x256xf32, #tpu.memory_space<vmem>>[vector<16xi32>, vector<16xi32>, vector<16xi32>], vector<16xf32>,
        %mul3A_172 = arith.constant 16 : i32
        %mul3A_173 = arith.muli %add3A_59, %mul3A_172 : i32
        %swap3A_174 = arith.constant 1 : i32
        %swap3A_175 = arith.index_cast %scan3A_149 : i32 to index
        %swap3A_176 = arith.index_cast %swap3A_174 : i32 to index
        %swap3A_177 = arith.index_cast %mul3A_173 : i32 to index
        %swap3A_178 = tpu.vector_load %arg16[%swap3A_175, %swap3A_176, %swap3A_177] {strides = array<i32>} : memref<4x8x512xf32, #tpu.memory_space<vmem>>, vector<16xf32>,
        tpu.vector_store %arg16[%swap3A_175, %swap3A_176, %swap3A_177], %gather3A_170 {strides = array<i32>} : memref<4x8x512xf32, #tpu.memory_space<vmem>>, vector<16xf32>,
        %mul3A_179 = arith.constant 16 : i32
        %mul3A_180 = arith.muli %add3A_59, %mul3A_179 : i32
        %swap3A_181 = arith.constant 1 : i32
        %swap3A_182 = arith.index_cast %scan3A_149 : i32 to index
        %swap3A_183 = arith.index_cast %swap3A_181 : i32 to index
        %swap3A_184 = arith.index_cast %mul3A_180 : i32 to index
        %swap3A_185 = tpu.vector_load %arg17[%swap3A_182, %swap3A_183, %swap3A_184] {strides = array<i32>} : memref<4x8x512xf32, #tpu.memory_space<vmem>>, vector<16xf32>,
        tpu.vector_store %arg17[%swap3A_182, %swap3A_183, %swap3A_184], %gather3A_171 {strides = array<i32>} : memref<4x8x512xf32, #tpu.memory_space<vmem>>, vector<16xf32>,
        %broadcast_in_dim3A_186 = arith.constant 2 : i32
        %broadcast_in_dim3A_187 = vector.broadcast %broadcast_in_dim3A_186 : i32 to vector<16xi32>
        %gather3A_188 = tpu.vector_load_idx %arg12[%broadcast_in_dim3A_150, %broadcast_in_dim3A_187, %add3A_85] : memref<4x8x256xf32, #tpu.memory_space<vmem>>[vector<16xi32>, vector<16xi32>, vector<16xi32>], vector<16xf32>,
        %gather3A_189 = tpu.vector_load_idx %arg14[%broadcast_in_dim3A_150, %broadcast_in_dim3A_187, %add3A_89] : memref<4x8x256xf32, #tpu.memory_space<vmem>>[vector<16xi32>, vector<16xi32>, vector<16xi32>], vector<16xf32>,
        %mul3A_190 = arith.constant 16 : i32
        %mul3A_191 = arith.muli %add3A_59, %mul3A_190 : i32
        %swap3A_192 = arith.constant 2 : i32
        %swap3A_193 = arith.index_cast %scan3A_149 : i32 to index
        %swap3A_194 = arith.index_cast %swap3A_192 : i32 to index
        %swap3A_195 = arith.index_cast %mul3A_191 : i32 to index
        %swap3A_196 = tpu.vector_load %arg16[%swap3A_193, %swap3A_194, %swap3A_195] {strides = array<i32>} : memref<4x8x512xf32, #tpu.memory_space<vmem>>, vector<16xf32>,
        tpu.vector_store %arg16[%swap3A_193, %swap3A_194, %swap3A_195], %gather3A_188 {strides = array<i32>} : memref<4x8x512xf32, #tpu.memory_space<vmem>>, vector<16xf32>,
        %mul3A_197 = arith.constant 16 : i32
        %mul3A_198 = arith.muli %add3A_59, %mul3A_197 : i32
        %swap3A_199 = arith.constant 2 : i32
        %swap3A_200 = arith.index_cast %scan3A_149 : i32 to index
        %swap3A_201 = arith.index_cast %swap3A_199 : i32 to index
        %swap3A_202 = arith.index_cast %mul3A_198 : i32 to index
        %swap3A_203 = tpu.vector_load %arg17[%swap3A_200, %swap3A_201, %swap3A_202] {strides = array<i32>} : memref<4x8x512xf32, #tpu.memory_space<vmem>>, vector<16xf32>,
        tpu.vector_store %arg17[%swap3A_200, %swap3A_201, %swap3A_202], %gather3A_189 {strides = array<i32>} : memref<4x8x512xf32, #tpu.memory_space<vmem>>, vector<16xf32>,
        %broadcast_in_dim3A_204 = arith.constant 3 : i32
        %broadcast_in_dim3A_205 = vector.broadcast %broadcast_in_dim3A_204 : i32 to vector<16xi32>
        %gather3A_206 = tpu.vector_load_idx %arg12[%broadcast_in_dim3A_150, %broadcast_in_dim3A_205, %add3A_85] : memref<4x8x256xf32, #tpu.memory_space<vmem>>[vector<16xi32>, vector<16xi32>, vector<16xi32>], vector<16xf32>,
        %gather3A_207 = tpu.vector_load_idx %arg14[%broadcast_in_dim3A_150, %broadcast_in_dim3A_205, %add3A_89] : memref<4x8x256xf32, #tpu.memory_space<vmem>>[vector<16xi32>, vector<16xi32>, vector<16xi32>], vector<16xf32>,
        %mul3A_208 = arith.constant 16 : i32
        %mul3A_209 = arith.muli %add3A_59, %mul3A_208 : i32
        %swap3A_210 = arith.constant 3 : i32
        %swap3A_211 = arith.index_cast %scan3A_149 : i32 to index
        %swap3A_212 = arith.index_cast %swap3A_210 : i32 to index
        %swap3A_213 = arith.index_cast %mul3A_209 : i32 to index
        %swap3A_214 = tpu.vector_load %arg16[%swap3A_211, %swap3A_212, %swap3A_213] {strides = array<i32>} : memref<4x8x512xf32, #tpu.memory_space<vmem>>, vector<16xf32>,
        tpu.vector_store %arg16[%swap3A_211, %swap3A_212, %swap3A_213], %gather3A_206 {strides = array<i32>} : memref<4x8x512xf32, #tpu.memory_space<vmem>>, vector<16xf32>,
        %mul3A_215 = arith.constant 16 : i32
        %mul3A_216 = arith.muli %add3A_59, %mul3A_215 : i32
        %swap3A_217 = arith.constant 3 : i32
        %swap3A_218 = arith.index_cast %scan3A_149 : i32 to index
        %swap3A_219 = arith.index_cast %swap3A_217 : i32 to index
        %swap3A_220 = arith.index_cast %mul3A_216 : i32 to index
        %swap3A_221 = tpu.vector_load %arg17[%swap3A_218, %swap3A_219, %swap3A_220] {strides = array<i32>} : memref<4x8x512xf32, #tpu.memory_space<vmem>>, vector<16xf32>,
        tpu.vector_store %arg17[%swap3A_218, %swap3A_219, %swap3A_220], %gather3A_207 {strides = array<i32>} : memref<4x8x512xf32, #tpu.memory_space<vmem>>, vector<16xf32>,
        %broadcast_in_dim3A_222 = arith.constant 4 : i32
        %broadcast_in_dim3A_223 = vector.broadcast %broadcast_in_dim3A_222 : i32 to vector<16xi32>
        %gather3A_224 = tpu.vector_load_idx %arg12[%broadcast_in_dim3A_150, %broadcast_in_dim3A_223, %add3A_85] : memref<4x8x256xf32, #tpu.memory_space<vmem>>[vector<16xi32>, vector<16xi32>, vector<16xi32>], vector<16xf32>,
        %gather3A_225 = tpu.vector_load_idx %arg14[%broadcast_in_dim3A_150, %broadcast_in_dim3A_223, %add3A_89] : memref<4x8x256xf32, #tpu.memory_space<vmem>>[vector<16xi32>, vector<16xi32>, vector<16xi32>], vector<16xf32>,
        %mul3A_226 = arith.constant 16 : i32
        %mul3A_227 = arith.muli %add3A_59, %mul3A_226 : i32
        %swap3A_228 = arith.constant 4 : i32
        %swap3A_229 = arith.index_cast %scan3A_149 : i32 to index
        %swap3A_230 = arith.index_cast %swap3A_228 : i32 to index
        %swap3A_231 = arith.index_cast %mul3A_227 : i32 to index
        %swap3A_232 = tpu.vector_load %arg16[%swap3A_229, %swap3A_230, %swap3A_231] {strides = array<i32>} : memref<4x8x512xf32, #tpu.memory_space<vmem>>, vector<16xf32>,
        tpu.vector_store %arg16[%swap3A_229, %swap3A_230, %swap3A_231], %gather3A_224 {strides = array<i32>} : memref<4x8x512xf32, #tpu.memory_space<vmem>>, vector<16xf32>,
        %mul3A_233 = arith.constant 16 : i32
        %mul3A_234 = arith.muli %add3A_59, %mul3A_233 : i32
        %swap3A_235 = arith.constant 4 : i32
        %swap3A_236 = arith.index_cast %scan3A_149 : i32 to index
        %swap3A_237 = arith.index_cast %swap3A_235 : i32 to index
        %swap3A_238 = arith.index_cast %mul3A_234 : i32 to index
        %swap3A_239 = tpu.vector_load %arg17[%swap3A_236, %swap3A_237, %swap3A_238] {strides = array<i32>} : memref<4x8x512xf32, #tpu.memory_space<vmem>>, vector<16xf32>,
        tpu.vector_store %arg17[%swap3A_236, %swap3A_237, %swap3A_238], %gather3A_225 {strides = array<i32>} : memref<4x8x512xf32, #tpu.memory_space<vmem>>, vector<16xf32>,
        %broadcast_in_dim3A_240 = arith.constant 5 : i32
        %broadcast_in_dim3A_241 = vector.broadcast %broadcast_in_dim3A_240 : i32 to vector<16xi32>
        %gather3A_242 = tpu.vector_load_idx %arg12[%broadcast_in_dim3A_150, %broadcast_in_dim3A_241, %add3A_85] : memref<4x8x256xf32, #tpu.memory_space<vmem>>[vector<16xi32>, vector<16xi32>, vector<16xi32>], vector<16xf32>,
        %gather3A_243 = tpu.vector_load_idx %arg14[%broadcast_in_dim3A_150, %broadcast_in_dim3A_241, %add3A_89] : memref<4x8x256xf32, #tpu.memory_space<vmem>>[vector<16xi32>, vector<16xi32>, vector<16xi32>], vector<16xf32>,
        %mul3A_244 = arith.constant 16 : i32
        %mul3A_245 = arith.muli %add3A_59, %mul3A_244 : i32
        %swap3A_246 = arith.constant 5 : i32
        %swap3A_247 = arith.index_cast %scan3A_149 : i32 to index
        %swap3A_248 = arith.index_cast %swap3A_246 : i32 to index
        %swap3A_249 = arith.index_cast %mul3A_245 : i32 to index
        %swap3A_250 = tpu.vector_load %arg16[%swap3A_247, %swap3A_248, %swap3A_249] {strides = array<i32>} : memref<4x8x512xf32, #tpu.memory_space<vmem>>, vector<16xf32>,
        tpu.vector_store %arg16[%swap3A_247, %swap3A_248, %swap3A_249], %gather3A_242 {strides = array<i32>} : memref<4x8x512xf32, #tpu.memory_space<vmem>>, vector<16xf32>,
        %mul3A_251 = arith.constant 16 : i32
        %mul3A_252 = arith.muli %add3A_59, %mul3A_251 : i32
        %swap3A_253 = arith.constant 5 : i32
        %swap3A_254 = arith.index_cast %scan3A_149 : i32 to index
        %swap3A_255 = arith.index_cast %swap3A_253 : i32 to index
        %swap3A_256 = arith.index_cast %mul3A_252 : i32 to index
        %swap3A_257 = tpu.vector_load %arg17[%swap3A_254, %swap3A_255, %swap3A_256] {strides = array<i32>} : memref<4x8x512xf32, #tpu.memory_space<vmem>>, vector<16xf32>,
        tpu.vector_store %arg17[%swap3A_254, %swap3A_255, %swap3A_256], %gather3A_243 {strides = array<i32>} : memref<4x8x512xf32, #tpu.memory_space<vmem>>, vector<16xf32>,
        %broadcast_in_dim3A_258 = arith.constant 6 : i32
        %broadcast_in_dim3A_259 = vector.broadcast %broadcast_in_dim3A_258 : i32 to vector<16xi32>
        %gather3A_260 = tpu.vector_load_idx %arg12[%broadcast_in_dim3A_150, %broadcast_in_dim3A_259, %add3A_85] : memref<4x8x256xf32, #tpu.memory_space<vmem>>[vector<16xi32>, vector<16xi32>, vector<16xi32>], vector<16xf32>,
        %gather3A_261 = tpu.vector_load_idx %arg14[%broadcast_in_dim3A_150, %broadcast_in_dim3A_259, %add3A_89] : memref<4x8x256xf32, #tpu.memory_space<vmem>>[vector<16xi32>, vector<16xi32>, vector<16xi32>], vector<16xf32>,
        %mul3A_262 = arith.constant 16 : i32
        %mul3A_263 = arith.muli %add3A_59, %mul3A_262 : i32
        %swap3A_264 = arith.constant 6 : i32
        %swap3A_265 = arith.index_cast %scan3A_149 : i32 to index
        %swap3A_266 = arith.index_cast %swap3A_264 : i32 to index
        %swap3A_267 = arith.index_cast %mul3A_263 : i32 to index
        %swap3A_268 = tpu.vector_load %arg16[%swap3A_265, %swap3A_266, %swap3A_267] {strides = array<i32>} : memref<4x8x512xf32, #tpu.memory_space<vmem>>, vector<16xf32>,
        tpu.vector_store %arg16[%swap3A_265, %swap3A_266, %swap3A_267], %gather3A_260 {strides = array<i32>} : memref<4x8x512xf32, #tpu.memory_space<vmem>>, vector<16xf32>,
        %mul3A_269 = arith.constant 16 : i32
        %mul3A_270 = arith.muli %add3A_59, %mul3A_269 : i32
        %swap3A_271 = arith.constant 6 : i32
        %swap3A_272 = arith.index_cast %scan3A_149 : i32 to index
        %swap3A_273 = arith.index_cast %swap3A_271 : i32 to index
        %swap3A_274 = arith.index_cast %mul3A_270 : i32 to index
        %swap3A_275 = tpu.vector_load %arg17[%swap3A_272, %swap3A_273, %swap3A_274] {strides = array<i32>} : memref<4x8x512xf32, #tpu.memory_space<vmem>>, vector<16xf32>,
        tpu.vector_store %arg17[%swap3A_272, %swap3A_273, %swap3A_274], %gather3A_261 {strides = array<i32>} : memref<4x8x512xf32, #tpu.memory_space<vmem>>, vector<16xf32>,
        %broadcast_in_dim3A_276 = arith.constant 7 : i32
        %broadcast_in_dim3A_277 = vector.broadcast %broadcast_in_dim3A_276 : i32 to vector<16xi32>
        %gather3A_278 = tpu.vector_load_idx %arg12[%broadcast_in_dim3A_150, %broadcast_in_dim3A_277, %add3A_85] : memref<4x8x256xf32, #tpu.memory_space<vmem>>[vector<16xi32>, vector<16xi32>, vector<16xi32>], vector<16xf32>,
        %gather3A_279 = tpu.vector_load_idx %arg14[%broadcast_in_dim3A_150, %broadcast_in_dim3A_277, %add3A_89] : memref<4x8x256xf32, #tpu.memory_space<vmem>>[vector<16xi32>, vector<16xi32>, vector<16xi32>], vector<16xf32>,
        %mul3A_280 = arith.constant 16 : i32
        %mul3A_281 = arith.muli %add3A_59, %mul3A_280 : i32
        %swap3A_282 = arith.constant 7 : i32
        %swap3A_283 = arith.index_cast %scan3A_149 : i32 to index
        %swap3A_284 = arith.index_cast %swap3A_282 : i32 to index
        %swap3A_285 = arith.index_cast %mul3A_281 : i32 to index
        %swap3A_286 = tpu.vector_load %arg16[%swap3A_283, %swap3A_284, %swap3A_285] {strides = array<i32>} : memref<4x8x512xf32, #tpu.memory_space<vmem>>, vector<16xf32>,
        tpu.vector_store %arg16[%swap3A_283, %swap3A_284, %swap3A_285], %gather3A_278 {strides = array<i32>} : memref<4x8x512xf32, #tpu.memory_space<vmem>>, vector<16xf32>,
        %mul3A_287 = arith.constant 16 : i32
        %mul3A_288 = arith.muli %add3A_59, %mul3A_287 : i32
        %swap3A_289 = arith.constant 7 : i32
        %swap3A_290 = arith.index_cast %scan3A_149 : i32 to index
        %swap3A_291 = arith.index_cast %swap3A_289 : i32 to index
        %swap3A_292 = arith.index_cast %mul3A_288 : i32 to index
        %swap3A_293 = tpu.vector_load %arg17[%swap3A_290, %swap3A_291, %swap3A_292] {strides = array<i32>} : memref<4x8x512xf32, #tpu.memory_space<vmem>>, vector<16xf32>,
        tpu.vector_store %arg17[%swap3A_290, %swap3A_291, %swap3A_292], %gather3A_279 {strides = array<i32>} : memref<4x8x512xf32, #tpu.memory_space<vmem>>, vector<16xf32>,
      }
      %scan3A_95 = arith.constant 4 : i32
      %add3A_96 = arith.constant 2 : i32
      %add3A_97 = arith.addi %add3A_59, %add3A_96 : i32
      %lt3A = arith.constant 32 : i32
      %lt3A_98 = arith.cmpi slt, %add3A_97, %lt3A : i32
      %convert_element_type3A = arith.extui %lt3A_98 : i1 to i32
      %cond3A = arith.constant 0 : i32
      %cond3A_99 = arith.cmpi ne, %convert_element_type3A, %cond3A : i32
      scf.if %cond3A_99 {
        %scan3A_149 = arith.constant 0 : i32
        %scan3A_150 = arith.constant 0 : i32
        %scan3A_151 = arith.constant 16 : i32
        %scan3A_152 = arith.addi %scan3A_150, %scan3A_151 : i32
        %scan3A_153 = arith.constant 1 : i32
        scf.for %scan3A_155 = %scan3A_150 to %scan3A_152 step %scan3A_153  : i32 {
          %mul3A_156 = arith.constant 16 : i32
          %mul3A_157 = arith.muli %add3A_97, %mul3A_156 : i32
          %add3A_158 = arith.addi %mul3A_157, %scan3A_155 : i32
          %get3A_159 = arith.index_cast %add3A_158 : i32 to index
          %get3A_160 = tpu.vector_load %arg10[%get3A_159] {strides = array<i32>} : memref<528xi32, #tpu.memory_space<vmem>>, vector<16xi32>,
          %slice3A = vector.extract_strided_slice %get3A_160 {offsets = [0], sizes = [1], strides = [1]} : vector<16xi32> to vector<1xi32>
          %squeeze3A = vector.extract %slice3A[0] : i32 from vector<1xi32>
          %multiple_of3A = tpu.assume_multiple %squeeze3A, 16 : i32
          %mul3A_161 = arith.constant 16 : i32
          %mul3A_162 = arith.muli %add3A_97, %mul3A_161 : i32
          %add3A_163 = arith.addi %mul3A_162, %scan3A_155 : i32
          %get3A_164 = arith.index_cast %add3A_163 : i32 to index
          %get3A_165 = tpu.vector_load %arg11[%get3A_164] {strides = array<i32>} : memref<528xi32, #tpu.memory_space<vmem>>, vector<16xi32>,
          %slice3A_166 = vector.extract_strided_slice %get3A_165 {offsets = [0], sizes = [1], strides = [1]} : vector<16xi32> to vector<1xi32>
          %squeeze3A_167 = vector.extract %slice3A_166[0] : i32 from vector<1xi32>
          %multiple_of3A_168 = tpu.assume_multiple %squeeze3A_167, 16 : i32
          %mul3A_169 = arith.constant 16 : i32
          %mul3A_170 = arith.muli %scan3A_155, %mul3A_169 : i32
          %dma_start3A_171 = arith.constant 0 : i32
          %dma_start3A_172 = arith.constant 0 : i32
          %dma_start3A_173 = tpu.memref_slice %arg12[%dma_start3A_171, %dma_start3A_172, %mul3A_170] : memref<4x8x256xf32, #tpu.memory_space<vmem>> -> memref<4x8x16xf32, #tpu.memory_space<vmem>>
          %dma_start3A_174 = arith.constant 0 : i32
          %dma_start3A_175 = arith.constant 0 : i32
          %dma_start3A_176 = tpu.memref_slice %arg4[%dma_start3A_174, %dma_start3A_175, %multiple_of3A] : memref<4x8x1000000xf32, #tpu.memory_space<hbm>> -> memref<4x8x16xf32, #tpu.memory_space<hbm>>
          %dma_start3A_177 = arith.constant 0 : i32
          %dma_start3A_178 = arith.constant 0 : i32
          %dma_start3A_179 = tpu.memref_slice %arg12[%dma_start3A_177, %dma_start3A_178, %mul3A_170] : memref<4x8x256xf32, #tpu.memory_space<vmem>> -> memref<4x8x16xf32, #tpu.memory_space<vmem>>
          %dma_start3A_180 = arith.constant 0 : i32
          %dma_start3A_181 = arith.constant 0 : i32
          %dma_start3A_182 = tpu.memref_slice %arg4[%dma_start3A_180, %dma_start3A_181, %multiple_of3A] : memref<4x8x1000000xf32, #tpu.memory_space<hbm>> -> memref<4x8x16xf32, #tpu.memory_space<hbm>>
          tpu.enqueue_dma source(%dma_start3A_182 : memref<4x8x16xf32, #tpu.memory_space<hbm>>) target(%dma_start3A_179 : memref<4x8x16xf32, #tpu.memory_space<vmem>>) target_semaphore(%arg18 : memref<!tpu.dma_semaphore, #tpu.memory_space<semaphore_mem>>)
          %mul3A_183 = arith.constant 16 : i32
          %mul3A_184 = arith.muli %scan3A_155, %mul3A_183 : i32
          %dma_start3A_185 = arith.constant 0 : i32
          %dma_start3A_186 = arith.constant 0 : i32
          %dma_start3A_187 = tpu.memref_slice %arg14[%dma_start3A_185, %dma_start3A_186, %mul3A_184] : memref<4x8x256xf32, #tpu.memory_space<vmem>> -> memref<4x8x16xf32, #tpu.memory_space<vmem>>
          %dma_start3A_188 = arith.constant 0 : i32
          %dma_start3A_189 = arith.constant 0 : i32
          %dma_start3A_190 = tpu.memref_slice %arg5[%dma_start3A_188, %dma_start3A_189, %multiple_of3A_168] : memref<4x8x100000xf32, #tpu.memory_space<hbm>> -> memref<4x8x16xf32, #tpu.memory_space<hbm>>
          %dma_start3A_191 = arith.constant 0 : i32
          %dma_start3A_192 = arith.constant 0 : i32
          %dma_start3A_193 = tpu.memref_slice %arg14[%dma_start3A_191, %dma_start3A_192, %mul3A_184] : memref<4x8x256xf32, #tpu.memory_space<vmem>> -> memref<4x8x16xf32, #tpu.memory_space<vmem>>
          %dma_start3A_194 = arith.constant 0 : i32
          %dma_start3A_195 = arith.constant 0 : i32
          %dma_start3A_196 = tpu.memref_slice %arg5[%dma_start3A_194, %dma_start3A_195, %multiple_of3A_168] : memref<4x8x100000xf32, #tpu.memory_space<hbm>> -> memref<4x8x16xf32, #tpu.memory_space<hbm>>
          tpu.enqueue_dma source(%dma_start3A_196 : memref<4x8x16xf32, #tpu.memory_space<hbm>>) target(%dma_start3A_193 : memref<4x8x16xf32, #tpu.memory_space<vmem>>) target_semaphore(%arg20 : memref<!tpu.dma_semaphore, #tpu.memory_space<semaphore_mem>>)
        }
        %scan3A_154 = arith.constant 16 : i32
      } else {
      }
      %mul3A_100 = arith.constant 2 : i32
      %mul3A_101 = arith.muli %scan3A_55, %mul3A_100 : i32
      %add3A_102 = arith.constant 1 : i32
      %add3A_103 = arith.addi %mul3A_101, %add3A_102 : i32
      %dma_wait3A_104 = arith.constant 0 : i32
      %dma_wait3A_105 = arith.constant 0 : i32
      %dma_wait3A_106 = arith.constant 0 : i32
      %dma_wait3A_107 = tpu.memref_slice %arg4[%dma_wait3A_104, %dma_wait3A_105, %dma_wait3A_106] : memref<4x8x1000000xf32, #tpu.memory_space<hbm>> -> memref<4x8x256xf32, #tpu.memory_space<hbm>>
      %dma_wait3A_108 = arith.constant 0 : i32
      %dma_wait3A_109 = arith.constant 0 : i32
      %dma_wait3A_110 = arith.constant 0 : i32
      %dma_wait3A_111 = tpu.memref_slice %arg4[%dma_wait3A_108, %dma_wait3A_109, %dma_wait3A_110] : memref<4x8x1000000xf32, #tpu.memory_space<hbm>> -> memref<4x8x256xf32, #tpu.memory_space<hbm>>
      tpu.wait_dma2 semaphore(%arg19 : memref<!tpu.dma_semaphore, #tpu.memory_space<semaphore_mem>>) src(%dma_wait3A_111 : memref<4x8x256xf32, #tpu.memory_space<hbm>>) dst(%arg13 : memref<4x8x256xf32, #tpu.memory_space<vmem>>)
      %dma_wait3A_112 = arith.constant 0 : i32
      %dma_wait3A_113 = arith.constant 0 : i32
      %dma_wait3A_114 = arith.constant 0 : i32
      %dma_wait3A_115 = tpu.memref_slice %arg4[%dma_wait3A_112, %dma_wait3A_113, %dma_wait3A_114] : memref<4x8x1000000xf32, #tpu.memory_space<hbm>> -> memref<4x8x256xf32, #tpu.memory_space<hbm>>
      %dma_wait3A_116 = arith.constant 0 : i32
      %dma_wait3A_117 = arith.constant 0 : i32
      %dma_wait3A_118 = arith.constant 0 : i32
      %dma_wait3A_119 = tpu.memref_slice %arg4[%dma_wait3A_116, %dma_wait3A_117, %dma_wait3A_118] : memref<4x8x1000000xf32, #tpu.memory_space<hbm>> -> memref<4x8x256xf32, #tpu.memory_space<hbm>>
      tpu.wait_dma2 semaphore(%arg21 : memref<!tpu.dma_semaphore, #tpu.memory_space<semaphore_mem>>) src(%dma_wait3A_119 : memref<4x8x256xf32, #tpu.memory_space<hbm>>) dst(%arg15 : memref<4x8x256xf32, #tpu.memory_space<vmem>>)
      %mul3A_120 = arith.constant 16 : i32
      %mul3A_121 = arith.muli %add3A_103, %mul3A_120 : i32
      %get3A_122 = arith.index_cast %mul3A_121 : i32 to index
      %get3A_123 = tpu.vector_load %arg8[%get3A_122] {strides = array<i32>} : memref<528xi32, #tpu.memory_space<vmem>>, vector<16xi32>,
      %mul3A_124 = arith.constant 16 : i32
      %mul3A_125 = arith.muli %add3A_103, %mul3A_124 : i32
      %get3A_126 = arith.index_cast %mul3A_125 : i32 to index
      %get3A_127 = tpu.vector_load %arg9[%get3A_126] {strides = array<i32>} : memref<528xi32, #tpu.memory_space<vmem>>, vector<16xi32>,
      %rem3A_128 = arith.constant 16 : i32
      %rem3A_129 = vector.broadcast %rem3A_128 : i32 to vector<16xi32>
      %rem3A_130 = arith.remsi %get3A_123, %rem3A_129 : vector<16xi32>
      %add3A_131 = arith.addi %mul3A_31, %rem3A_130 : vector<16xi32>
      %rem3A_132 = arith.constant 16 : i32
      %rem3A_133 = vector.broadcast %rem3A_132 : i32 to vector<16xi32>
      %rem3A_134 = arith.remsi %get3A_127, %rem3A_133 : vector<16xi32>
      %add3A_135 = arith.addi %mul3A_31, %rem3A_134 : vector<16xi32>
      %scan3A_136 = arith.constant 0 : i32
      %scan3A_137 = arith.constant 0 : i32
      %scan3A_138 = arith.constant 4 : i32
      %scan3A_139 = arith.addi %scan3A_137, %scan3A_138 : i32
      %scan3A_140 = arith.constant 1 : i32
      scf.for %scan3A_149 = %scan3A_137 to %scan3A_139 step %scan3A_140  : i32 {
        %broadcast_in_dim3A_150 = vector.broadcast %scan3A_149 : i32 to vector<16xi32>
        %broadcast_in_dim3A_151 = arith.constant 0 : i32
        %broadcast_in_dim3A_152 = vector.broadcast %broadcast_in_dim3A_151 : i32 to vector<16xi32>
        %gather3A = tpu.vector_load_idx %arg13[%broadcast_in_dim3A_150, %broadcast_in_dim3A_152, %add3A_131] : memref<4x8x256xf32, #tpu.memory_space<vmem>>[vector<16xi32>, vector<16xi32>, vector<16xi32>], vector<16xf32>,
        %gather3A_153 = tpu.vector_load_idx %arg15[%broadcast_in_dim3A_150, %broadcast_in_dim3A_152, %add3A_135] : memref<4x8x256xf32, #tpu.memory_space<vmem>>[vector<16xi32>, vector<16xi32>, vector<16xi32>], vector<16xf32>,
        %mul3A_154 = arith.constant 16 : i32
        %mul3A_155 = arith.muli %add3A_103, %mul3A_154 : i32
        %swap3A_156 = arith.constant 0 : i32
        %swap3A_157 = arith.index_cast %scan3A_149 : i32 to index
        %swap3A_158 = arith.index_cast %swap3A_156 : i32 to index
        %swap3A_159 = arith.index_cast %mul3A_155 : i32 to index
        %swap3A_160 = tpu.vector_load %arg16[%swap3A_157, %swap3A_158, %swap3A_159] {strides = array<i32>} : memref<4x8x512xf32, #tpu.memory_space<vmem>>, vector<16xf32>,
        tpu.vector_store %arg16[%swap3A_157, %swap3A_158, %swap3A_159], %gather3A {strides = array<i32>} : memref<4x8x512xf32, #tpu.memory_space<vmem>>, vector<16xf32>,
        %mul3A_161 = arith.constant 16 : i32
        %mul3A_162 = arith.muli %add3A_103, %mul3A_161 : i32
        %swap3A_163 = arith.constant 0 : i32
        %swap3A_164 = arith.index_cast %scan3A_149 : i32 to index
        %swap3A_165 = arith.index_cast %swap3A_163 : i32 to index
        %swap3A_166 = arith.index_cast %mul3A_162 : i32 to index
        %swap3A_167 = tpu.vector_load %arg17[%swap3A_164, %swap3A_165, %swap3A_166] {strides = array<i32>} : memref<4x8x512xf32, #tpu.memory_space<vmem>>, vector<16xf32>,
        tpu.vector_store %arg17[%swap3A_164, %swap3A_165, %swap3A_166], %gather3A_153 {strides = array<i32>} : memref<4x8x512xf32, #tpu.memory_space<vmem>>, vector<16xf32>,
        %broadcast_in_dim3A_168 = arith.constant 1 : i32
        %broadcast_in_dim3A_169 = vector.broadcast %broadcast_in_dim3A_168 : i32 to vector<16xi32>
        %gather3A_170 = tpu.vector_load_idx %arg13[%broadcast_in_dim3A_150, %broadcast_in_dim3A_169, %add3A_131] : memref<4x8x256xf32, #tpu.memory_space<vmem>>[vector<16xi32>, vector<16xi32>, vector<16xi32>], vector<16xf32>,
        %gather3A_171 = tpu.vector_load_idx %arg15[%broadcast_in_dim3A_150, %broadcast_in_dim3A_169, %add3A_135] : memref<4x8x256xf32, #tpu.memory_space<vmem>>[vector<16xi32>, vector<16xi32>, vector<16xi32>], vector<16xf32>,
        %mul3A_172 = arith.constant 16 : i32
        %mul3A_173 = arith.muli %add3A_103, %mul3A_172 : i32
        %swap3A_174 = arith.constant 1 : i32
        %swap3A_175 = arith.index_cast %scan3A_149 : i32 to index
        %swap3A_176 = arith.index_cast %swap3A_174 : i32 to index
        %swap3A_177 = arith.index_cast %mul3A_173 : i32 to index
        %swap3A_178 = tpu.vector_load %arg16[%swap3A_175, %swap3A_176, %swap3A_177] {strides = array<i32>} : memref<4x8x512xf32, #tpu.memory_space<vmem>>, vector<16xf32>,
        tpu.vector_store %arg16[%swap3A_175, %swap3A_176, %swap3A_177], %gather3A_170 {strides = array<i32>} : memref<4x8x512xf32, #tpu.memory_space<vmem>>, vector<16xf32>,
        %mul3A_179 = arith.constant 16 : i32
        %mul3A_180 = arith.muli %add3A_103, %mul3A_179 : i32
        %swap3A_181 = arith.constant 1 : i32
        %swap3A_182 = arith.index_cast %scan3A_149 : i32 to index
        %swap3A_183 = arith.index_cast %swap3A_181 : i32 to index
        %swap3A_184 = arith.index_cast %mul3A_180 : i32 to index
        %swap3A_185 = tpu.vector_load %arg17[%swap3A_182, %swap3A_183, %swap3A_184] {strides = array<i32>} : memref<4x8x512xf32, #tpu.memory_space<vmem>>, vector<16xf32>,
        tpu.vector_store %arg17[%swap3A_182, %swap3A_183, %swap3A_184], %gather3A_171 {strides = array<i32>} : memref<4x8x512xf32, #tpu.memory_space<vmem>>, vector<16xf32>,
        %broadcast_in_dim3A_186 = arith.constant 2 : i32
        %broadcast_in_dim3A_187 = vector.broadcast %broadcast_in_dim3A_186 : i32 to vector<16xi32>
        %gather3A_188 = tpu.vector_load_idx %arg13[%broadcast_in_dim3A_150, %broadcast_in_dim3A_187, %add3A_131] : memref<4x8x256xf32, #tpu.memory_space<vmem>>[vector<16xi32>, vector<16xi32>, vector<16xi32>], vector<16xf32>,
        %gather3A_189 = tpu.vector_load_idx %arg15[%broadcast_in_dim3A_150, %broadcast_in_dim3A_187, %add3A_135] : memref<4x8x256xf32, #tpu.memory_space<vmem>>[vector<16xi32>, vector<16xi32>, vector<16xi32>], vector<16xf32>,
        %mul3A_190 = arith.constant 16 : i32
        %mul3A_191 = arith.muli %add3A_103, %mul3A_190 : i32
        %swap3A_192 = arith.constant 2 : i32
        %swap3A_193 = arith.index_cast %scan3A_149 : i32 to index
        %swap3A_194 = arith.index_cast %swap3A_192 : i32 to index
        %swap3A_195 = arith.index_cast %mul3A_191 : i32 to index
        %swap3A_196 = tpu.vector_load %arg16[%swap3A_193, %swap3A_194, %swap3A_195] {strides = array<i32>} : memref<4x8x512xf32, #tpu.memory_space<vmem>>, vector<16xf32>,
        tpu.vector_store %arg16[%swap3A_193, %swap3A_194, %swap3A_195], %gather3A_188 {strides = array<i32>} : memref<4x8x512xf32, #tpu.memory_space<vmem>>, vector<16xf32>,
        %mul3A_197 = arith.constant 16 : i32
        %mul3A_198 = arith.muli %add3A_103, %mul3A_197 : i32
        %swap3A_199 = arith.constant 2 : i32
        %swap3A_200 = arith.index_cast %scan3A_149 : i32 to index
        %swap3A_201 = arith.index_cast %swap3A_199 : i32 to index
        %swap3A_202 = arith.index_cast %mul3A_198 : i32 to index
        %swap3A_203 = tpu.vector_load %arg17[%swap3A_200, %swap3A_201, %swap3A_202] {strides = array<i32>} : memref<4x8x512xf32, #tpu.memory_space<vmem>>, vector<16xf32>,
        tpu.vector_store %arg17[%swap3A_200, %swap3A_201, %swap3A_202], %gather3A_189 {strides = array<i32>} : memref<4x8x512xf32, #tpu.memory_space<vmem>>, vector<16xf32>,
        %broadcast_in_dim3A_204 = arith.constant 3 : i32
        %broadcast_in_dim3A_205 = vector.broadcast %broadcast_in_dim3A_204 : i32 to vector<16xi32>
        %gather3A_206 = tpu.vector_load_idx %arg13[%broadcast_in_dim3A_150, %broadcast_in_dim3A_205, %add3A_131] : memref<4x8x256xf32, #tpu.memory_space<vmem>>[vector<16xi32>, vector<16xi32>, vector<16xi32>], vector<16xf32>,
        %gather3A_207 = tpu.vector_load_idx %arg15[%broadcast_in_dim3A_150, %broadcast_in_dim3A_205, %add3A_135] : memref<4x8x256xf32, #tpu.memory_space<vmem>>[vector<16xi32>, vector<16xi32>, vector<16xi32>], vector<16xf32>,
        %mul3A_208 = arith.constant 16 : i32
        %mul3A_209 = arith.muli %add3A_103, %mul3A_208 : i32
        %swap3A_210 = arith.constant 3 : i32
        %swap3A_211 = arith.index_cast %scan3A_149 : i32 to index
        %swap3A_212 = arith.index_cast %swap3A_210 : i32 to index
        %swap3A_213 = arith.index_cast %mul3A_209 : i32 to index
        %swap3A_214 = tpu.vector_load %arg16[%swap3A_211, %swap3A_212, %swap3A_213] {strides = array<i32>} : memref<4x8x512xf32, #tpu.memory_space<vmem>>, vector<16xf32>,
        tpu.vector_store %arg16[%swap3A_211, %swap3A_212, %swap3A_213], %gather3A_206 {strides = array<i32>} : memref<4x8x512xf32, #tpu.memory_space<vmem>>, vector<16xf32>,
        %mul3A_215 = arith.constant 16 : i32
        %mul3A_216 = arith.muli %add3A_103, %mul3A_215 : i32
        %swap3A_217 = arith.constant 3 : i32
        %swap3A_218 = arith.index_cast %scan3A_149 : i32 to index
        %swap3A_219 = arith.index_cast %swap3A_217 : i32 to index
        %swap3A_220 = arith.index_cast %mul3A_216 : i32 to index
        %swap3A_221 = tpu.vector_load %arg17[%swap3A_218, %swap3A_219, %swap3A_220] {strides = array<i32>} : memref<4x8x512xf32, #tpu.memory_space<vmem>>, vector<16xf32>,
        tpu.vector_store %arg17[%swap3A_218, %swap3A_219, %swap3A_220], %gather3A_207 {strides = array<i32>} : memref<4x8x512xf32, #tpu.memory_space<vmem>>, vector<16xf32>,
        %broadcast_in_dim3A_222 = arith.constant 4 : i32
        %broadcast_in_dim3A_223 = vector.broadcast %broadcast_in_dim3A_222 : i32 to vector<16xi32>
        %gather3A_224 = tpu.vector_load_idx %arg13[%broadcast_in_dim3A_150, %broadcast_in_dim3A_223, %add3A_131] : memref<4x8x256xf32, #tpu.memory_space<vmem>>[vector<16xi32>, vector<16xi32>, vector<16xi32>], vector<16xf32>,
        %gather3A_225 = tpu.vector_load_idx %arg15[%broadcast_in_dim3A_150, %broadcast_in_dim3A_223, %add3A_135] : memref<4x8x256xf32, #tpu.memory_space<vmem>>[vector<16xi32>, vector<16xi32>, vector<16xi32>], vector<16xf32>,
        %mul3A_226 = arith.constant 16 : i32
        %mul3A_227 = arith.muli %add3A_103, %mul3A_226 : i32
        %swap3A_228 = arith.constant 4 : i32
        %swap3A_229 = arith.index_cast %scan3A_149 : i32 to index
        %swap3A_230 = arith.index_cast %swap3A_228 : i32 to index
        %swap3A_231 = arith.index_cast %mul3A_227 : i32 to index
        %swap3A_232 = tpu.vector_load %arg16[%swap3A_229, %swap3A_230, %swap3A_231] {strides = array<i32>} : memref<4x8x512xf32, #tpu.memory_space<vmem>>, vector<16xf32>,
        tpu.vector_store %arg16[%swap3A_229, %swap3A_230, %swap3A_231], %gather3A_224 {strides = array<i32>} : memref<4x8x512xf32, #tpu.memory_space<vmem>>, vector<16xf32>,
        %mul3A_233 = arith.constant 16 : i32
        %mul3A_234 = arith.muli %add3A_103, %mul3A_233 : i32
        %swap3A_235 = arith.constant 4 : i32
        %swap3A_236 = arith.index_cast %scan3A_149 : i32 to index
        %swap3A_237 = arith.index_cast %swap3A_235 : i32 to index
        %swap3A_238 = arith.index_cast %mul3A_234 : i32 to index
        %swap3A_239 = tpu.vector_load %arg17[%swap3A_236, %swap3A_237, %swap3A_238] {strides = array<i32>} : memref<4x8x512xf32, #tpu.memory_space<vmem>>, vector<16xf32>,
        tpu.vector_store %arg17[%swap3A_236, %swap3A_237, %swap3A_238], %gather3A_225 {strides = array<i32>} : memref<4x8x512xf32, #tpu.memory_space<vmem>>, vector<16xf32>,
        %broadcast_in_dim3A_240 = arith.constant 5 : i32
        %broadcast_in_dim3A_241 = vector.broadcast %broadcast_in_dim3A_240 : i32 to vector<16xi32>
        %gather3A_242 = tpu.vector_load_idx %arg13[%broadcast_in_dim3A_150, %broadcast_in_dim3A_241, %add3A_131] : memref<4x8x256xf32, #tpu.memory_space<vmem>>[vector<16xi32>, vector<16xi32>, vector<16xi32>], vector<16xf32>,
        %gather3A_243 = tpu.vector_load_idx %arg15[%broadcast_in_dim3A_150, %broadcast_in_dim3A_241, %add3A_135] : memref<4x8x256xf32, #tpu.memory_space<vmem>>[vector<16xi32>, vector<16xi32>, vector<16xi32>], vector<16xf32>,
        %mul3A_244 = arith.constant 16 : i32
        %mul3A_245 = arith.muli %add3A_103, %mul3A_244 : i32
        %swap3A_246 = arith.constant 5 : i32
        %swap3A_247 = arith.index_cast %scan3A_149 : i32 to index
        %swap3A_248 = arith.index_cast %swap3A_246 : i32 to index
        %swap3A_249 = arith.index_cast %mul3A_245 : i32 to index
        %swap3A_250 = tpu.vector_load %arg16[%swap3A_247, %swap3A_248, %swap3A_249] {strides = array<i32>} : memref<4x8x512xf32, #tpu.memory_space<vmem>>, vector<16xf32>,
        tpu.vector_store %arg16[%swap3A_247, %swap3A_248, %swap3A_249], %gather3A_242 {strides = array<i32>} : memref<4x8x512xf32, #tpu.memory_space<vmem>>, vector<16xf32>,
        %mul3A_251 = arith.constant 16 : i32
        %mul3A_252 = arith.muli %add3A_103, %mul3A_251 : i32
        %swap3A_253 = arith.constant 5 : i32
        %swap3A_254 = arith.index_cast %scan3A_149 : i32 to index
        %swap3A_255 = arith.index_cast %swap3A_253 : i32 to index
        %swap3A_256 = arith.index_cast %mul3A_252 : i32 to index
        %swap3A_257 = tpu.vector_load %arg17[%swap3A_254, %swap3A_255, %swap3A_256] {strides = array<i32>} : memref<4x8x512xf32, #tpu.memory_space<vmem>>, vector<16xf32>,
        tpu.vector_store %arg17[%swap3A_254, %swap3A_255, %swap3A_256], %gather3A_243 {strides = array<i32>} : memref<4x8x512xf32, #tpu.memory_space<vmem>>, vector<16xf32>,
        %broadcast_in_dim3A_258 = arith.constant 6 : i32
        %broadcast_in_dim3A_259 = vector.broadcast %broadcast_in_dim3A_258 : i32 to vector<16xi32>
        %gather3A_260 = tpu.vector_load_idx %arg13[%broadcast_in_dim3A_150, %broadcast_in_dim3A_259, %add3A_131] : memref<4x8x256xf32, #tpu.memory_space<vmem>>[vector<16xi32>, vector<16xi32>, vector<16xi32>], vector<16xf32>,
        %gather3A_261 = tpu.vector_load_idx %arg15[%broadcast_in_dim3A_150, %broadcast_in_dim3A_259, %add3A_135] : memref<4x8x256xf32, #tpu.memory_space<vmem>>[vector<16xi32>, vector<16xi32>, vector<16xi32>], vector<16xf32>,
        %mul3A_262 = arith.constant 16 : i32
        %mul3A_263 = arith.muli %add3A_103, %mul3A_262 : i32
        %swap3A_264 = arith.constant 6 : i32
        %swap3A_265 = arith.index_cast %scan3A_149 : i32 to index
        %swap3A_266 = arith.index_cast %swap3A_264 : i32 to index
        %swap3A_267 = arith.index_cast %mul3A_263 : i32 to index
        %swap3A_268 = tpu.vector_load %arg16[%swap3A_265, %swap3A_266, %swap3A_267] {strides = array<i32>} : memref<4x8x512xf32, #tpu.memory_space<vmem>>, vector<16xf32>,
        tpu.vector_store %arg16[%swap3A_265, %swap3A_266, %swap3A_267], %gather3A_260 {strides = array<i32>} : memref<4x8x512xf32, #tpu.memory_space<vmem>>, vector<16xf32>,
        %mul3A_269 = arith.constant 16 : i32
        %mul3A_270 = arith.muli %add3A_103, %mul3A_269 : i32
        %swap3A_271 = arith.constant 6 : i32
        %swap3A_272 = arith.index_cast %scan3A_149 : i32 to index
        %swap3A_273 = arith.index_cast %swap3A_271 : i32 to index
        %swap3A_274 = arith.index_cast %mul3A_270 : i32 to index
        %swap3A_275 = tpu.vector_load %arg17[%swap3A_272, %swap3A_273, %swap3A_274] {strides = array<i32>} : memref<4x8x512xf32, #tpu.memory_space<vmem>>, vector<16xf32>,
        tpu.vector_store %arg17[%swap3A_272, %swap3A_273, %swap3A_274], %gather3A_261 {strides = array<i32>} : memref<4x8x512xf32, #tpu.memory_space<vmem>>, vector<16xf32>,
        %broadcast_in_dim3A_276 = arith.constant 7 : i32
        %broadcast_in_dim3A_277 = vector.broadcast %broadcast_in_dim3A_276 : i32 to vector<16xi32>
        %gather3A_278 = tpu.vector_load_idx %arg13[%broadcast_in_dim3A_150, %broadcast_in_dim3A_277, %add3A_131] : memref<4x8x256xf32, #tpu.memory_space<vmem>>[vector<16xi32>, vector<16xi32>, vector<16xi32>], vector<16xf32>,
        %gather3A_279 = tpu.vector_load_idx %arg15[%broadcast_in_dim3A_150, %broadcast_in_dim3A_277, %add3A_135] : memref<4x8x256xf32, #tpu.memory_space<vmem>>[vector<16xi32>, vector<16xi32>, vector<16xi32>], vector<16xf32>,
        %mul3A_280 = arith.constant 16 : i32
        %mul3A_281 = arith.muli %add3A_103, %mul3A_280 : i32
        %swap3A_282 = arith.constant 7 : i32
        %swap3A_283 = arith.index_cast %scan3A_149 : i32 to index
        %swap3A_284 = arith.index_cast %swap3A_282 : i32 to index
        %swap3A_285 = arith.index_cast %mul3A_281 : i32 to index
        %swap3A_286 = tpu.vector_load %arg16[%swap3A_283, %swap3A_284, %swap3A_285] {strides = array<i32>} : memref<4x8x512xf32, #tpu.memory_space<vmem>>, vector<16xf32>,
        tpu.vector_store %arg16[%swap3A_283, %swap3A_284, %swap3A_285], %gather3A_278 {strides = array<i32>} : memref<4x8x512xf32, #tpu.memory_space<vmem>>, vector<16xf32>,
        %mul3A_287 = arith.constant 16 : i32
        %mul3A_288 = arith.muli %add3A_103, %mul3A_287 : i32
        %swap3A_289 = arith.constant 7 : i32
        %swap3A_290 = arith.index_cast %scan3A_149 : i32 to index
        %swap3A_291 = arith.index_cast %swap3A_289 : i32 to index
        %swap3A_292 = arith.index_cast %mul3A_288 : i32 to index
        %swap3A_293 = tpu.vector_load %arg17[%swap3A_290, %swap3A_291, %swap3A_292] {strides = array<i32>} : memref<4x8x512xf32, #tpu.memory_space<vmem>>, vector<16xf32>,
        tpu.vector_store %arg17[%swap3A_290, %swap3A_291, %swap3A_292], %gather3A_279 {strides = array<i32>} : memref<4x8x512xf32, #tpu.memory_space<vmem>>, vector<16xf32>,
      }
      %scan3A_141 = arith.constant 4 : i32
      %add3A_142 = arith.constant 2 : i32
      %add3A_143 = arith.addi %add3A_103, %add3A_142 : i32
      %lt3A_144 = arith.constant 32 : i32
      %lt3A_145 = arith.cmpi slt, %add3A_143, %lt3A_144 : i32
      %convert_element_type3A_146 = arith.extui %lt3A_145 : i1 to i32
      %cond3A_147 = arith.constant 0 : i32
      %cond3A_148 = arith.cmpi ne, %convert_element_type3A_146, %cond3A_147 : i32
      scf.if %cond3A_148 {
        %scan3A_149 = arith.constant 0 : i32
        %scan3A_150 = arith.constant 0 : i32
        %scan3A_151 = arith.constant 16 : i32
        %scan3A_152 = arith.addi %scan3A_150, %scan3A_151 : i32
        %scan3A_153 = arith.constant 1 : i32
        scf.for %scan3A_155 = %scan3A_150 to %scan3A_152 step %scan3A_153  : i32 {
          %mul3A_156 = arith.constant 16 : i32
          %mul3A_157 = arith.muli %add3A_143, %mul3A_156 : i32
          %add3A_158 = arith.addi %mul3A_157, %scan3A_155 : i32
          %get3A_159 = arith.index_cast %add3A_158 : i32 to index
          %get3A_160 = tpu.vector_load %arg10[%get3A_159] {strides = array<i32>} : memref<528xi32, #tpu.memory_space<vmem>>, vector<16xi32>,
          %slice3A = vector.extract_strided_slice %get3A_160 {offsets = [0], sizes = [1], strides = [1]} : vector<16xi32> to vector<1xi32>
          %squeeze3A = vector.extract %slice3A[0] : i32 from vector<1xi32>
          %multiple_of3A = tpu.assume_multiple %squeeze3A, 16 : i32
          %mul3A_161 = arith.constant 16 : i32
          %mul3A_162 = arith.muli %add3A_143, %mul3A_161 : i32
          %add3A_163 = arith.addi %mul3A_162, %scan3A_155 : i32
          %get3A_164 = arith.index_cast %add3A_163 : i32 to index
          %get3A_165 = tpu.vector_load %arg11[%get3A_164] {strides = array<i32>} : memref<528xi32, #tpu.memory_space<vmem>>, vector<16xi32>,
          %slice3A_166 = vector.extract_strided_slice %get3A_165 {offsets = [0], sizes = [1], strides = [1]} : vector<16xi32> to vector<1xi32>
          %squeeze3A_167 = vector.extract %slice3A_166[0] : i32 from vector<1xi32>
          %multiple_of3A_168 = tpu.assume_multiple %squeeze3A_167, 16 : i32
          %mul3A_169 = arith.constant 16 : i32
          %mul3A_170 = arith.muli %scan3A_155, %mul3A_169 : i32
          %dma_start3A_171 = arith.constant 0 : i32
          %dma_start3A_172 = arith.constant 0 : i32
          %dma_start3A_173 = tpu.memref_slice %arg13[%dma_start3A_171, %dma_start3A_172, %mul3A_170] : memref<4x8x256xf32, #tpu.memory_space<vmem>> -> memref<4x8x16xf32, #tpu.memory_space<vmem>>
          %dma_start3A_174 = arith.constant 0 : i32
          %dma_start3A_175 = arith.constant 0 : i32
          %dma_start3A_176 = tpu.memref_slice %arg4[%dma_start3A_174, %dma_start3A_175, %multiple_of3A] : memref<4x8x1000000xf32, #tpu.memory_space<hbm>> -> memref<4x8x16xf32, #tpu.memory_space<hbm>>
          %dma_start3A_177 = arith.constant 0 : i32
          %dma_start3A_178 = arith.constant 0 : i32
          %dma_start3A_179 = tpu.memref_slice %arg13[%dma_start3A_177, %dma_start3A_178, %mul3A_170] : memref<4x8x256xf32, #tpu.memory_space<vmem>> -> memref<4x8x16xf32, #tpu.memory_space<vmem>>
          %dma_start3A_180 = arith.constant 0 : i32
          %dma_start3A_181 = arith.constant 0 : i32
          %dma_start3A_182 = tpu.memref_slice %arg4[%dma_start3A_180, %dma_start3A_181, %multiple_of3A] : memref<4x8x1000000xf32, #tpu.memory_space<hbm>> -> memref<4x8x16xf32, #tpu.memory_space<hbm>>
          tpu.enqueue_dma source(%dma_start3A_182 : memref<4x8x16xf32, #tpu.memory_space<hbm>>) target(%dma_start3A_179 : memref<4x8x16xf32, #tpu.memory_space<vmem>>) target_semaphore(%arg19 : memref<!tpu.dma_semaphore, #tpu.memory_space<semaphore_mem>>)
          %mul3A_183 = arith.constant 16 : i32
          %mul3A_184 = arith.muli %scan3A_155, %mul3A_183 : i32
          %dma_start3A_185 = arith.constant 0 : i32
          %dma_start3A_186 = arith.constant 0 : i32
          %dma_start3A_187 = tpu.memref_slice %arg15[%dma_start3A_185, %dma_start3A_186, %mul3A_184] : memref<4x8x256xf32, #tpu.memory_space<vmem>> -> memref<4x8x16xf32, #tpu.memory_space<vmem>>
          %dma_start3A_188 = arith.constant 0 : i32
          %dma_start3A_189 = arith.constant 0 : i32
          %dma_start3A_190 = tpu.memref_slice %arg5[%dma_start3A_188, %dma_start3A_189, %multiple_of3A_168] : memref<4x8x100000xf32, #tpu.memory_space<hbm>> -> memref<4x8x16xf32, #tpu.memory_space<hbm>>
          %dma_start3A_191 = arith.constant 0 : i32
          %dma_start3A_192 = arith.constant 0 : i32
          %dma_start3A_193 = tpu.memref_slice %arg15[%dma_start3A_191, %dma_start3A_192, %mul3A_184] : memref<4x8x256xf32, #tpu.memory_space<vmem>> -> memref<4x8x16xf32, #tpu.memory_space<vmem>>
          %dma_start3A_194 = arith.constant 0 : i32
          %dma_start3A_195 = arith.constant 0 : i32
          %dma_start3A_196 = tpu.memref_slice %arg5[%dma_start3A_194, %dma_start3A_195, %multiple_of3A_168] : memref<4x8x100000xf32, #tpu.memory_space<hbm>> -> memref<4x8x16xf32, #tpu.memory_space<hbm>>
          tpu.enqueue_dma source(%dma_start3A_196 : memref<4x8x16xf32, #tpu.memory_space<hbm>>) target(%dma_start3A_193 : memref<4x8x16xf32, #tpu.memory_space<vmem>>) target_semaphore(%arg21 : memref<!tpu.dma_semaphore, #tpu.memory_space<semaphore_mem>>)
        }
        %scan3A_154 = arith.constant 16 : i32
      } else {
      }
    }
    %scan3A_54 = arith.constant 16 : i32
    "tpu.region"() ({
      %run_scoped3A = tpu.sem_alloc : memref<!tpu.dma_semaphore, #tpu.memory_space<semaphore_mem>>
      %dma_start3A_55 = arith.constant 0 : i32
      %dma_start3A_56 = arith.constant 0 : i32
      %dma_start3A_57 = tpu.memref_slice %arg6[%dma_start3A_55, %dma_start3A_56, %mul3A_2] : memref<4x8x16384xf32, #tpu.memory_space<hbm>> -> memref<4x8x512xf32, #tpu.memory_space<hbm>>
      %dma_start3A_58 = arith.constant 0 : i32
      %dma_start3A_59 = arith.constant 0 : i32
      %dma_start3A_60 = tpu.memref_slice %arg6[%dma_start3A_58, %dma_start3A_59, %mul3A_2] : memref<4x8x16384xf32, #tpu.memory_space<hbm>> -> memref<4x8x512xf32, #tpu.memory_space<hbm>>
      tpu.enqueue_dma source(%arg16 : memref<4x8x512xf32, #tpu.memory_space<vmem>>) target(%dma_start3A_60 : memref<4x8x512xf32, #tpu.memory_space<hbm>>) target_semaphore(%run_scoped3A : memref<!tpu.dma_semaphore, #tpu.memory_space<semaphore_mem>>)
      %dma_wait3A_61 = arith.constant 0 : i32
      %dma_wait3A_62 = arith.constant 0 : i32
      %dma_wait3A_63 = tpu.memref_slice %arg6[%dma_wait3A_61, %dma_wait3A_62, %mul3A_2] : memref<4x8x16384xf32, #tpu.memory_space<hbm>> -> memref<4x8x512xf32, #tpu.memory_space<hbm>>
      %dma_wait3A_64 = arith.constant 0 : i32
      %dma_wait3A_65 = arith.constant 0 : i32
      %dma_wait3A_66 = tpu.memref_slice %arg6[%dma_wait3A_64, %dma_wait3A_65, %mul3A_2] : memref<4x8x16384xf32, #tpu.memory_space<hbm>> -> memref<4x8x512xf32, #tpu.memory_space<hbm>>
      tpu.wait_dma2 semaphore(%run_scoped3A : memref<!tpu.dma_semaphore, #tpu.memory_space<semaphore_mem>>) src(%arg16 : memref<4x8x512xf32, #tpu.memory_space<vmem>>) dst(%dma_wait3A_66 : memref<4x8x512xf32, #tpu.memory_space<hbm>>)
      tpu.yield
    }) : () -> ()
    "tpu.region"() ({
      %run_scoped3A = tpu.sem_alloc : memref<!tpu.dma_semaphore, #tpu.memory_space<semaphore_mem>>
      %dma_start3A_55 = arith.constant 0 : i32
      %dma_start3A_56 = arith.constant 0 : i32
      %dma_start3A_57 = tpu.memref_slice %arg7[%dma_start3A_55, %dma_start3A_56, %mul3A_2] : memref<4x8x16384xf32, #tpu.memory_space<hbm>> -> memref<4x8x512xf32, #tpu.memory_space<hbm>>
      %dma_start3A_58 = arith.constant 0 : i32
      %dma_start3A_59 = arith.constant 0 : i32
      %dma_start3A_60 = tpu.memref_slice %arg7[%dma_start3A_58, %dma_start3A_59, %mul3A_2] : memref<4x8x16384xf32, #tpu.memory_space<hbm>> -> memref<4x8x512xf32, #tpu.memory_space<hbm>>
      tpu.enqueue_dma source(%arg17 : memref<4x8x512xf32, #tpu.memory_space<vmem>>) target(%dma_start3A_60 : memref<4x8x512xf32, #tpu.memory_space<hbm>>) target_semaphore(%run_scoped3A : memref<!tpu.dma_semaphore, #tpu.memory_space<semaphore_mem>>)
      %dma_wait3A_61 = arith.constant 0 : i32
      %dma_wait3A_62 = arith.constant 0 : i32
      %dma_wait3A_63 = tpu.memref_slice %arg7[%dma_wait3A_61, %dma_wait3A_62, %mul3A_2] : memref<4x8x16384xf32, #tpu.memory_space<hbm>> -> memref<4x8x512xf32, #tpu.memory_space<hbm>>
      %dma_wait3A_64 = arith.constant 0 : i32
      %dma_wait3A_65 = arith.constant 0 : i32
      %dma_wait3A_66 = tpu.memref_slice %arg7[%dma_wait3A_64, %dma_wait3A_65, %mul3A_2] : memref<4x8x16384xf32, #tpu.memory_space<hbm>> -> memref<4x8x512xf32, #tpu.memory_space<hbm>>
      tpu.wait_dma2 semaphore(%run_scoped3A : memref<!tpu.dma_semaphore, #tpu.memory_space<semaphore_mem>>) src(%arg17 : memref<4x8x512xf32, #tpu.memory_space<vmem>>) dst(%dma_wait3A_66 : memref<4x8x512xf32, #tpu.memory_space<hbm>>)
      tpu.yield
    }) : () -> ()
    return
  }
}

</mosaic_0001>

<sc_bundles>
// kernel: kernel.3.cloned.1.call-start
scs
__scs_entry_jumppad:
0x0: {  	(pc) =	sbr.rel $0x88, $3  }
0x1: {  	(tag) =	ssettag $0x0;
	lr =	simm.s32 $0x1  }
0x2: {  	[smem:$0x3F9D] =	sst lr;
	_ =	strace $0xD0000000  }
0x3: {  	_ = 	snop  }
0x4: {  	_ = 	snop  }
0x5: {  	_ = 	snop  }
0x6: {  	_ = 	snop  }
0x7: {  	_ = 	snop  }
__scs_overlays_trampoline_lowered:
0x8: {  	[smem:$0x3FAC] =	sst s0  }
0x9: {  	[smem:$0x3FAD] =	sst s1  }
0xa: {  	[smem:$0x3FAE] =	sst s2  }
0xb: {  	[smem:$0x3FAF] =	sst s3  }
0xc: {  	[smem:$0x3FB0] =	sst s4  }
0xd: {  	[smem:$0x3FB1] =	sst s5  }
0xe: {  	[smem:$0x3FB2] =	sst s6  }
0xf: {  	[smem:$0x3FB3] =	sst s7  }
0x10: {  	[smem:$0x3FB4] =	sst s8  }
0x11: {  	[smem:$0x3FB5] =	sst s9;
	s0 =	simm.s32 @!p0 $0x0  }
0x12: {  	s1 =	sld [smem:$0x3F9B];
	s0 =	simm.s32 @p0 $0x1  }
0x13: {  	[smem:$0x3FB6] =	sst s0;
	s0 =	simm.s32 @!p1 $0x0  }
0x14: {  	s2 =	sld [smem:$0x3F9A];
	s0 =	simm.s32 @p1 $0x1  }
0x15: {  	[smem:$0x3FB7] =	sst s0;
	s0 =	simm.s32 @!p2 $0x0  }
0x16: {  	s3 =	sld [smem:$0x3FDB];
	s0 =	simm.s32 @p2 $0x1  }
0x17: {  	s4 =	simm.s32 $0x1BF5;
	[smem:$0x3FB9] =	sst s0  }
0x18: {  	s0 =	sld [smem:$0x3F9C];
	_ =	swait.ge [sflag:s4], $0x0  }
0x19: {  	s7 =	sld [smem:$0x3F9D]  }
0x1a: {  	s8 =	sadd.s32 $0xFFFFE003, lr  }
0x1b: {  	s9 =	sadd.s32 $0xFFFFFEF7, lr;
	s5 =	simm.s32 $0xFFFFFFFF;
	p2 =	slt.u32 s8, $0xFFFFF086  }
0x1c: {  	p1 =	slt.u32 s9, $0xF7A;
	s5 =	simm.s32 @!p2 $0x0  }
0x1d: {  	s5 =	simm.s32 @p1 $0x1;
	p0 =	seq.s32 s7, s2  }
0x1e: {  	s7 =	smul.u32 @!p0 $0xF7A, s2;
	p2 =	seq.s32 @!p0 s5, $0x0  }
0x1f: {  	s9 =	smul.u32 $0xF7A, s1;
	s8 =	simm.s32 @!p0 $0x1BF5;
	p2 =	por !p2, p0  }
0x20: {  	[sflag:s8] =	ssyncset.s32 @!p0 $0xFFFFF086;
	s6 =	sadd.s32 @!p0 s3, s7;
	s7 =	simm.s32 @!p0 $0x108  }
0x21: {  	s3 =	sadd.s32 s3, s9;
	s6 =	sadd.s32 @!p0 $0x88, s6;
	s7 =	simm.s32 @p2 $0x1082  }
0x22: {  	[simem:s7], [sflag:s8] =	dma.local @!p0 [hbm:s6], $0xF7A  }
0x23: {  	s9 =	sor.u32 $0xD0000000, s2;
	s6 =	simm.s32 $0x108;
	_ =	swait.ge @!p0 [sflag:s8], $0x0  }
0x24: {  	s3 =	sadd.s32 $0x88, s3;
	s6 =	simm.s32 @!p1 $0x1082;
	[sflag:s4] =	ssyncset.s32 $0xFFFFF086  }
0x25: {  	[simem:s6], [sflag:s4] =	dma.local [hbm:s3], $0xF7A  }
0x26: {  	[smem:$0x3F9D] =	sst s1;
	(tag) =	ssettag s2;
	_ =	strace s9  }
0x27: {  	s1 =	sld [smem:$0x3FAD]  }
0x28: {  	s2 =	sld [smem:$0x3FAE]  }
0x29: {  	s4 =	sld [smem:$0x3FB0]  }
0x2a: {  	p0 =	seq.s32 s5, $0x0;
	s5 =	sld [smem:$0x3FB1]  }
0x2b: {  	s6 =	sld [smem:$0x3FB2]  }
0x2c: {  	s7 =	sld [smem:$0x3FB3]  }
0x2d: {  	s3 =	simm.s32 $0x108;
	s8 =	sld [smem:$0x3FB4]  }
0x2e: {  	s3 =	simm.s32 @!p0 $0x1082;
	s9 =	sld [smem:$0x3FB5]  }
0x2f: {  	lr =	sadd.s32 s0, s3;
	s0 =	sld [smem:$0x3FAC]  }
0x30: {  	s3 =	sld [smem:$0x3FAF]  }
0x31: {  	[smem:$0x3FB8] =	sst s10  }
0x32: {  	s10 =	sld [smem:$0x3FB6];
	_ =	sdelay $0x3  }
0x33: {  	p0 =	seq.s32 s10, $0x1;
	s10 =	sld [smem:$0x3FB8];
	_ =	sdelay $0x3  }
0x34: {  	[smem:$0x3FB8] =	sst s10  }
0x35: {  	s10 =	sld [smem:$0x3FB7];
	_ =	sdelay $0x3  }
0x36: {  	p1 =	seq.s32 s10, $0x1;
	s10 =	sld [smem:$0x3FB8];
	_ =	sdelay $0x3  }
0x37: {  	[smem:$0x3FB8] =	sst s10  }
0x38: {  	s10 =	sld [smem:$0x3FB9]  }
0x39: {  	_ = 	snop;
	(pc) =	sbr.ind lr, $3  }
0x3a: {  	_ = 	snop  }
0x3b: {  	_ = 	snop  }
0x3c: {  	p2 =	seq.s32 s10, $0x1;
	s10 =	sld [smem:$0x3FB8]  }
0x3d: {  	_ =	shalt  }
0x3e: {  	_ =	shalt  }
0x3f: {  	_ =	shalt  }
0x40: {  	_ =	shalt  }
0x41: {  	_ =	shalt  }
0x42: {  	_ =	shalt  }
0x43: {  	_ =	shalt  }
0x44: {  	_ =	shalt  }
0x45: {  	_ =	shalt  }
0x46: {  	_ =	shalt  }
0x47: {  	_ =	shalt  }
0x48: {  	_ =	shalt  }
0x49: {  	_ =	shalt  }
0x4a: {  	_ =	shalt  }
0x4b: {  	_ =	shalt  }
0x4c: {  	_ =	shalt  }
0x4d: {  	_ =	shalt  }
0x4e: {  	_ =	shalt  }
0x4f: {  	_ =	shalt  }
0x50: {  	_ =	shalt  }
0x51: {  	_ =	shalt  }
0x52: {  	_ =	shalt  }
0x53: {  	_ =	shalt  }
0x54: {  	_ =	shalt  }
0x55: {  	_ =	shalt  }
0x56: {  	_ =	shalt  }
0x57: {  	_ =	shalt  }
0x58: {  	_ =	shalt  }
0x59: {  	_ =	shalt  }
0x5a: {  	_ =	shalt  }
0x5b: {  	_ =	shalt  }
0x5c: {  	_ =	shalt  }
0x5d: {  	_ =	shalt  }
0x5e: {  	_ =	shalt  }
0x5f: {  	_ =	shalt  }
0x60: {  	_ =	shalt  }
0x61: {  	_ =	shalt  }
0x62: {  	_ =	shalt  }
0x63: {  	_ =	shalt  }
0x64: {  	_ =	shalt  }
0x65: {  	_ =	shalt  }
0x66: {  	_ =	shalt  }
0x67: {  	_ =	shalt  }
0x68: {  	_ =	shalt  }
0x69: {  	_ =	shalt  }
0x6a: {  	_ =	shalt  }
0x6b: {  	_ =	shalt  }
0x6c: {  	_ =	shalt  }
0x6d: {  	_ =	shalt  }
0x6e: {  	_ =	shalt  }
0x6f: {  	_ =	shalt  }
0x70: {  	_ =	shalt  }
0x71: {  	_ =	shalt  }
0x72: {  	_ =	shalt  }
0x73: {  	_ =	shalt  }
0x74: {  	_ =	shalt  }
0x75: {  	_ =	shalt  }
0x76: {  	_ =	shalt  }
0x77: {  	_ =	shalt  }
0x78: {  	_ =	shalt  }
0x79: {  	_ =	shalt  }
0x7a: {  	_ =	shalt  }
0x7b: {  	_ =	shalt  }
0x7c: {  	_ =	shalt  }
0x7d: {  	_ =	shalt  }
0x7e: {  	_ =	shalt  }
0x7f: {  	_ =	shalt  }
0x80: {  	_ =	shalt  }
0x81: {  	_ =	shalt  }
0x82: {  	_ =	shalt  }
0x83: {  	_ =	shalt  }
0x84: {  	_ =	shalt  }
0x85: {  	_ =	shalt  }
0x86: {  	_ =	shalt  }
0x87: {  	_ =	shalt  }
.Lfunc_end0:
.L_simem_size_0:
called_computation_lowered:
.L_overlay_start_0:
0x88: {  	s2 =	sld [smem:$0x3FD9]  }
0x89: {  	s3 =	sld [smem:$0x3FFE];
	_ =	sdelay $0x1  }
0x8a: {  	s1 =	srdreg.scid  }
0x8b: {  	s0 =	sand.u32 $0x1, s1  }
0x8c: {  	s15 =	sshll.u32 s0, $0xA;
	s2 =	sadd.s32 s3, s2  }
0x8d: {  	s2 =	sadd.s32 s2, s15  }
0x8e: {  	[smem:$0x3FC4] =	sst s2  }
0x8f: {  	_ = 	snop  }
0x90: {  	s2 =	sld [smem:$0x3FC9]  }
0x91: {  	s16 =	sld [smem:$0x3FD0]  }
0x92: {  	s4 =	sld [smem:$0x3FC8]  }
0x93: {  	s5 =	sld [smem:$0x3FC7]  }
0x94: {  	s7 =	simm.s32 $0xA;
	s8 =	simm.s32 $0x10;
	s6 =	sld [smem:$0x3FC6]  }
0x95: {  	[smem:s8], [sflag:s7] =	dma.local [hbm:s16], $0x1  }
0x96: {  	_ =	swait.eq [sflag:s7], $0x1  }
0x97: {  	[sflag:s7] =	ssyncset.done $0x0  }
0x98: {  	s17 =	sld [smem:$0x10];
	[sflag:s7] =	ssyncadd.s32 $0xFFFFFFFF  }
0x99: {  	s18 =	sld [smem:$0x11];
	(tm) =	ssettm $0x1  }
0x9a: {  	s19 =	sld [smem:$0x3FFB];
	_ =	sdelay $0x3  }
0x9b: {  	_ =	strace s19  }
0x9c: {  	s8 =	sld [smem:$0x3FFC];
	_ =	sdelay $0x3  }
0x9d: {  	_ =	strace s8  }
0x9e: {  	s8 =	sld [smem:$0x3FFD];
	_ =	sdelay $0x3  }
0x9f: {  	_ =	strace s8  }
0xa0: {  	_ =	strace $0x8FFFFFFF  }
0xa1: {  	s20 =	sld [smem:$0x3FDB];
	_ =	sdelay $0x1  }
0xa2: {  	s9 =	simm.s32 $_scs_section_size  }
0xa3: {  	s10 =	simm.s32 $_size__tile_overlayer_lowered;
	s11 =	simm.s32 $_tile_overlayer_lowered  }
0xa4: {  	s23 =	simm.s32 $0x1BFF;
	s22 =	sshll.u32 s11, $0x1;
	s8 =	sadd.s32 s9, s20  }
0xa5: {  	s12 =	simm.s32 $0x0;
	s21 =	sshll.u32 s10, $0x1;
	s10 =	sadd.s32 s22, s8  }
0xa6: {  	[timem:s12], [sflag:s23] =	dma.local [hbm:s10], s21  }
0xa7: {  	_ =	swait.ge [sflag:s23], s21  }
0xa8: {  	s9 =	ssub.s32 $0x0, s21;
	[sflag:s23] =	ssyncset.done $0x0  }
0xa9: {  	[sflag:s23] =	ssyncadd.s32 s9;
	_ =	sdelay $0x1  }
0xaa: {  	s24 =	simm.s32 $0x1B8B  }
0xab: {  	_ =	swait.ge [sflag:s24], $0x1  }
0xac: {  	[sflag:s24] =	ssyncset.done $0x0  }
0xad: {  	s25 =	simm.s32 $0x1B8E;
	[sflag:s24] =	ssyncadd.s32 $0xFFFFFFFF  }
0xae: {  	s26 =	simm.s32 $execute0_lowered;
	[smem:$0x3FD2] =	sst s25  }
0xaf: {  	s9 =	sshll.u32 s26, $0x1;
	_ =	strace $0x80000046;
	[dreg:$0x1] =	wrdreg $0xFFFFFFFF  }
0xb0: {  	s28 =	simm.s32 $_size_execute0_lowered;
	s8 =	sadd.s32 s8, s9;
	[dreg:$0x0] =	wrdreg $0x0  }
0xb1: {  	s9 =	sshll.u32 s28, $0x1;
	[dreg:$0x2] =	wrdreg s8  }
0xb2: {  	[dreg:$0x3] =	wrdreg s9  }
0xb3: {  	[dreg:$0x4] =	wrdreg $0xC0  }
0xb4: {  	_ =	task [dreg:s12], $0x5FFFF  }
0xb5: {  	[dreg:$0x1] =	wrdreg $0xFFFFFFFF  }
0xb6: {  	[dreg:$0x0] =	wrdreg $0x60  }
0xb7: {  	[dreg:$0x2] =	wrdreg s2  }
0xb8: {  	[dreg:$0x3] =	wrdreg s4  }
0xb9: {  	[dreg:$0x4] =	wrdreg s5  }
0xba: {  	[dreg:$0x5] =	wrdreg s6  }
0xbb: {  	[dreg:$0x6] =	wrdreg s17  }
0xbc: {  	[dreg:$0x7] =	wrdreg s18  }
0xbd: {  	[dreg:$0x8] =	wrdreg $0x9  }
0xbe: {  	_ =	task.clear_ibuf [dreg:s12], $0x9FFFF;
	_ =	strace $0x90000046  }
0xbf: {  	s29 =	simm.s32 $0x9;
	_ =	strace $0x80000048  }
0xc0: {  	_ =	swait.ge [sflag:s29], $0x1  }
0xc1: {  	[sflag:s29] =	ssyncadd.s32 $0xFFFFFFFF  }
0xc2: {  	_ =	strace $0x90000048  }
0xc3: {  	_ =	sfence  }
0xc4: {  	s30 =	sld [smem:$0x0];
	_ =	sdelay $0x2  }
0xc5: {  	s31 =	sshll.u32 s1, $0xD;
	s1 =	sshrl.u32 s1, $0x2  }
0xc6: {  	s3 =	sand.u32 $0x4000, s31;
	s1 =	sadd.s32 s1, s30  }
0xc7: {  	s0 =	sor.u32 s3, s0;
	s1 =	sshll.u32 s1, $0x11  }
0xc8: {  	s0 =	sor.u32 s1, s0  }
0xc9: {  	s0 =	sadd.s32 $0x8F2B, s0  }
0xca: {  	[sflag:s0] =	ssyncadd.remote.s32 $0x1  }
0xcb: {  	_ =	sfence.sel $0xFFFF  }
0xcc: {  	[dreg:$0x0] =	wrdreg $0xFFFFFFFF;
	(pc) =	sbr.abs _section_cstart, $3  }
0xcd: {  	[dreg:$0x1] =	wrdreg $0xFFFFFFFF  }
0xce: {  	_ =	task.clear_ibuf [dreg:s12], $0x2FFFF;
	_ =	strace $0x9FFFFFFF  }
0xcf: {  	(tm) =	ssettm $0x7FFFFFFF  }
tec
execute0_lowered:
.L_overlay_start_1:
0x0: {  	(tag) =	ssettag $0x1  }
0x1: {  	s0 =	rddreg [dreg:$0x0]  }
0x2: {  	s3 =	rddreg [dreg:$0x1]  }
0x3: {  	s1 =	rddreg [dreg:$0x2]  }
0x4: {  	s2 =	rddreg [dreg:$0x3]  }
0x5: {  	s5 =	rddreg [dreg:$0x4]  }
0x6: {  	s6 =	rddreg [dreg:$0x5]  }
0x7: {  	s4 =	srdreg.scid;
	s8 =	stileid.u32  }
0x8: {  	s13 =	simm.s32 $0xA00;
	s14 =	simm.s32 $0x4A00;
	s7 =	sand.u32 $0x1, s4  }
0x9: {  	s4 =	simm.s32 $0x0;
	s8 =	sshll.u32 s8, $0xA;
	s9 =	sshll.u32 s7, $0x9  }
0xa: {  	[smem:$0x7FF] =	sst s4;
	s7 =	ssub.s32 $0x2, s7;
	s8 =	sor.u32 s9, s8  }
0xb: {  	_ =	strace $0x80000047;
	s10 =	sshrl.u32 s8, $0x3;
	s29 =	sadd.s32 s5, s8  }
.Ltmp0:
0xc: {  	s30 =	sadd.s32 s6, s8;
	[dreg:$0x9] =	wrdreg s29;
	(pc) =	sbr.rel .LBB2_1-.Ltmp0, $4  }
0xd: {  	s26 =	sshrl.u32 s7, $0x1;
	s0 =	sadd.s32 s0, s10;
	[dreg:$0xa] =	wrdreg s30  }
0xe: {  	s7 =	ssub.s32 s7, s26;
	s28 =	sadd.s32 s3, s10;
	[dreg:$0x7] =	wrdreg s0  }
0xf: {  	s17 =	simm.s32 $0x2A00;
	v1 =	vlaneseq.u32;
	s31 =	smax.u32 s7, $0x1;
	[dreg:$0x8] =	wrdreg s28  }
0x10: {  	s18 =	simm.s32 $0x6A00;
	v0 =	vimm.s32 $0x0;
	v1 =	vmul.u32 $0x10, v1;
	s3 =	simm.s32 $0x0;
	[dreg:$0xb] =	wrdreg s31  }
.LBB2_20:
0x11: {  	s0 =	rddreg [dreg:$0x9];
	s3 =	simm.s32 $0x1000  }
0x12: {  	s5 =	simm.s32 $0x20000;
	s6 =	simm.s32 $0x8A00;
	s28 =	simm.s32 $0x5  }
0x13: {  	[hbm4b:s0+s3] =	stream.strided.scatter [tilespmem:s6], [sflag:$0x5], $0x4000, s5, s3, $0x38;
	[tilespmem:$0x10A00] =	vst v63  }
0x14: {  	_ =	swait.ge [sflag:s28], $0x4000  }
0x15: {  	[sflag:s28] =	ssyncset.done $0x0  }
0x16: {  	s7 =	simm.s32 $0xCA00;
	s29 =	rddreg [dreg:$0xa];
	[sflag:s28] =	ssyncadd.s32 $0xFFFFC000  }
0x17: {  	[hbm4b:s29+s3] =	stream.strided.scatter [tilespmem:s7], [sflag:$0x5], $0x4000, s5, s3, $0x38;
	[tilespmem:$0x10A00] =	vst v63  }
0x18: {  	_ =	swait.ge [sflag:s28], $0x4000  }
0x19: {  	s30 =	rddreg [dreg:$0xc]  }
0x1a: {  	s31 =	rddreg [dreg:$0xb];
	s3 =	sadd.s32 $0x1, s30  }
0x1b: {  	p0 =	sne.s32 s3, s31  }
.Ltmp1:
0x1c: {  	_ = 	snop;
	(pc) =	sbr.rel @!p0 .LBB2_21-.Ltmp1, $3  }
0x1d: {  	_ =	sdelay $0x1  }
0x1e: {  	[sflag:s28] =	ssyncset.done $0x0  }
0x1f: {  	[sflag:s28] =	ssyncadd.s32 $0xFFFFC000  }
.LBB2_1:
0x20: {  	[dreg:$0xc] =	wrdreg s3  }
0x21: {  	s0 =	rddreg [dreg:$0x7]  }
0x22: {  	[tilespmem:s4], [sflag:$0x1] =	stream.linear.gather [hbm4b:s0+s4], $0x200, $0x38;
	[tilespmem:$0x10A00] =	vst v63  }
0x23: {  	s28 =	rddreg [dreg:$0x8];
	s29 =	simm.s32 $0x280;
	s30 =	simm.s32 $0x1  }
0x24: {  	[tilespmem:s29], [sflag:$0x3] =	stream.linear.gather [hbm4b:s28+s4], $0x200, $0x38;
	[tilespmem:$0x10A00] =	vst v63  }
0x25: {  	_ =	swait.ge [sflag:s30], $0x200  }
0x26: {  	[sflag:s30] =	ssyncset.done $0x0  }
0x27: {  	s31 =	simm.s32 $0x3;
	[sflag:s30] =	ssyncadd.s32 $0xFFFFFE00  }
0x28: {  	_ =	swait.ge [sflag:s31], $0x200  }
0x29: {  	[sflag:s31] =	ssyncset.done $0x0  }
0x2a: {  	[sflag:s31] =	ssyncadd.s32 $0xFFFFFE00  }
0x2b: {  	[tilespmem:$0x200] =	vst v0  }
0x2c: {  	s0 =	simm.s32 $0x0;
	[tilespmem:$0x480] =	vst v0  }
0x2d: {  	v2 =	vld [tilespmem:s0+$0x280]  }
0x2e: {  	s3 =	simm.s32 $0x10;
	v4 =	vld [tilespmem:s0+$0x0]  }
0x2f: {  	v6 =	vld [tilespmem:s3+$0x280];
	_ =	sdelay $0x3  }
0x30: {  	v3 =	vshra.s32 v2, $0x1F;
	v5 =	vand.u32 $0xF, v2  }
0x31: {  	vm0 =	vlt.s32 v2, $0x1;
	v7 =	vand.u32 $0xF, v4;
	v63 =	vand.u32 $0xF, v6  }
0x32: {  	v3 =	vshrl.u32 v3, $0x1C;
	vm1 =	vne.s32 v5, $0x0;
	v5 =	vshra.s32 v4, $0x1F  }
0x33: {  	v2 =	vadd.s32 v3, v2;
	vm0 =	vmand vm0, vm1;
	v5 =	vshrl.u32 v5, $0x1C  }
0x34: {  	v3 =	vld [tilespmem:s3+$0x0];
	vm1 =	vlt.s32 v4, $0x1;
	v2 =	vshrl.u32 v2, $0x4;
	v8 =	vsel vm0, $0xFFFFFFFF, v0  }
0x35: {  	vm0 =	vne.s32 v7, $0x0;
	v4 =	vadd.s32 v5, v4;
	v7 =	vshra.s32 v6, $0x1F  }
0x36: {  	v2 =	vadd.s32 v8, v2;
	vm0 =	vmand vm1, vm0;
	v7 =	vshrl.u32 v7, $0x1C  }
0x37: {  	v5 =	vshll.u32 v2, $0x4;
	v2 =	vshrl.u32 v4, $0x4;
	v4 =	vsel vm0, $0xFFFFFFFF, v0  }
0x38: {  	vm1 =	vne.s32 v63, $0x0;
	vm0 =	vlt.s32 v6, $0x1;
	v2 =	vadd.s32 v4, v2  }
0x39: {  	s5 =	simm.s32 $0x20;
	s6 =	simm.s32 $0xC0;
	[tilespmem:s0+$0x780] =	vst v5;
	v5 =	vadd.s32 v7, v6;
	vm0 =	vmand vm0, vm1;
	v4 =	vshra.s32 v3, $0x1F  }
.LBB2_2:
0x3a: {  	p0 =	sne.s32 s6, $0x800;
	v6 =	vld [tilespmem:s5+$0x280];
	v7 =	vand.u32 $0xF, v3;
	v5 =	vshrl.u32 v5, $0x4;
	v8 =	vsel vm0, $0xFFFFFFFF, v0  }
0x3b: {  	v4 =	vshrl.u32 v4, $0x1C;
	v9 =	vld [tilespmem:s5+$0x0];
	vm0 =	vne.s32 v7, $0x0;
	v5 =	vadd.s32 v8, v5  }
0x3c: {  	vm1 =	vlt.s32 v3, $0x1;
	v4 =	vadd.s32 v4, v3;
	v3 =	vshll.u32 v5, $0x4  }
.Ltmp2:
0x3d: {  	v2 =	vshll.u32 v2, $0x4;
	v4 =	vshrl.u32 v4, $0x4;
	vm0 =	vmand vm1, vm0;
	[tilespmem:s3+$0x780] =	vst v3;
	(pc) =	sbr.rel @p0 .LBB2_2-.Ltmp2, $4  }
0x3e: {  	v8 =	vsel vm0, $0xFFFFFFFF, v0;
	[tilespmem:s0+$0x500] =	vst v2;
	s0 =	smov.u32 s3;
	s3 =	smov.u32 s5  }
0x3f: {  	v2 =	vadd.s32 v8, v4;
	v5 =	vshra.s32 v6, $0x1F;
	v7 =	vand.u32 $0xF, v6  }
0x40: {  	vm0 =	vlt.s32 v6, $0x1;
	v5 =	vshrl.u32 v5, $0x1C;
	vm1 =	vne.s32 v7, $0x0;
	v3 =	vmovc v9  }
0x41: {  	s5 =	sshra.s32 s6, $0x2;
	s6 =	sadd.s32 $0x40, s6;
	v4 =	vshra.s32 v3, $0x1F;
	v5 =	vadd.s32 v5, v6;
	vm0 =	vmand vm0, vm1  }
0x42: {  	v6 =	vld [tilespmem:s5+$0x280];
	v7 =	vand.u32 $0xF, v3  }
0x43: {  	v5 =	vshrl.u32 v5, $0x4;
	v8 =	vsel vm0, $0xFFFFFFFF, v0;
	v4 =	vshrl.u32 v4, $0x1C;
	v9 =	vld [tilespmem:s5+$0x0]  }
0x44: {  	vm1 =	vlt.s32 v3, $0x1;
	v2 =	vshll.u32 v2, $0x4;
	vm11 =	vne.s32 v7, $0x0  }
0x45: {  	v5 =	vadd.s32 v8, v5;
	v3 =	vadd.s32 v4, v3;
	vm0 =	vmand vm1, vm11  }
0x46: {  	v52 =	vshll.u32 v5, $0x4;
	v3 =	vshrl.u32 v3, $0x4;
	v53 =	vsel vm0, $0xFFFFFFFF, v0  }
0x47: {  	v3 =	vadd.s32 v53, v3;
	v54 =	vshra.s32 v6, $0x1F;
	v55 =	vand.u32 $0xF, v6  }
0x48: {  	vm12 =	vlt.s32 v6, $0x1;
	v57 =	vshra.s32 v9, $0x1F;
	v58 =	vand.u32 $0xF, v9  }
0x49: {  	vm15 =	vlt.s32 v9, $0x1;
	v56 =	vshrl.u32 v54, $0x1C;
	vm13 =	vne.s32 v55, $0x0  }
0x4a: {  	v7 =	vshrl.u32 v57, $0x1C;
	v5 =	vadd.s32 v56, v6;
	vm0 =	vmand vm12, vm13  }
0x4b: {  	vm14 =	vne.s32 v58, $0x0;
	v5 =	vshrl.u32 v5, $0x4;
	v59 =	vsel vm0, $0xFFFFFFFF, v0  }
0x4c: {  	[tilespmem:s3+$0x780] =	vst v52;
	v61 =	vadd.s32 v7, v9;
	vm0 =	vmand vm15, vm14;
	v60 =	vadd.s32 v59, v5  }
0x4d: {  	[tilespmem:s0+$0x500] =	vst v2;
	v62 =	vshrl.u32 v61, $0x4;
	v63 =	vsel vm0, $0xFFFFFFFF, v0;
	v2 =	vshll.u32 v60, $0x4  }
0x4e: {  	[tilespmem:s5+$0x780] =	vst v2;
	v2 =	vshll.u32 v3, $0x4;
	v3 =	vadd.s32 v63, v62  }
0x4f: {  	[tilespmem:s3+$0x500] =	vst v2;
	v2 =	vshll.u32 v3, $0x4  }
0x50: {  	s28 =	simm.s32 $0x500;
	[tilespmem:s5+$0x500] =	vst v2  }
0x51: {  	v2 =	vld [tilespmem:s28+$0x0];
	_ =	sdelay $0x4  }
0x52: {  	(v2sf) =	vpush v2, $0x0;
	_ =	sdelay $0xe  }
0x53: {  	s29 =	spop (v2sf)  }
0x54: {  	s30 =	sshll.u32 s29, $0x3  }
0x55: {  	s0 =	simm.s32 $0x0;
	s3 =	sand.u32 $0x70, s29;
	s5 =	sand.u32 $0xFFFFFC00, s30  }
0x56: {  	s6 =	sand.u32 $0x400, s0;
	s7 =	sand.u32 $0x70, s0;
	s5 =	sor.u32 s3, s5  }
0x57: {  	s3 =	sor.u32 s7, s6;
	s5 =	sshrl.u32 s5, $0x3  }
0x58: {  	s8 =	simm.s32 $0x780;
	s6 =	sor.u32 $0xA00, s3;
	s5 =	sadd.s32 s1, s5  }
0x59: {  	v2 =	vld [tilespmem:s8+$0x0];
	[tilespmem:s6], [sflag:$0x1] =	stream.linear.gather [hbm4b:s5+s0], $0x10, $0x38  }
0x5a: {  	s7 =	sor.u32 $0xA80, s3;
	s31 =	sadd.s32 $0x10, s5  }
0x5b: {  	[tilespmem:s7], [sflag:$0x1] =	stream.linear.gather [hbm4b:s31+s0], $0x10, $0x38;
	[tilespmem:$0x10A00] =	vst v63  }
0x5c: {  	s8 =	sor.u32 $0xB00, s3;
	s7 =	sadd.s32 $0x20, s5  }
0x5d: {  	[tilespmem:s8], [sflag:$0x1] =	stream.linear.gather [hbm4b:s7+s0], $0x10, $0x38;
	[tilespmem:$0x10A00] =	vst v63  }
0x5e: {  	s10 =	sor.u32 $0xB80, s3;
	s9 =	sadd.s32 $0x30, s5  }
0x5f: {  	[tilespmem:s10], [sflag:$0x1] =	stream.linear.gather [hbm4b:s9+s0], $0x10, $0x38;
	[tilespmem:$0x10A00] =	vst v63  }
0x60: {  	s12 =	sadd.s32 $0xC00, s3;
	s11 =	sadd.s32 $0x40, s5  }
0x61: {  	[tilespmem:s12], [sflag:$0x1] =	stream.linear.gather [hbm4b:s11+s0], $0x10, $0x38;
	[tilespmem:$0x10A00] =	vst v63  }
0x62: {  	s16 =	sadd.s32 $0xC80, s3;
	s15 =	sadd.s32 $0x50, s5  }
0x63: {  	[tilespmem:s16], [sflag:$0x1] =	stream.linear.gather [hbm4b:s15+s0], $0x10, $0x38;
	[tilespmem:$0x10A00] =	vst v63  }
0x64: {  	s20 =	sadd.s32 $0xD00, s3;
	s19 =	sadd.s32 $0x60, s5  }
0x65: {  	[tilespmem:s20], [sflag:$0x1] =	stream.linear.gather [hbm4b:s19+s0], $0x10, $0x38;
	[tilespmem:$0x10A00] =	vst v63  }
0x66: {  	s22 =	sadd.s32 $0xD80, s3;
	s21 =	sadd.s32 $0x70, s5  }
0x67: {  	[tilespmem:s22], [sflag:$0x1] =	stream.linear.gather [hbm4b:s21+s0], $0x10, $0x38;
	[tilespmem:$0x10A00] =	vst v63  }
0x68: {  	s24 =	sor.u32 $0x1200, s3;
	s23 =	sadd.s32 $0xF4280, s5  }
0x69: {  	[tilespmem:s24], [sflag:$0x1] =	stream.linear.gather [hbm4b:s23+s0], $0x10, $0x38;
	[tilespmem:$0x10A00] =	vst v63  }
0x6a: {  	s25 =	sor.u32 $0x1280, s3;
	s26 =	sadd.s32 $0x10, s23  }
0x6b: {  	[tilespmem:s25], [sflag:$0x1] =	stream.linear.gather [hbm4b:s26+s0], $0x10, $0x38;
	[tilespmem:$0x10A00] =	vst v63  }
0x6c: {  	s28 =	sor.u32 $0x1300, s3;
	s29 =	sadd.s32 $0x20, s23  }
0x6d: {  	[tilespmem:s28], [sflag:$0x1] =	stream.linear.gather [hbm4b:s29+s0], $0x10, $0x38;
	[tilespmem:$0x10A00] =	vst v63  }
0x6e: {  	s30 =	sor.u32 $0x1380, s3;
	s31 =	sadd.s32 $0x30, s23  }
0x6f: {  	[tilespmem:s30], [sflag:$0x1] =	stream.linear.gather [hbm4b:s31+s0], $0x10, $0x38;
	[tilespmem:$0x10A00] =	vst v63  }
0x70: {  	s8 =	sadd.s32 $0x40, s23;
	s9 =	sadd.s32 $0x1400, s3  }
0x71: {  	[tilespmem:s9], [sflag:$0x1] =	stream.linear.gather [hbm4b:s8+s0], $0x10, $0x38;
	[tilespmem:$0x10A00] =	vst v63  }
0x72: {  	s10 =	sadd.s32 $0x50, s23;
	s11 =	sadd.s32 $0x1480, s3  }
0x73: {  	[tilespmem:s11], [sflag:$0x1] =	stream.linear.gather [hbm4b:s10+s0], $0x10, $0x38;
	[tilespmem:$0x10A00] =	vst v63  }
0x74: {  	s12 =	sadd.s32 $0x60, s23;
	s15 =	sadd.s32 $0x1500, s3  }
0x75: {  	[tilespmem:s15], [sflag:$0x1] =	stream.linear.gather [hbm4b:s12+s0], $0x10, $0x38;
	[tilespmem:$0x10A00] =	vst v63  }
0x76: {  	s6 =	sadd.s32 $0x70, s23;
	s16 =	sadd.s32 $0x1580, s3  }
0x77: {  	[tilespmem:s16], [sflag:$0x1] =	stream.linear.gather [hbm4b:s6+s0], $0x10, $0x38;
	[tilespmem:$0x10A00] =	vst v63  }
0x78: {  	s19 =	sadd.s32 $0x1E8500, s5;
	s20 =	sor.u32 $0x1A00, s3  }
0x79: {  	[tilespmem:s20], [sflag:$0x1] =	stream.linear.gather [hbm4b:s19+s0], $0x10, $0x38;
	[tilespmem:$0x10A00] =	vst v63  }
0x7a: {  	s21 =	sadd.s32 $0x10, s19;
	s22 =	sor.u32 $0x1A80, s3  }
0x7b: {  	[tilespmem:s22], [sflag:$0x1] =	stream.linear.gather [hbm4b:s21+s0], $0x10, $0x38;
	[tilespmem:$0x10A00] =	vst v63  }
0x7c: {  	s23 =	sadd.s32 $0x20, s19;
	s24 =	sor.u32 $0x1B00, s3  }
0x7d: {  	(v2sf) =	vpush v2, $0x0;
	[tilespmem:s24], [sflag:$0x1] =	stream.linear.gather [hbm4b:s23+s0], $0x10, $0x38;
	[tilespmem:$0x10A00] =	vst v63  }
0x7e: {  	s25 =	sadd.s32 $0x30, s19;
	s26 =	sor.u32 $0x1B80, s3  }
0x7f: {  	[tilespmem:s26], [sflag:$0x1] =	stream.linear.gather [hbm4b:s25+s0], $0x10, $0x38;
	[tilespmem:$0x10A00] =	vst v63  }
0x80: {  	s28 =	sadd.s32 $0x40, s19;
	s29 =	sadd.s32 $0x1C00, s3  }
0x81: {  	[tilespmem:s29], [sflag:$0x1] =	stream.linear.gather [hbm4b:s28+s0], $0x10, $0x38;
	[tilespmem:$0x10A00] =	vst v63  }
0x82: {  	s30 =	sadd.s32 $0x50, s19;
	s31 =	sadd.s32 $0x1C80, s3  }
0x83: {  	[tilespmem:s31], [sflag:$0x1] =	stream.linear.gather [hbm4b:s30+s0], $0x10, $0x38;
	[tilespmem:$0x10A00] =	vst v63  }
0x84: {  	s9 =	sadd.s32 $0x60, s19;
	s10 =	sadd.s32 $0x1D00, s3  }
0x85: {  	[tilespmem:s10], [sflag:$0x1] =	stream.linear.gather [hbm4b:s9+s0], $0x10, $0x38;
	[tilespmem:$0x10A00] =	vst v63  }
0x86: {  	s11 =	sadd.s32 $0x1D80, s3;
	s6 =	sadd.s32 $0x70, s19  }
0x87: {  	[tilespmem:s11], [sflag:$0x1] =	stream.linear.gather [hbm4b:s6+s0], $0x10, $0x38;
	[tilespmem:$0x10A00] =	vst v63  }
0x88: {  	s5 =	sadd.s32 $0x2DC780, s5;
	s12 =	sor.u32 $0x2200, s3  }
0x89: {  	[tilespmem:s12], [sflag:$0x1] =	stream.linear.gather [hbm4b:s5+s0], $0x10, $0x38;
	[tilespmem:$0x10A00] =	vst v63  }
0x8a: {  	s15 =	sadd.s32 $0x10, s5;
	s16 =	sor.u32 $0x2280, s3  }
0x8b: {  	[tilespmem:s16], [sflag:$0x1] =	stream.linear.gather [hbm4b:s15+s0], $0x10, $0x38;
	[tilespmem:$0x10A00] =	vst v63  }
0x8c: {  	s19 =	spop (v2sf);
	s20 =	sadd.s32 $0x20, s5;
	s21 =	sor.u32 $0x2300, s3  }
0x8d: {  	[tilespmem:s21], [sflag:$0x1] =	stream.linear.gather [hbm4b:s20+s0], $0x10, $0x38;
	[tilespmem:$0x10A00] =	vst v63  }
0x8e: {  	s22 =	sshll.u32 s19, $0x3;
	s23 =	sadd.s32 $0x30, s5;
	s9 =	sor.u32 $0x2380, s3  }
0x8f: {  	[tilespmem:s9], [sflag:$0x1] =	stream.linear.gather [hbm4b:s23+s0], $0x10, $0x38;
	[tilespmem:$0x10A00] =	vst v63  }
0x90: {  	s7 =	sand.u32 $0xFFFFFC00, s22;
	s24 =	sadd.s32 $0x40, s5;
	s25 =	sadd.s32 $0x2400, s3  }
0x91: {  	[tilespmem:s25], [sflag:$0x1] =	stream.linear.gather [hbm4b:s24+s0], $0x10, $0x38;
	[tilespmem:$0x10A00] =	vst v63  }
0x92: {  	s26 =	sadd.s32 $0x50, s5;
	s28 =	sadd.s32 $0x2480, s3;
	s6 =	sand.u32 $0x70, s19  }
0x93: {  	[tilespmem:s28], [sflag:$0x1] =	stream.linear.gather [hbm4b:s26+s0], $0x10, $0x38;
	[tilespmem:$0x10A00] =	vst v63  }
0x94: {  	s29 =	sadd.s32 $0x60, s5;
	s30 =	sadd.s32 $0x2500, s3;
	s6 =	sor.u32 s6, s7  }
0x95: {  	[tilespmem:s30], [sflag:$0x1] =	stream.linear.gather [hbm4b:s29+s0], $0x10, $0x38;
	[tilespmem:$0x10A00] =	vst v63  }
0x96: {  	s31 =	sadd.s32 $0x2580, s3;
	s6 =	sshrl.u32 s6, $0x3;
	s5 =	sadd.s32 $0x70, s5  }
0x97: {  	[tilespmem:s31], [sflag:$0x1] =	stream.linear.gather [hbm4b:s5+s0], $0x10, $0x38;
	[tilespmem:$0x10A00] =	vst v63  }
0x98: {  	s8 =	sor.u32 $0x4A00, s3;
	s5 =	sadd.s32 s2, s6  }
0x99: {  	[tilespmem:s8], [sflag:$0x3] =	stream.linear.gather [hbm4b:s5+s0], $0x10, $0x38;
	[tilespmem:$0x10A00] =	vst v63  }
0x9a: {  	s10 =	sor.u32 $0x4A80, s3;
	s9 =	sadd.s32 $0x10, s5  }
0x9b: {  	[tilespmem:s10], [sflag:$0x3] =	stream.linear.gather [hbm4b:s9+s0], $0x10, $0x38;
	[tilespmem:$0x10A00] =	vst v63  }
0x9c: {  	s12 =	sor.u32 $0x4B00, s3;
	s11 =	sadd.s32 $0x20, s5  }
0x9d: {  	[tilespmem:s12], [sflag:$0x3] =	stream.linear.gather [hbm4b:s11+s0], $0x10, $0x38;
	[tilespmem:$0x10A00] =	vst v63  }
0x9e: {  	s16 =	sor.u32 $0x4B80, s3;
	s15 =	sadd.s32 $0x30, s5  }
0x9f: {  	[tilespmem:s16], [sflag:$0x3] =	stream.linear.gather [hbm4b:s15+s0], $0x10, $0x38;
	[tilespmem:$0x10A00] =	vst v63  }
0xa0: {  	s20 =	sadd.s32 $0x4C00, s3;
	s19 =	sadd.s32 $0x40, s5  }
0xa1: {  	[tilespmem:s20], [sflag:$0x3] =	stream.linear.gather [hbm4b:s19+s0], $0x10, $0x38;
	[tilespmem:$0x10A00] =	vst v63  }
0xa2: {  	s22 =	sadd.s32 $0x4C80, s3;
	s21 =	sadd.s32 $0x50, s5  }
0xa3: {  	[tilespmem:s22], [sflag:$0x3] =	stream.linear.gather [hbm4b:s21+s0], $0x10, $0x38;
	[tilespmem:$0x10A00] =	vst v63  }
0xa4: {  	s24 =	sadd.s32 $0x4D00, s3;
	s23 =	sadd.s32 $0x60, s5  }
0xa5: {  	[tilespmem:s24], [sflag:$0x3] =	stream.linear.gather [hbm4b:s23+s0], $0x10, $0x38;
	[tilespmem:$0x10A00] =	vst v63  }
0xa6: {  	s26 =	sadd.s32 $0x4D80, s3;
	s25 =	sadd.s32 $0x70, s5  }
0xa7: {  	[tilespmem:s26], [sflag:$0x3] =	stream.linear.gather [hbm4b:s25+s0], $0x10, $0x38;
	[tilespmem:$0x10A00] =	vst v63  }
0xa8: {  	s29 =	sor.u32 $0x5200, s3;
	s28 =	sadd.s32 $0x18700, s5  }
0xa9: {  	[tilespmem:s29], [sflag:$0x3] =	stream.linear.gather [hbm4b:s28+s0], $0x10, $0x38;
	[tilespmem:$0x10A00] =	vst v63  }
0xaa: {  	s31 =	sor.u32 $0x5280, s3;
	s30 =	sadd.s32 $0x10, s28  }
0xab: {  	[tilespmem:s31], [sflag:$0x3] =	stream.linear.gather [hbm4b:s30+s0], $0x10, $0x38;
	[tilespmem:$0x10A00] =	vst v63  }
0xac: {  	s8 =	sadd.s32 $0x20, s28;
	s9 =	sor.u32 $0x5300, s3  }
0xad: {  	[tilespmem:s9], [sflag:$0x3] =	stream.linear.gather [hbm4b:s8+s0], $0x10, $0x38;
	[tilespmem:$0x10A00] =	vst v63  }
0xae: {  	s10 =	sadd.s32 $0x30, s28;
	s11 =	sor.u32 $0x5380, s3  }
0xaf: {  	[tilespmem:s11], [sflag:$0x3] =	stream.linear.gather [hbm4b:s10+s0], $0x10, $0x38;
	[tilespmem:$0x10A00] =	vst v63  }
0xb0: {  	s12 =	sadd.s32 $0x40, s28;
	s15 =	sadd.s32 $0x5400, s3  }
0xb1: {  	[tilespmem:s15], [sflag:$0x3] =	stream.linear.gather [hbm4b:s12+s0], $0x10, $0x38;
	[tilespmem:$0x10A00] =	vst v63  }
0xb2: {  	s16 =	sadd.s32 $0x50, s28;
	s19 =	sadd.s32 $0x5480, s3  }
0xb3: {  	[tilespmem:s19], [sflag:$0x3] =	stream.linear.gather [hbm4b:s16+s0], $0x10, $0x38;
	[tilespmem:$0x10A00] =	vst v63  }
0xb4: {  	s20 =	sadd.s32 $0x60, s28;
	s21 =	sadd.s32 $0x5500, s3  }
0xb5: {  	[tilespmem:s21], [sflag:$0x3] =	stream.linear.gather [hbm4b:s20+s0], $0x10, $0x38;
	[tilespmem:$0x10A00] =	vst v63  }
0xb6: {  	s6 =	sadd.s32 $0x70, s28;
	s22 =	sadd.s32 $0x5580, s3  }
0xb7: {  	[tilespmem:s22], [sflag:$0x3] =	stream.linear.gather [hbm4b:s6+s0], $0x10, $0x38;
	[tilespmem:$0x10A00] =	vst v63  }
0xb8: {  	s23 =	sadd.s32 $0x30E00, s5;
	s24 =	sor.u32 $0x5A00, s3  }
0xb9: {  	[tilespmem:s24], [sflag:$0x3] =	stream.linear.gather [hbm4b:s23+s0], $0x10, $0x38;
	[tilespmem:$0x10A00] =	vst v63  }
0xba: {  	s25 =	sadd.s32 $0x10, s23;
	s26 =	sor.u32 $0x5A80, s3  }
0xbb: {  	[tilespmem:s26], [sflag:$0x3] =	stream.linear.gather [hbm4b:s25+s0], $0x10, $0x38;
	[tilespmem:$0x10A00] =	vst v63  }
0xbc: {  	s28 =	sadd.s32 $0x20, s23;
	s29 =	sor.u32 $0x5B00, s3  }
0xbd: {  	[tilespmem:s29], [sflag:$0x3] =	stream.linear.gather [hbm4b:s28+s0], $0x10, $0x38;
	[tilespmem:$0x10A00] =	vst v63  }
0xbe: {  	s30 =	sadd.s32 $0x30, s23;
	s31 =	sor.u32 $0x5B80, s3  }
0xbf: {  	[tilespmem:s31], [sflag:$0x3] =	stream.linear.gather [hbm4b:s30+s0], $0x10, $0x38;
	[tilespmem:$0x10A00] =	vst v63  }
0xc0: {  	s8 =	sadd.s32 $0x40, s23;
	s9 =	sadd.s32 $0x5C00, s3  }
0xc1: {  	[tilespmem:s9], [sflag:$0x3] =	stream.linear.gather [hbm4b:s8+s0], $0x10, $0x38;
	[tilespmem:$0x10A00] =	vst v63  }
0xc2: {  	s10 =	sadd.s32 $0x50, s23;
	s11 =	sadd.s32 $0x5C80, s3  }
0xc3: {  	[tilespmem:s11], [sflag:$0x3] =	stream.linear.gather [hbm4b:s10+s0], $0x10, $0x38;
	[tilespmem:$0x10A00] =	vst v63  }
0xc4: {  	s7 =	simm.s32 $0x80;
	s12 =	sadd.s32 $0x60, s23;
	s15 =	sadd.s32 $0x5D00, s3  }
0xc5: {  	[tilespmem:s15], [sflag:$0x3] =	stream.linear.gather [hbm4b:s12+s0], $0x10, $0x38;
	[tilespmem:$0x10A00] =	vst v63  }
0xc6: {  	s16 =	sadd.s32 $0x5D80, s3;
	s19 =	sadd.s32 $0x49500, s5;
	s6 =	sadd.s32 $0x70, s23  }
0xc7: {  	[tilespmem:s16], [sflag:$0x3] =	stream.linear.gather [hbm4b:s6+s0], $0x10, $0x38;
	[tilespmem:$0x10A00] =	vst v63  }
0xc8: {  	s5 =	simm.s32 $0x501;
	s20 =	sor.u32 $0x6200, s3;
	s21 =	sadd.s32 $0x10, s19  }
0xc9: {  	[tilespmem:s20], [sflag:$0x3] =	stream.linear.gather [hbm4b:s19+s0], $0x10, $0x38;
	[tilespmem:$0x10A00] =	vst v63  }
0xca: {  	s22 =	sor.u32 $0x6280, s3;
	s23 =	sadd.s32 $0x20, s19;
	s24 =	sor.u32 $0x6300, s3  }
0xcb: {  	[tilespmem:s22], [sflag:$0x3] =	stream.linear.gather [hbm4b:s21+s0], $0x10, $0x38;
	[tilespmem:$0x10A00] =	vst v63  }
0xcc: {  	s25 =	sadd.s32 $0x30, s19;
	s26 =	sor.u32 $0x6380, s3;
	s28 =	sadd.s32 $0x40, s19  }
0xcd: {  	[tilespmem:s24], [sflag:$0x3] =	stream.linear.gather [hbm4b:s23+s0], $0x10, $0x38;
	[tilespmem:$0x10A00] =	vst v63  }
0xce: {  	s29 =	sadd.s32 $0x6400, s3;
	s30 =	sadd.s32 $0x50, s19;
	s31 =	sadd.s32 $0x6480, s3  }
0xcf: {  	[tilespmem:s26], [sflag:$0x3] =	stream.linear.gather [hbm4b:s25+s0], $0x10, $0x38;
	[tilespmem:$0x10A00] =	vst v63  }
0xd0: {  	s8 =	sadd.s32 $0x60, s19;
	s9 =	sadd.s32 $0x6500, s3;
	s10 =	simm.s32 $0x10  }
0xd1: {  	[tilespmem:s29], [sflag:$0x3] =	stream.linear.gather [hbm4b:s28+s0], $0x10, $0x38;
	[tilespmem:$0x10A00] =	vst v63  }
0xd2: {  	s6 =	simm.s32 $0x781;
	s20 =	sadd.s32 $0x70, s19;
	s19 =	sadd.s32 $0x6580, s3  }
0xd3: {  	[tilespmem:s31], [sflag:$0x3] =	stream.linear.gather [hbm4b:s30+s0], $0x10, $0x38;
	[tilespmem:$0x10A00] =	vst v63  }
.LBB2_4:
0xd4: {  	[tilespmem:s9], [sflag:$0x3] =	stream.linear.gather [hbm4b:s8+s0], $0x10, $0x38;
	[tilespmem:$0x10A00] =	vst v63  }
0xd5: {  	p0 =	sne.s32 s10, $0xF0;
	s8 =	smov.u32 s10;
	s10 =	sadd.s32 $0x10, s10  }
0xd6: {  	[tilespmem:s19], [sflag:$0x3] =	stream.linear.gather [hbm4b:s20+s0], $0x10, $0x38;
	[tilespmem:$0x10A00] =	vst v63  }
0xd7: {  	v2 =	vld [tilespmem:s5+$0x0];
	_ =	sdelay $0x4  }
0xd8: {  	(v2sf) =	vpush v2, $0x0;
	_ =	sdelay $0xe  }
0xd9: {  	s9 =	spop (v2sf)  }
0xda: {  	s8 =	sand.u32 $0x70, s8;
	s20 =	sand.u32 $0x400, s7;
	s19 =	sshll.u32 s9, $0x3  }
0xdb: {  	s9 =	sand.u32 $0x70, s9;
	s21 =	sand.u32 $0xFFFFFC00, s19;
	s19 =	sor.u32 s8, s20  }
0xdc: {  	v2 =	vld [tilespmem:s6+$0x0];
	s8 =	sor.u32 s9, s21;
	s9 =	sor.u32 $0xA00, s19  }
0xdd: {  	s8 =	sshrl.u32 s8, $0x3  }
0xde: {  	s8 =	sadd.s32 s1, s8  }
0xdf: {  	[tilespmem:s9], [sflag:$0x1] =	stream.linear.gather [hbm4b:s8+s0], $0x10, $0x38;
	[tilespmem:$0x10A00] =	vst v63  }
0xe0: {  	s20 =	sor.u32 $0xA80, s19;
	s9 =	sadd.s32 $0x10, s8  }
0xe1: {  	[tilespmem:s20], [sflag:$0x1] =	stream.linear.gather [hbm4b:s9+s0], $0x10, $0x38;
	(v2sf) =	vpush v2, $0x0;
	[tilespmem:$0x10A00] =	vst v63  }
0xe2: {  	s9 =	sadd.s32 $0x20, s8;
	s20 =	sor.u32 $0xB00, s19  }
0xe3: {  	[tilespmem:s20], [sflag:$0x1] =	stream.linear.gather [hbm4b:s9+s0], $0x10, $0x38;
	[tilespmem:$0x10A00] =	vst v63  }
0xe4: {  	s9 =	sadd.s32 $0x30, s8;
	s20 =	sor.u32 $0xB80, s19  }
0xe5: {  	[tilespmem:s20], [sflag:$0x1] =	stream.linear.gather [hbm4b:s9+s0], $0x10, $0x38;
	[tilespmem:$0x10A00] =	vst v63  }
0xe6: {  	s9 =	sadd.s32 $0x40, s8;
	s20 =	sadd.s32 $0xC00, s19  }
0xe7: {  	[tilespmem:s20], [sflag:$0x1] =	stream.linear.gather [hbm4b:s9+s0], $0x10, $0x38;
	[tilespmem:$0x10A00] =	vst v63  }
0xe8: {  	s9 =	sadd.s32 $0x50, s8;
	s20 =	sadd.s32 $0xC80, s19  }
0xe9: {  	[tilespmem:s20], [sflag:$0x1] =	stream.linear.gather [hbm4b:s9+s0], $0x10, $0x38;
	[tilespmem:$0x10A00] =	vst v63  }
0xea: {  	s21 =	sor.u32 $0x1380, s19;
	s9 =	sadd.s32 $0x60, s8;
	s20 =	sadd.s32 $0xD00, s19  }
0xeb: {  	[tilespmem:s20], [sflag:$0x1] =	stream.linear.gather [hbm4b:s9+s0], $0x10, $0x38;
	[tilespmem:$0x10A00] =	vst v63  }
0xec: {  	s22 =	sor.u32 $0x1300, s19;
	s9 =	sadd.s32 $0x70, s8;
	s20 =	sadd.s32 $0xD80, s19  }
0xed: {  	[tilespmem:s20], [sflag:$0x1] =	stream.linear.gather [hbm4b:s9+s0], $0x10, $0x38;
	[tilespmem:$0x10A00] =	vst v63  }
0xee: {  	s23 =	sor.u32 $0x1280, s19;
	s20 =	sadd.s32 $0xF4280, s8;
	s9 =	sor.u32 $0x1200, s19  }
0xef: {  	[tilespmem:s9], [sflag:$0x1] =	stream.linear.gather [hbm4b:s20+s0], $0x10, $0x38;
	[tilespmem:$0x10A00] =	vst v63  }
0xf0: {  	s24 =	sadd.s32 $0x20, s20;
	s9 =	sadd.s32 $0x10, s20;
	s25 =	spop (v2sf)  }
0xf1: {  	[tilespmem:s23], [sflag:$0x1] =	stream.linear.gather [hbm4b:s9+s0], $0x10, $0x38;
	[tilespmem:$0x10A00] =	vst v63  }
0xf2: {  	s9 =	sadd.s32 $0x30, s20;
	s23 =	sshll.u32 s25, $0x3;
	s25 =	sand.u32 $0x70, s25  }
0xf3: {  	[tilespmem:s22], [sflag:$0x1] =	stream.linear.gather [hbm4b:s24+s0], $0x10, $0x38;
	[tilespmem:$0x10A00] =	vst v63  }
0xf4: {  	s23 =	sand.u32 $0xFFFFFC00, s23;
	s22 =	sadd.s32 $0x40, s20;
	s24 =	sadd.s32 $0x1400, s19  }
0xf5: {  	[tilespmem:s21], [sflag:$0x1] =	stream.linear.gather [hbm4b:s9+s0], $0x10, $0x38;
	[tilespmem:$0x10A00] =	vst v63  }
0xf6: {  	s26 =	sadd.s32 $0x1480, s19;
	s21 =	sadd.s32 $0x50, s20;
	s9 =	sor.u32 s25, s23  }
0xf7: {  	[tilespmem:s24], [sflag:$0x1] =	stream.linear.gather [hbm4b:s22+s0], $0x10, $0x38;
	[tilespmem:$0x10A00] =	vst v63  }
0xf8: {  	s23 =	sadd.s32 $0x1500, s19;
	s9 =	sshrl.u32 s9, $0x3;
	s22 =	sadd.s32 $0x60, s20  }
0xf9: {  	[tilespmem:s26], [sflag:$0x1] =	stream.linear.gather [hbm4b:s21+s0], $0x10, $0x38;
	[tilespmem:$0x10A00] =	vst v63  }
0xfa: {  	s20 =	sadd.s32 $0x70, s20;
	s21 =	sadd.s32 $0x1580, s19  }
0xfb: {  	[tilespmem:s23], [sflag:$0x1] =	stream.linear.gather [hbm4b:s22+s0], $0x10, $0x38;
	[tilespmem:$0x10A00] =	vst v63  }
0xfc: {  	s22 =	sadd.s32 $0x1E8500, s8;
	s23 =	sor.u32 $0x1A00, s19  }
0xfd: {  	[tilespmem:s21], [sflag:$0x1] =	stream.linear.gather [hbm4b:s20+s0], $0x10, $0x38;
	[tilespmem:$0x10A00] =	vst v63  }
0xfe: {  	s20 =	sadd.s32 $0x10, s22;
	s21 =	sor.u32 $0x1A80, s19  }
0xff: {  	[tilespmem:s23], [sflag:$0x1] =	stream.linear.gather [hbm4b:s22+s0], $0x10, $0x38;
	[tilespmem:$0x10A00] =	vst v63  }
0x100: {  	s24 =	sor.u32 $0x1B00, s19;
	s23 =	sadd.s32 $0x20, s22  }
0x101: {  	[tilespmem:s21], [sflag:$0x1] =	stream.linear.gather [hbm4b:s20+s0], $0x10, $0x38;
	[tilespmem:$0x10A00] =	vst v63  }
0x102: {  	s20 =	sadd.s32 $0x30, s22;
	s21 =	sor.u32 $0x1B80, s19  }
0x103: {  	[tilespmem:s24], [sflag:$0x1] =	stream.linear.gather [hbm4b:s23+s0], $0x10, $0x38;
	[tilespmem:$0x10A00] =	vst v63  }
0x104: {  	s23 =	sadd.s32 $0x40, s22;
	s24 =	sadd.s32 $0x1C00, s19  }
0x105: {  	[tilespmem:s21], [sflag:$0x1] =	stream.linear.gather [hbm4b:s20+s0], $0x10, $0x38;
	[tilespmem:$0x10A00] =	vst v63  }
0x106: {  	s20 =	sadd.s32 $0x50, s22;
	s21 =	sadd.s32 $0x1C80, s19  }
0x107: {  	[tilespmem:s24], [sflag:$0x1] =	stream.linear.gather [hbm4b:s23+s0], $0x10, $0x38;
	[tilespmem:$0x10A00] =	vst v63  }
0x108: {  	s23 =	sadd.s32 $0x60, s22;
	s24 =	sadd.s32 $0x1D00, s19  }
0x109: {  	[tilespmem:s21], [sflag:$0x1] =	stream.linear.gather [hbm4b:s20+s0], $0x10, $0x38;
	[tilespmem:$0x10A00] =	vst v63  }
0x10a: {  	s20 =	sadd.s32 $0x70, s22;
	s21 =	sadd.s32 $0x1D80, s19  }
0x10b: {  	[tilespmem:s24], [sflag:$0x1] =	stream.linear.gather [hbm4b:s23+s0], $0x10, $0x38;
	[tilespmem:$0x10A00] =	vst v63  }
0x10c: {  	s8 =	sadd.s32 $0x2DC780, s8;
	s22 =	sor.u32 $0x2200, s19  }
0x10d: {  	[tilespmem:s21], [sflag:$0x1] =	stream.linear.gather [hbm4b:s20+s0], $0x10, $0x38;
	[tilespmem:$0x10A00] =	vst v63  }
0x10e: {  	s20 =	sadd.s32 $0x10, s8;
	s21 =	sor.u32 $0x2280, s19  }
0x10f: {  	[tilespmem:s22], [sflag:$0x1] =	stream.linear.gather [hbm4b:s8+s0], $0x10, $0x38;
	[tilespmem:$0x10A00] =	vst v63  }
0x110: {  	s23 =	sor.u32 $0x2300, s19;
	s22 =	sadd.s32 $0x20, s8  }
0x111: {  	[tilespmem:s21], [sflag:$0x1] =	stream.linear.gather [hbm4b:s20+s0], $0x10, $0x38;
	[tilespmem:$0x10A00] =	vst v63  }
0x112: {  	s20 =	sadd.s32 $0x30, s8;
	s21 =	sor.u32 $0x2380, s19  }
0x113: {  	[tilespmem:s23], [sflag:$0x1] =	stream.linear.gather [hbm4b:s22+s0], $0x10, $0x38;
	[tilespmem:$0x10A00] =	vst v63  }
0x114: {  	s22 =	sadd.s32 $0x40, s8;
	s23 =	sadd.s32 $0x2400, s19  }
0x115: {  	[tilespmem:s21], [sflag:$0x1] =	stream.linear.gather [hbm4b:s20+s0], $0x10, $0x38;
	[tilespmem:$0x10A00] =	vst v63  }
0x116: {  	s20 =	sadd.s32 $0x50, s8;
	s21 =	sadd.s32 $0x2480, s19  }
0x117: {  	[tilespmem:s23], [sflag:$0x1] =	stream.linear.gather [hbm4b:s22+s0], $0x10, $0x38;
	[tilespmem:$0x10A00] =	vst v63  }
0x118: {  	s22 =	sadd.s32 $0x60, s8;
	s23 =	sadd.s32 $0x2500, s19  }
0x119: {  	[tilespmem:s21], [sflag:$0x1] =	stream.linear.gather [hbm4b:s20+s0], $0x10, $0x38;
	[tilespmem:$0x10A00] =	vst v63  }
0x11a: {  	s20 =	sadd.s32 $0x70, s8;
	s21 =	sadd.s32 $0x2580, s19  }
0x11b: {  	[tilespmem:s23], [sflag:$0x1] =	stream.linear.gather [hbm4b:s22+s0], $0x10, $0x38;
	[tilespmem:$0x10A00] =	vst v63  }
0x11c: {  	s8 =	sadd.s32 s2, s9;
	s9 =	sor.u32 $0x4A00, s19  }
0x11d: {  	[tilespmem:s21], [sflag:$0x1] =	stream.linear.gather [hbm4b:s20+s0], $0x10, $0x38;
	[tilespmem:$0x10A00] =	vst v63  }
0x11e: {  	s20 =	sadd.s32 $0x10, s8;
	s21 =	sor.u32 $0x4A80, s19  }
0x11f: {  	[tilespmem:s9], [sflag:$0x3] =	stream.linear.gather [hbm4b:s8+s0], $0x10, $0x38;
	[tilespmem:$0x10A00] =	vst v63  }
0x120: {  	s22 =	sor.u32 $0x4B00, s19;
	s9 =	sadd.s32 $0x20, s8  }
0x121: {  	[tilespmem:s21], [sflag:$0x3] =	stream.linear.gather [hbm4b:s20+s0], $0x10, $0x38;
	[tilespmem:$0x10A00] =	vst v63  }
0x122: {  	s20 =	sadd.s32 $0x30, s8;
	s21 =	sor.u32 $0x4B80, s19  }
0x123: {  	[tilespmem:s22], [sflag:$0x3] =	stream.linear.gather [hbm4b:s9+s0], $0x10, $0x38;
	[tilespmem:$0x10A00] =	vst v63  }
0x124: {  	s9 =	sadd.s32 $0x40, s8;
	s22 =	sadd.s32 $0x4C00, s19  }
0x125: {  	[tilespmem:s21], [sflag:$0x3] =	stream.linear.gather [hbm4b:s20+s0], $0x10, $0x38;
	[tilespmem:$0x10A00] =	vst v63  }
0x126: {  	s20 =	sadd.s32 $0x50, s8;
	s21 =	sadd.s32 $0x4C80, s19  }
0x127: {  	[tilespmem:s22], [sflag:$0x3] =	stream.linear.gather [hbm4b:s9+s0], $0x10, $0x38;
	[tilespmem:$0x10A00] =	vst v63  }
0x128: {  	s9 =	sadd.s32 $0x60, s8;
	s22 =	sadd.s32 $0x4D00, s19  }
0x129: {  	[tilespmem:s21], [sflag:$0x3] =	stream.linear.gather [hbm4b:s20+s0], $0x10, $0x38;
	[tilespmem:$0x10A00] =	vst v63  }
0x12a: {  	s20 =	sadd.s32 $0x70, s8;
	s21 =	sadd.s32 $0x4D80, s19  }
0x12b: {  	[tilespmem:s22], [sflag:$0x3] =	stream.linear.gather [hbm4b:s9+s0], $0x10, $0x38;
	[tilespmem:$0x10A00] =	vst v63  }
0x12c: {  	s9 =	sadd.s32 $0x18700, s8;
	s22 =	sor.u32 $0x5200, s19  }
0x12d: {  	[tilespmem:s21], [sflag:$0x3] =	stream.linear.gather [hbm4b:s20+s0], $0x10, $0x38;
	[tilespmem:$0x10A00] =	vst v63  }
0x12e: {  	s20 =	sadd.s32 $0x10, s9;
	s21 =	sor.u32 $0x5280, s19  }
0x12f: {  	[tilespmem:s22], [sflag:$0x3] =	stream.linear.gather [hbm4b:s9+s0], $0x10, $0x38;
	[tilespmem:$0x10A00] =	vst v63  }
0x130: {  	s23 =	sor.u32 $0x5300, s19;
	s22 =	sadd.s32 $0x20, s9  }
0x131: {  	[tilespmem:s21], [sflag:$0x3] =	stream.linear.gather [hbm4b:s20+s0], $0x10, $0x38;
	[tilespmem:$0x10A00] =	vst v63  }
0x132: {  	s20 =	sadd.s32 $0x30, s9;
	s21 =	sor.u32 $0x5380, s19  }
0x133: {  	[tilespmem:s23], [sflag:$0x3] =	stream.linear.gather [hbm4b:s22+s0], $0x10, $0x38;
	[tilespmem:$0x10A00] =	vst v63  }
0x134: {  	s22 =	sadd.s32 $0x40, s9;
	s23 =	sadd.s32 $0x5400, s19  }
0x135: {  	[tilespmem:s21], [sflag:$0x3] =	stream.linear.gather [hbm4b:s20+s0], $0x10, $0x38;
	[tilespmem:$0x10A00] =	vst v63  }
0x136: {  	s20 =	sadd.s32 $0x50, s9;
	s21 =	sadd.s32 $0x5480, s19  }
0x137: {  	[tilespmem:s23], [sflag:$0x3] =	stream.linear.gather [hbm4b:s22+s0], $0x10, $0x38;
	[tilespmem:$0x10A00] =	vst v63  }
0x138: {  	s22 =	sadd.s32 $0x60, s9;
	s23 =	sadd.s32 $0x5500, s19  }
0x139: {  	[tilespmem:s21], [sflag:$0x3] =	stream.linear.gather [hbm4b:s20+s0], $0x10, $0x38;
	[tilespmem:$0x10A00] =	vst v63  }
0x13a: {  	s9 =	sadd.s32 $0x70, s9;
	s20 =	sadd.s32 $0x5580, s19  }
0x13b: {  	[tilespmem:s23], [sflag:$0x3] =	stream.linear.gather [hbm4b:s22+s0], $0x10, $0x38;
	[tilespmem:$0x10A00] =	vst v63  }
0x13c: {  	s21 =	sadd.s32 $0x30E00, s8;
	s22 =	sor.u32 $0x5A00, s19  }
0x13d: {  	[tilespmem:s20], [sflag:$0x3] =	stream.linear.gather [hbm4b:s9+s0], $0x10, $0x38;
	[tilespmem:$0x10A00] =	vst v63  }
0x13e: {  	s9 =	sadd.s32 $0x10, s21;
	s20 =	sor.u32 $0x5A80, s19  }
0x13f: {  	[tilespmem:s22], [sflag:$0x3] =	stream.linear.gather [hbm4b:s21+s0], $0x10, $0x38;
	[tilespmem:$0x10A00] =	vst v63  }
0x140: {  	s23 =	sor.u32 $0x5B00, s19;
	s22 =	sadd.s32 $0x20, s21  }
0x141: {  	[tilespmem:s20], [sflag:$0x3] =	stream.linear.gather [hbm4b:s9+s0], $0x10, $0x38;
	[tilespmem:$0x10A00] =	vst v63  }
0x142: {  	s9 =	sadd.s32 $0x30, s21;
	s20 =	sor.u32 $0x5B80, s19  }
0x143: {  	[tilespmem:s23], [sflag:$0x3] =	stream.linear.gather [hbm4b:s22+s0], $0x10, $0x38;
	[tilespmem:$0x10A00] =	vst v63  }
0x144: {  	s22 =	sadd.s32 $0x40, s21;
	s23 =	sadd.s32 $0x5C00, s19  }
0x145: {  	[tilespmem:s20], [sflag:$0x3] =	stream.linear.gather [hbm4b:s9+s0], $0x10, $0x38;
	[tilespmem:$0x10A00] =	vst v63  }
0x146: {  	s9 =	sadd.s32 $0x50, s21;
	s20 =	sadd.s32 $0x5C80, s19  }
0x147: {  	[tilespmem:s23], [sflag:$0x3] =	stream.linear.gather [hbm4b:s22+s0], $0x10, $0x38;
	[tilespmem:$0x10A00] =	vst v63  }
0x148: {  	s22 =	sadd.s32 $0x60, s21;
	s23 =	sadd.s32 $0x5D00, s19  }
0x149: {  	[tilespmem:s20], [sflag:$0x3] =	stream.linear.gather [hbm4b:s9+s0], $0x10, $0x38;
	[tilespmem:$0x10A00] =	vst v63  }
0x14a: {  	s9 =	sadd.s32 $0x70, s21;
	s20 =	sadd.s32 $0x5D80, s19  }
0x14b: {  	[tilespmem:s23], [sflag:$0x3] =	stream.linear.gather [hbm4b:s22+s0], $0x10, $0x38;
	[tilespmem:$0x10A00] =	vst v63  }
0x14c: {  	s21 =	sadd.s32 $0x49500, s8;
	s8 =	sor.u32 $0x6200, s19  }
0x14d: {  	[tilespmem:s20], [sflag:$0x3] =	stream.linear.gather [hbm4b:s9+s0], $0x10, $0x38;
	[tilespmem:$0x10A00] =	vst v63  }
0x14e: {  	s9 =	sadd.s32 $0x10, s21;
	s20 =	sor.u32 $0x6280, s19  }
0x14f: {  	[tilespmem:s8], [sflag:$0x3] =	stream.linear.gather [hbm4b:s21+s0], $0x10, $0x38;
	[tilespmem:$0x10A00] =	vst v63  }
0x150: {  	s22 =	sor.u32 $0x6300, s19;
	s8 =	sadd.s32 $0x20, s21  }
0x151: {  	[tilespmem:s20], [sflag:$0x3] =	stream.linear.gather [hbm4b:s9+s0], $0x10, $0x38;
	[tilespmem:$0x10A00] =	vst v63  }
0x152: {  	s9 =	sadd.s32 $0x30, s21;
	s20 =	sor.u32 $0x6380, s19  }
0x153: {  	[tilespmem:s22], [sflag:$0x3] =	stream.linear.gather [hbm4b:s8+s0], $0x10, $0x38;
	[tilespmem:$0x10A00] =	vst v63  }
0x154: {  	s5 =	sadd.s32 $0x1, s5;
	s8 =	sadd.s32 $0x40, s21;
	s22 =	sadd.s32 $0x6400, s19  }
0x155: {  	[tilespmem:s20], [sflag:$0x3] =	stream.linear.gather [hbm4b:s9+s0], $0x10, $0x38;
	[tilespmem:$0x10A00] =	vst v63  }
.Ltmp3:
0x156: {  	s23 =	sadd.s32 $0x6480, s19;
	s20 =	sadd.s32 $0x50, s21;
	(pc) =	sbr.rel @p0 .LBB2_4-.Ltmp3, $4  }
0x157: {  	[tilespmem:s22], [sflag:$0x3] =	stream.linear.gather [hbm4b:s8+s0], $0x10, $0x38;
	[tilespmem:$0x10A00] =	vst v63  }
0x158: {  	s6 =	sadd.s32 $0x1, s6;
	s9 =	sadd.s32 $0x6500, s19;
	s8 =	sadd.s32 $0x60, s21  }
0x159: {  	[tilespmem:s23], [sflag:$0x3] =	stream.linear.gather [hbm4b:s20+s0], $0x10, $0x38;
	[tilespmem:$0x10A00] =	vst v63  }
0x15a: {  	s7 =	sadd.s32 $0x80, s7;
	s19 =	sadd.s32 $0x6580, s19;
	s20 =	sadd.s32 $0x70, s21  }
0x15b: {  	[tilespmem:s9], [sflag:$0x3] =	stream.linear.gather [hbm4b:s8+s0], $0x10, $0x38;
	[tilespmem:$0x10A00] =	vst v63  }
0x15c: {  	s10 =	simm.s32 $0x510  }
0x15d: {  	[tilespmem:s19], [sflag:$0x3] =	stream.linear.gather [hbm4b:s20+s0], $0x10, $0x38;
	[tilespmem:$0x10A00] =	vst v63  }
0x15e: {  	v2 =	vld [tilespmem:s10+$0x0];
	_ =	sdelay $0x4  }
0x15f: {  	(v2sf) =	vpush v2, $0x0;
	_ =	sdelay $0xe  }
0x160: {  	s5 =	spop (v2sf)  }
0x161: {  	s6 =	sshll.u32 s5, $0x3  }
0x162: {  	s5 =	sand.u32 $0x70, s5;
	s6 =	sand.u32 $0xFFFFFC00, s6  }
0x163: {  	s5 =	sor.u32 s5, s6  }
0x164: {  	s25 =	simm.s32 $0x0;
	s5 =	sshrl.u32 s5, $0x3  }
0x165: {  	s19 =	simm.s32 $0x790;
	s20 =	sor.u32 $0x2A00, s3;
	s5 =	sadd.s32 s1, s5  }
0x166: {  	v2 =	vld [tilespmem:s19+$0x0];
	[tilespmem:s20], [sflag:$0x2] =	stream.linear.gather [hbm4b:s5+s25], $0x10, $0x38  }
0x167: {  	s7 =	sor.u32 $0x2A80, s3;
	s21 =	sadd.s32 $0x10, s5  }
0x168: {  	[tilespmem:s7], [sflag:$0x2] =	stream.linear.gather [hbm4b:s21+s25], $0x10, $0x38;
	[tilespmem:$0x10A00] =	vst v63  }
0x169: {  	s23 =	sor.u32 $0x2B00, s3;
	s22 =	sadd.s32 $0x20, s5  }
0x16a: {  	[tilespmem:s23], [sflag:$0x2] =	stream.linear.gather [hbm4b:s22+s25], $0x10, $0x38;
	[tilespmem:$0x10A00] =	vst v63  }
0x16b: {  	s26 =	sor.u32 $0x2B80, s3;
	s24 =	sadd.s32 $0x30, s5  }
0x16c: {  	[tilespmem:s26], [sflag:$0x2] =	stream.linear.gather [hbm4b:s24+s25], $0x10, $0x38;
	[tilespmem:$0x10A00] =	vst v63  }
0x16d: {  	s29 =	sadd.s32 $0x2C00, s3;
	s28 =	sadd.s32 $0x40, s5  }
0x16e: {  	[tilespmem:s29], [sflag:$0x2] =	stream.linear.gather [hbm4b:s28+s25], $0x10, $0x38;
	[tilespmem:$0x10A00] =	vst v63  }
0x16f: {  	s31 =	sadd.s32 $0x2C80, s3;
	s30 =	sadd.s32 $0x50, s5  }
0x170: {  	[tilespmem:s31], [sflag:$0x2] =	stream.linear.gather [hbm4b:s30+s25], $0x10, $0x38;
	[tilespmem:$0x10A00] =	vst v63  }
0x171: {  	s9 =	sadd.s32 $0x2D00, s3;
	s8 =	sadd.s32 $0x60, s5  }
0x172: {  	[tilespmem:s9], [sflag:$0x2] =	stream.linear.gather [hbm4b:s8+s25], $0x10, $0x38;
	[tilespmem:$0x10A00] =	vst v63  }
0x173: {  	s12 =	sadd.s32 $0x2D80, s3;
	s11 =	sadd.s32 $0x70, s5  }
0x174: {  	[tilespmem:s12], [sflag:$0x2] =	stream.linear.gather [hbm4b:s11+s25], $0x10, $0x38;
	[tilespmem:$0x10A00] =	vst v63  }
0x175: {  	s16 =	sor.u32 $0x3200, s3;
	s15 =	sadd.s32 $0xF4280, s5  }
0x176: {  	[tilespmem:s16], [sflag:$0x2] =	stream.linear.gather [hbm4b:s15+s25], $0x10, $0x38;
	[tilespmem:$0x10A00] =	vst v63  }
0x177: {  	s20 =	sadd.s32 $0x10, s15;
	s21 =	sor.u32 $0x3280, s3  }
0x178: {  	[tilespmem:s21], [sflag:$0x2] =	stream.linear.gather [hbm4b:s20+s25], $0x10, $0x38;
	[tilespmem:$0x10A00] =	vst v63  }
0x179: {  	s22 =	sadd.s32 $0x20, s15;
	s23 =	sor.u32 $0x3300, s3  }
0x17a: {  	[tilespmem:s23], [sflag:$0x2] =	stream.linear.gather [hbm4b:s22+s25], $0x10, $0x38;
	[tilespmem:$0x10A00] =	vst v63  }
0x17b: {  	s24 =	sadd.s32 $0x30, s15;
	s26 =	sor.u32 $0x3380, s3  }
0x17c: {  	[tilespmem:s26], [sflag:$0x2] =	stream.linear.gather [hbm4b:s24+s25], $0x10, $0x38;
	[tilespmem:$0x10A00] =	vst v63  }
0x17d: {  	s28 =	sadd.s32 $0x40, s15;
	s29 =	sadd.s32 $0x3400, s3  }
0x17e: {  	[tilespmem:s29], [sflag:$0x2] =	stream.linear.gather [hbm4b:s28+s25], $0x10, $0x38;
	[tilespmem:$0x10A00] =	vst v63  }
0x17f: {  	s30 =	sadd.s32 $0x50, s15;
	s31 =	sadd.s32 $0x3480, s3  }
0x180: {  	[tilespmem:s31], [sflag:$0x2] =	stream.linear.gather [hbm4b:s30+s25], $0x10, $0x38;
	[tilespmem:$0x10A00] =	vst v63  }
0x181: {  	s9 =	sadd.s32 $0x60, s15;
	s11 =	sadd.s32 $0x3500, s3  }
0x182: {  	[tilespmem:s11], [sflag:$0x2] =	stream.linear.gather [hbm4b:s9+s25], $0x10, $0x38;
	[tilespmem:$0x10A00] =	vst v63  }
0x183: {  	s6 =	sadd.s32 $0x70, s15;
	s12 =	sadd.s32 $0x3580, s3  }
0x184: {  	[tilespmem:s12], [sflag:$0x2] =	stream.linear.gather [hbm4b:s6+s25], $0x10, $0x38;
	[tilespmem:$0x10A00] =	vst v63  }
0x185: {  	s15 =	sadd.s32 $0x1E8500, s5;
	s16 =	sor.u32 $0x3A00, s3  }
0x186: {  	[tilespmem:s16], [sflag:$0x2] =	stream.linear.gather [hbm4b:s15+s25], $0x10, $0x38;
	[tilespmem:$0x10A00] =	vst v63  }
0x187: {  	s20 =	sadd.s32 $0x10, s15;
	s21 =	sor.u32 $0x3A80, s3  }
0x188: {  	[tilespmem:s21], [sflag:$0x2] =	stream.linear.gather [hbm4b:s20+s25], $0x10, $0x38;
	[tilespmem:$0x10A00] =	vst v63  }
0x189: {  	s22 =	sadd.s32 $0x20, s15;
	s23 =	sor.u32 $0x3B00, s3  }
0x18a: {  	(v2sf) =	vpush v2, $0x0;
	[tilespmem:s23], [sflag:$0x2] =	stream.linear.gather [hbm4b:s22+s25], $0x10, $0x38;
	[tilespmem:$0x10A00] =	vst v63  }
0x18b: {  	s24 =	sadd.s32 $0x30, s15;
	s26 =	sor.u32 $0x3B80, s3  }
0x18c: {  	[tilespmem:s26], [sflag:$0x2] =	stream.linear.gather [hbm4b:s24+s25], $0x10, $0x38;
	[tilespmem:$0x10A00] =	vst v63  }
0x18d: {  	s28 =	sadd.s32 $0x3C00, s3;
	s29 =	sadd.s32 $0x40, s15  }
0x18e: {  	[tilespmem:s28], [sflag:$0x2] =	stream.linear.gather [hbm4b:s29+s25], $0x10, $0x38;
	[tilespmem:$0x10A00] =	vst v63  }
0x18f: {  	s30 =	sadd.s32 $0x3C80, s3;
	s31 =	sadd.s32 $0x50, s15  }
0x190: {  	[tilespmem:s30], [sflag:$0x2] =	stream.linear.gather [hbm4b:s31+s25], $0x10, $0x38;
	[tilespmem:$0x10A00] =	vst v63  }
0x191: {  	s8 =	sadd.s32 $0x3D00, s3;
	s9 =	sadd.s32 $0x60, s15  }
0x192: {  	[tilespmem:s8], [sflag:$0x2] =	stream.linear.gather [hbm4b:s9+s25], $0x10, $0x38;
	[tilespmem:$0x10A00] =	vst v63  }
0x193: {  	s11 =	sadd.s32 $0x3D80, s3;
	s6 =	sadd.s32 $0x70, s15  }
0x194: {  	[tilespmem:s11], [sflag:$0x2] =	stream.linear.gather [hbm4b:s6+s25], $0x10, $0x38;
	[tilespmem:$0x10A00] =	vst v63  }
0x195: {  	s5 =	sadd.s32 $0x2DC780, s5;
	s12 =	sor.u32 $0x4200, s3  }
0x196: {  	[tilespmem:s12], [sflag:$0x2] =	stream.linear.gather [hbm4b:s5+s25], $0x10, $0x38;
	[tilespmem:$0x10A00] =	vst v63  }
0x197: {  	s15 =	sadd.s32 $0x10, s5;
	s16 =	sor.u32 $0x4280, s3  }
0x198: {  	[tilespmem:s16], [sflag:$0x2] =	stream.linear.gather [hbm4b:s15+s25], $0x10, $0x38;
	[tilespmem:$0x10A00] =	vst v63  }
0x199: {  	s20 =	spop (v2sf);
	s21 =	sadd.s32 $0x20, s5;
	s22 =	sor.u32 $0x4300, s3  }
0x19a: {  	[tilespmem:s22], [sflag:$0x2] =	stream.linear.gather [hbm4b:s21+s25], $0x10, $0x38;
	[tilespmem:$0x10A00] =	vst v63  }
0x19b: {  	s23 =	sshll.u32 s20, $0x3;
	s24 =	sadd.s32 $0x30, s5;
	s26 =	sor.u32 $0x4380, s3  }
0x19c: {  	[tilespmem:s26], [sflag:$0x2] =	stream.linear.gather [hbm4b:s24+s25], $0x10, $0x38;
	[tilespmem:$0x10A00] =	vst v63  }
0x19d: {  	s7 =	sand.u32 $0xFFFFFC00, s23;
	s28 =	sadd.s32 $0x40, s5;
	s29 =	sadd.s32 $0x4400, s3  }
0x19e: {  	[tilespmem:s29], [sflag:$0x2] =	stream.linear.gather [hbm4b:s28+s25], $0x10, $0x38;
	[tilespmem:$0x10A00] =	vst v63  }
0x19f: {  	s30 =	sadd.s32 $0x50, s5;
	s31 =	sadd.s32 $0x4480, s3;
	s6 =	sand.u32 $0x70, s20  }
0x1a0: {  	[tilespmem:s31], [sflag:$0x2] =	stream.linear.gather [hbm4b:s30+s25], $0x10, $0x38;
	[tilespmem:$0x10A00] =	vst v63  }
0x1a1: {  	s8 =	sadd.s32 $0x60, s5;
	s9 =	sadd.s32 $0x4500, s3;
	s6 =	sor.u32 s6, s7  }
0x1a2: {  	[tilespmem:s9], [sflag:$0x2] =	stream.linear.gather [hbm4b:s8+s25], $0x10, $0x38;
	[tilespmem:$0x10A00] =	vst v63  }
0x1a3: {  	s11 =	sadd.s32 $0x4580, s3;
	s6 =	sshrl.u32 s6, $0x3;
	s5 =	sadd.s32 $0x70, s5  }
0x1a4: {  	[tilespmem:s11], [sflag:$0x2] =	stream.linear.gather [hbm4b:s5+s25], $0x10, $0x38;
	[tilespmem:$0x10A00] =	vst v63  }
0x1a5: {  	s12 =	sor.u32 $0x6A00, s3;
	s5 =	sadd.s32 s2, s6  }
0x1a6: {  	[tilespmem:s12], [sflag:$0x4] =	stream.linear.gather [hbm4b:s5+s25], $0x10, $0x38;
	[tilespmem:$0x10A00] =	vst v63  }
0x1a7: {  	s15 =	sor.u32 $0x6A80, s3;
	s16 =	sadd.s32 $0x10, s5  }
0x1a8: {  	[tilespmem:s15], [sflag:$0x4] =	stream.linear.gather [hbm4b:s16+s25], $0x10, $0x38;
	[tilespmem:$0x10A00] =	vst v63  }
0x1a9: {  	s21 =	sor.u32 $0x6B00, s3;
	s20 =	sadd.s32 $0x20, s5  }
0x1aa: {  	[tilespmem:s21], [sflag:$0x4] =	stream.linear.gather [hbm4b:s20+s25], $0x10, $0x38;
	[tilespmem:$0x10A00] =	vst v63  }
0x1ab: {  	s23 =	sor.u32 $0x6B80, s3;
	s22 =	sadd.s32 $0x30, s5  }
0x1ac: {  	[tilespmem:s23], [sflag:$0x4] =	stream.linear.gather [hbm4b:s22+s25], $0x10, $0x38;
	[tilespmem:$0x10A00] =	vst v63  }
0x1ad: {  	s26 =	sadd.s32 $0x6C00, s3;
	s24 =	sadd.s32 $0x40, s5  }
0x1ae: {  	[tilespmem:s26], [sflag:$0x4] =	stream.linear.gather [hbm4b:s24+s25], $0x10, $0x38;
	[tilespmem:$0x10A00] =	vst v63  }
0x1af: {  	s29 =	sadd.s32 $0x6C80, s3;
	s28 =	sadd.s32 $0x50, s5  }
0x1b0: {  	[tilespmem:s29], [sflag:$0x4] =	stream.linear.gather [hbm4b:s28+s25], $0x10, $0x38;
	[tilespmem:$0x10A00] =	vst v63  }
0x1b1: {  	s31 =	sadd.s32 $0x6D00, s3;
	s30 =	sadd.s32 $0x60, s5  }
0x1b2: {  	[tilespmem:s31], [sflag:$0x4] =	stream.linear.gather [hbm4b:s30+s25], $0x10, $0x38;
	[tilespmem:$0x10A00] =	vst v63  }
0x1b3: {  	s9 =	sadd.s32 $0x6D80, s3;
	s8 =	sadd.s32 $0x70, s5  }
0x1b4: {  	[tilespmem:s9], [sflag:$0x4] =	stream.linear.gather [hbm4b:s8+s25], $0x10, $0x38;
	[tilespmem:$0x10A00] =	vst v63  }
0x1b5: {  	s11 =	sadd.s32 $0x18700, s5;
	s12 =	sor.u32 $0x7200, s3  }
0x1b6: {  	[tilespmem:s12], [sflag:$0x4] =	stream.linear.gather [hbm4b:s11+s25], $0x10, $0x38;
	[tilespmem:$0x10A00] =	vst v63  }
0x1b7: {  	s15 =	sadd.s32 $0x10, s11;
	s16 =	sor.u32 $0x7280, s3  }
0x1b8: {  	[tilespmem:s16], [sflag:$0x4] =	stream.linear.gather [hbm4b:s15+s25], $0x10, $0x38;
	[tilespmem:$0x10A00] =	vst v63  }
0x1b9: {  	s20 =	sadd.s32 $0x20, s11;
	s21 =	sor.u32 $0x7300, s3  }
0x1ba: {  	[tilespmem:s21], [sflag:$0x4] =	stream.linear.gather [hbm4b:s20+s25], $0x10, $0x38;
	[tilespmem:$0x10A00] =	vst v63  }
0x1bb: {  	s22 =	sadd.s32 $0x30, s11;
	s23 =	sor.u32 $0x7380, s3  }
0x1bc: {  	[tilespmem:s23], [sflag:$0x4] =	stream.linear.gather [hbm4b:s22+s25], $0x10, $0x38;
	[tilespmem:$0x10A00] =	vst v63  }
0x1bd: {  	s24 =	sadd.s32 $0x40, s11;
	s26 =	sadd.s32 $0x7400, s3  }
0x1be: {  	[tilespmem:s26], [sflag:$0x4] =	stream.linear.gather [hbm4b:s24+s25], $0x10, $0x38;
	[tilespmem:$0x10A00] =	vst v63  }
0x1bf: {  	s28 =	sadd.s32 $0x50, s11;
	s29 =	sadd.s32 $0x7480, s3  }
0x1c0: {  	[tilespmem:s29], [sflag:$0x4] =	stream.linear.gather [hbm4b:s28+s25], $0x10, $0x38;
	[tilespmem:$0x10A00] =	vst v63  }
0x1c1: {  	s30 =	sadd.s32 $0x60, s11;
	s31 =	sadd.s32 $0x7500, s3  }
0x1c2: {  	[tilespmem:s31], [sflag:$0x4] =	stream.linear.gather [hbm4b:s30+s25], $0x10, $0x38;
	[tilespmem:$0x10A00] =	vst v63  }
0x1c3: {  	s6 =	sadd.s32 $0x70, s11;
	s9 =	sadd.s32 $0x7580, s3  }
0x1c4: {  	[tilespmem:s9], [sflag:$0x4] =	stream.linear.gather [hbm4b:s6+s25], $0x10, $0x38;
	[tilespmem:$0x10A00] =	vst v63  }
0x1c5: {  	s11 =	sadd.s32 $0x30E00, s5;
	s12 =	sor.u32 $0x7A00, s3  }
0x1c6: {  	[tilespmem:s12], [sflag:$0x4] =	stream.linear.gather [hbm4b:s11+s25], $0x10, $0x38;
	[tilespmem:$0x10A00] =	vst v63  }
0x1c7: {  	s15 =	sadd.s32 $0x10, s11;
	s16 =	sor.u32 $0x7A80, s3  }
0x1c8: {  	[tilespmem:s16], [sflag:$0x4] =	stream.linear.gather [hbm4b:s15+s25], $0x10, $0x38;
	[tilespmem:$0x10A00] =	vst v63  }
0x1c9: {  	s20 =	sadd.s32 $0x20, s11;
	s21 =	sor.u32 $0x7B00, s3  }
0x1ca: {  	[tilespmem:s21], [sflag:$0x4] =	stream.linear.gather [hbm4b:s20+s25], $0x10, $0x38;
	[tilespmem:$0x10A00] =	vst v63  }
0x1cb: {  	s22 =	sadd.s32 $0x30, s11;
	s23 =	sor.u32 $0x7B80, s3  }
0x1cc: {  	[tilespmem:s23], [sflag:$0x4] =	stream.linear.gather [hbm4b:s22+s25], $0x10, $0x38;
	[tilespmem:$0x10A00] =	vst v63  }
0x1cd: {  	s24 =	sadd.s32 $0x40, s11;
	s26 =	sadd.s32 $0x7C00, s3  }
0x1ce: {  	[tilespmem:s26], [sflag:$0x4] =	stream.linear.gather [hbm4b:s24+s25], $0x10, $0x38;
	[tilespmem:$0x10A00] =	vst v63  }
0x1cf: {  	s28 =	sadd.s32 $0x50, s11;
	s29 =	sadd.s32 $0x7C80, s3  }
0x1d0: {  	[tilespmem:s29], [sflag:$0x4] =	stream.linear.gather [hbm4b:s28+s25], $0x10, $0x38;
	[tilespmem:$0x10A00] =	vst v63  }
0x1d1: {  	s30 =	sadd.s32 $0x60, s11;
	s31 =	sadd.s32 $0x7D00, s3  }
0x1d2: {  	[tilespmem:s31], [sflag:$0x4] =	stream.linear.gather [hbm4b:s30+s25], $0x10, $0x38;
	[tilespmem:$0x10A00] =	vst v63  }
0x1d3: {  	s6 =	sadd.s32 $0x70, s11;
	s9 =	sadd.s32 $0x7D80, s3  }
0x1d4: {  	[tilespmem:s9], [sflag:$0x4] =	stream.linear.gather [hbm4b:s6+s25], $0x10, $0x38;
	[tilespmem:$0x10A00] =	vst v63  }
0x1d5: {  	s11 =	sadd.s32 $0x49500, s5;
	s12 =	sor.u32 $0x8200, s3  }
0x1d6: {  	[tilespmem:s12], [sflag:$0x4] =	stream.linear.gather [hbm4b:s11+s25], $0x10, $0x38;
	[tilespmem:$0x10A00] =	vst v63  }
0x1d7: {  	s15 =	sadd.s32 $0x10, s11;
	s16 =	sor.u32 $0x8280, s3  }
0x1d8: {  	[tilespmem:s16], [sflag:$0x4] =	stream.linear.gather [hbm4b:s15+s25], $0x10, $0x38;
	[tilespmem:$0x10A00] =	vst v63  }
0x1d9: {  	s20 =	sadd.s32 $0x20, s11;
	s21 =	sor.u32 $0x8300, s3  }
0x1da: {  	[tilespmem:s21], [sflag:$0x4] =	stream.linear.gather [hbm4b:s20+s25], $0x10, $0x38;
	[tilespmem:$0x10A00] =	vst v63  }
0x1db: {  	s22 =	sadd.s32 $0x30, s11;
	s23 =	sor.u32 $0x8380, s3  }
0x1dc: {  	[tilespmem:s23], [sflag:$0x4] =	stream.linear.gather [hbm4b:s22+s25], $0x10, $0x38;
	[tilespmem:$0x10A00] =	vst v63  }
0x1dd: {  	s5 =	simm.s32 $0x10;
	s24 =	sadd.s32 $0x40, s11;
	s26 =	sadd.s32 $0x8400, s3  }
0x1de: {  	[tilespmem:s26], [sflag:$0x4] =	stream.linear.gather [hbm4b:s24+s25], $0x10, $0x38;
	[tilespmem:$0x10A00] =	vst v63  }
0x1df: {  	s28 =	sadd.s32 $0x50, s11;
	s29 =	sadd.s32 $0x8480, s3;
	s30 =	sadd.s32 $0x60, s11  }
0x1e0: {  	[tilespmem:s29], [sflag:$0x4] =	stream.linear.gather [hbm4b:s28+s25], $0x10, $0x38;
	[tilespmem:$0x10A00] =	vst v63  }
0x1e1: {  	s31 =	sadd.s32 $0x8500, s3;
	s3 =	sadd.s32 $0x8580, s3;
	s6 =	sadd.s32 $0x70, s11  }
0x1e2: {  	[tilespmem:s31], [sflag:$0x4] =	stream.linear.gather [hbm4b:s30+s25], $0x10, $0x38;
	[tilespmem:$0x10A00] =	vst v63  }
.LBB2_6:
0x1e3: {  	s0 =	sadd.s32 $0x80, s0;
	s19 =	sadd.s32 $0x1, s19;
	s10 =	sadd.s32 $0x1, s10  }
0x1e4: {  	[tilespmem:s3], [sflag:$0x4] =	stream.linear.gather [hbm4b:s6+s25], $0x10, $0x38;
	[tilespmem:$0x10A00] =	vst v63  }
0x1e5: {  	p0 =	sne.s32 s5, $0xF0;
	s3 =	smov.u32 s5;
	s5 =	sadd.s32 $0x10, s5;
	v2 =	vld [tilespmem:s10+$0x0]  }
0x1e6: {  	_ =	sdelay $0x3  }
0x1e7: {  	(v2sf) =	vpush v2, $0x0;
	_ =	sdelay $0xe  }
0x1e8: {  	s6 =	spop (v2sf)  }
0x1e9: {  	s7 =	sshll.u32 s6, $0x3  }
0x1ea: {  	s6 =	sand.u32 $0x70, s6;
	s7 =	sand.u32 $0xFFFFFC00, s7  }
0x1eb: {  	s3 =	sand.u32 $0x70, s3;
	s6 =	sor.u32 s6, s7;
	s7 =	sand.u32 $0x400, s0  }
0x1ec: {  	s6 =	sshrl.u32 s6, $0x3;
	s3 =	sor.u32 s3, s7  }
0x1ed: {  	v2 =	vld [tilespmem:s19+$0x0];
	s6 =	sadd.s32 s1, s6;
	s7 =	sor.u32 $0x2A00, s3  }
0x1ee: {  	[tilespmem:s7], [sflag:$0x2] =	stream.linear.gather [hbm4b:s6+s25], $0x10, $0x38;
	[tilespmem:$0x10A00] =	vst v63  }
0x1ef: {  	s8 =	sor.u32 $0x2A80, s3;
	s7 =	sadd.s32 $0x10, s6  }
0x1f0: {  	[tilespmem:s8], [sflag:$0x2] =	stream.linear.gather [hbm4b:s7+s25], $0x10, $0x38;
	[tilespmem:$0x10A00] =	vst v63  }
0x1f1: {  	s7 =	sadd.s32 $0x20, s6;
	s8 =	sor.u32 $0x2B00, s3  }
0x1f2: {  	[tilespmem:s8], [sflag:$0x2] =	stream.linear.gather [hbm4b:s7+s25], $0x10, $0x38;
	(v2sf) =	vpush v2, $0x0;
	[tilespmem:$0x10A00] =	vst v63  }
0x1f3: {  	s7 =	sadd.s32 $0x30, s6;
	s8 =	sor.u32 $0x2B80, s3  }
0x1f4: {  	[tilespmem:s8], [sflag:$0x2] =	stream.linear.gather [hbm4b:s7+s25], $0x10, $0x38;
	[tilespmem:$0x10A00] =	vst v63  }
0x1f5: {  	s7 =	sadd.s32 $0x40, s6;
	s8 =	sadd.s32 $0x2C00, s3  }
0x1f6: {  	[tilespmem:s8], [sflag:$0x2] =	stream.linear.gather [hbm4b:s7+s25], $0x10, $0x38;
	[tilespmem:$0x10A00] =	vst v63  }
0x1f7: {  	s7 =	sadd.s32 $0x50, s6;
	s8 =	sadd.s32 $0x2C80, s3  }
0x1f8: {  	[tilespmem:s8], [sflag:$0x2] =	stream.linear.gather [hbm4b:s7+s25], $0x10, $0x38;
	[tilespmem:$0x10A00] =	vst v63  }
0x1f9: {  	s7 =	sadd.s32 $0x60, s6;
	s8 =	sadd.s32 $0x2D00, s3  }
0x1fa: {  	[tilespmem:s8], [sflag:$0x2] =	stream.linear.gather [hbm4b:s7+s25], $0x10, $0x38;
	[tilespmem:$0x10A00] =	vst v63  }
0x1fb: {  	s7 =	sadd.s32 $0x70, s6;
	s8 =	sadd.s32 $0x2D80, s3  }
0x1fc: {  	[tilespmem:s8], [sflag:$0x2] =	stream.linear.gather [hbm4b:s7+s25], $0x10, $0x38;
	[tilespmem:$0x10A00] =	vst v63  }
0x1fd: {  	s8 =	sadd.s32 $0xF4280, s6;
	s7 =	sor.u32 $0x3200, s3  }
0x1fe: {  	[tilespmem:s7], [sflag:$0x2] =	stream.linear.gather [hbm4b:s8+s25], $0x10, $0x38;
	[tilespmem:$0x10A00] =	vst v63  }
0x1ff: {  	s9 =	sor.u32 $0x3280, s3;
	s7 =	sadd.s32 $0x10, s8  }
0x200: {  	[tilespmem:s9], [sflag:$0x2] =	stream.linear.gather [hbm4b:s7+s25], $0x10, $0x38;
	[tilespmem:$0x10A00] =	vst v63  }
0x201: {  	s7 =	sadd.s32 $0x20, s8;
	s9 =	sor.u32 $0x3300, s3;
	s20 =	spop (v2sf)  }
0x202: {  	s22 =	sor.u32 $0x3380, s3;
	s21 =	sadd.s32 $0x30, s8;
	s23 =	sshll.u32 s20, $0x3  }
0x203: {  	[tilespmem:s9], [sflag:$0x2] =	stream.linear.gather [hbm4b:s7+s25], $0x10, $0x38;
	[tilespmem:$0x10A00] =	vst v63  }
0x204: {  	s7 =	sand.u32 $0xFFFFFC00, s23;
	s9 =	sand.u32 $0x70, s20  }
0x205: {  	[tilespmem:s22], [sflag:$0x2] =	stream.linear.gather [hbm4b:s21+s25], $0x10, $0x38;
	[tilespmem:$0x10A00] =	vst v63  }
0x206: {  	s20 =	sadd.s32 $0x40, s8;
	s7 =	sor.u32 s9, s7;
	s21 =	sadd.s32 $0x3400, s3  }
0x207: {  	[tilespmem:s21], [sflag:$0x2] =	stream.linear.gather [hbm4b:s20+s25], $0x10, $0x38;
	[tilespmem:$0x10A00] =	vst v63  }
0x208: {  	s9 =	sadd.s32 $0x50, s8;
	s7 =	sshrl.u32 s7, $0x3;
	s20 =	sadd.s32 $0x3480, s3  }
0x209: {  	[tilespmem:s20], [sflag:$0x2] =	stream.linear.gather [hbm4b:s9+s25], $0x10, $0x38;
	[tilespmem:$0x10A00] =	vst v63  }
0x20a: {  	s9 =	sadd.s32 $0x60, s8;
	s20 =	sadd.s32 $0x3500, s3  }
0x20b: {  	[tilespmem:s20], [sflag:$0x2] =	stream.linear.gather [hbm4b:s9+s25], $0x10, $0x38;
	[tilespmem:$0x10A00] =	vst v63  }
0x20c: {  	s8 =	sadd.s32 $0x70, s8;
	s9 =	sadd.s32 $0x3580, s3  }
0x20d: {  	[tilespmem:s9], [sflag:$0x2] =	stream.linear.gather [hbm4b:s8+s25], $0x10, $0x38;
	[tilespmem:$0x10A00] =	vst v63  }
0x20e: {  	s8 =	sadd.s32 $0x1E8500, s6;
	s9 =	sor.u32 $0x3A00, s3  }
0x20f: {  	[tilespmem:s9], [sflag:$0x2] =	stream.linear.gather [hbm4b:s8+s25], $0x10, $0x38;
	[tilespmem:$0x10A00] =	vst v63  }
0x210: {  	s20 =	sor.u32 $0x3A80, s3;
	s9 =	sadd.s32 $0x10, s8  }
0x211: {  	[tilespmem:s20], [sflag:$0x2] =	stream.linear.gather [hbm4b:s9+s25], $0x10, $0x38;
	[tilespmem:$0x10A00] =	vst v63  }
0x212: {  	s9 =	sadd.s32 $0x20, s8;
	s20 =	sor.u32 $0x3B00, s3  }
0x213: {  	[tilespmem:s20], [sflag:$0x2] =	stream.linear.gather [hbm4b:s9+s25], $0x10, $0x38;
	[tilespmem:$0x10A00] =	vst v63  }
0x214: {  	s21 =	sadd.s32 $0x3C00, s3;
	s9 =	sadd.s32 $0x30, s8;
	s20 =	sor.u32 $0x3B80, s3  }
0x215: {  	[tilespmem:s20], [sflag:$0x2] =	stream.linear.gather [hbm4b:s9+s25], $0x10, $0x38;
	[tilespmem:$0x10A00] =	vst v63  }
0x216: {  	s9 =	sadd.s32 $0x40, s8;
	s20 =	sadd.s32 $0x3C80, s3  }
0x217: {  	[tilespmem:s21], [sflag:$0x2] =	stream.linear.gather [hbm4b:s9+s25], $0x10, $0x38;
	[tilespmem:$0x10A00] =	vst v63  }
0x218: {  	s9 =	sadd.s32 $0x50, s8;
	s21 =	sadd.s32 $0x3D00, s3  }
0x219: {  	[tilespmem:s20], [sflag:$0x2] =	stream.linear.gather [hbm4b:s9+s25], $0x10, $0x38;
	[tilespmem:$0x10A00] =	vst v63  }
0x21a: {  	s9 =	sadd.s32 $0x60, s8;
	s20 =	sadd.s32 $0x3D80, s3  }
0x21b: {  	[tilespmem:s21], [sflag:$0x2] =	stream.linear.gather [hbm4b:s9+s25], $0x10, $0x38;
	[tilespmem:$0x10A00] =	vst v63  }
0x21c: {  	s6 =	sadd.s32 $0x2DC780, s6;
	s8 =	sadd.s32 $0x70, s8;
	s9 =	sor.u32 $0x4200, s3  }
0x21d: {  	[tilespmem:s20], [sflag:$0x2] =	stream.linear.gather [hbm4b:s8+s25], $0x10, $0x38;
	[tilespmem:$0x10A00] =	vst v63  }
0x21e: {  	s8 =	sadd.s32 $0x10, s6;
	s20 =	sor.u32 $0x4280, s3  }
0x21f: {  	[tilespmem:s9], [sflag:$0x2] =	stream.linear.gather [hbm4b:s6+s25], $0x10, $0x38;
	[tilespmem:$0x10A00] =	vst v63  }
0x220: {  	s21 =	sor.u32 $0x4300, s3;
	s9 =	sadd.s32 $0x20, s6  }
0x221: {  	[tilespmem:s20], [sflag:$0x2] =	stream.linear.gather [hbm4b:s8+s25], $0x10, $0x38;
	[tilespmem:$0x10A00] =	vst v63  }
0x222: {  	s8 =	sadd.s32 $0x30, s6;
	s20 =	sor.u32 $0x4380, s3  }
0x223: {  	[tilespmem:s21], [sflag:$0x2] =	stream.linear.gather [hbm4b:s9+s25], $0x10, $0x38;
	[tilespmem:$0x10A00] =	vst v63  }
0x224: {  	s9 =	sadd.s32 $0x40, s6;
	s21 =	sadd.s32 $0x4400, s3  }
0x225: {  	[tilespmem:s20], [sflag:$0x2] =	stream.linear.gather [hbm4b:s8+s25], $0x10, $0x38;
	[tilespmem:$0x10A00] =	vst v63  }
0x226: {  	s8 =	sadd.s32 $0x50, s6;
	s20 =	sadd.s32 $0x4480, s3  }
0x227: {  	[tilespmem:s21], [sflag:$0x2] =	stream.linear.gather [hbm4b:s9+s25], $0x10, $0x38;
	[tilespmem:$0x10A00] =	vst v63  }
0x228: {  	s9 =	sadd.s32 $0x60, s6;
	s21 =	sadd.s32 $0x4500, s3  }
0x229: {  	[tilespmem:s20], [sflag:$0x2] =	stream.linear.gather [hbm4b:s8+s25], $0x10, $0x38;
	[tilespmem:$0x10A00] =	vst v63  }
0x22a: {  	s6 =	sadd.s32 $0x70, s6;
	s8 =	sadd.s32 $0x4580, s3  }
0x22b: {  	[tilespmem:s21], [sflag:$0x2] =	stream.linear.gather [hbm4b:s9+s25], $0x10, $0x38;
	[tilespmem:$0x10A00] =	vst v63  }
0x22c: {  	_ = 	snop  }
0x22d: {  	[tilespmem:s8], [sflag:$0x2] =	stream.linear.gather [hbm4b:s6+s25], $0x10, $0x38;
	[tilespmem:$0x10A00] =	vst v63  }
0x22e: {  	s6 =	sadd.s32 s2, s7;
	s7 =	sor.u32 $0x6A00, s3;
	s8 =	sor.u32 $0x6A80, s3  }
0x22f: {  	[tilespmem:s7], [sflag:$0x4] =	stream.linear.gather [hbm4b:s6+s25], $0x10, $0x38;
	[tilespmem:$0x10A00] =	vst v63  }
0x230: {  	s20 =	sor.u32 $0x6B00, s3;
	s9 =	sadd.s32 $0x20, s6;
	s7 =	sadd.s32 $0x10, s6  }
0x231: {  	[tilespmem:s8], [sflag:$0x4] =	stream.linear.gather [hbm4b:s7+s25], $0x10, $0x38;
	[tilespmem:$0x10A00] =	vst v63  }
0x232: {  	s7 =	sadd.s32 $0x30, s6;
	s8 =	sor.u32 $0x6B80, s3  }
0x233: {  	[tilespmem:s20], [sflag:$0x4] =	stream.linear.gather [hbm4b:s9+s25], $0x10, $0x38;
	[tilespmem:$0x10A00] =	vst v63  }
0x234: {  	s9 =	sadd.s32 $0x40, s6;
	s20 =	sadd.s32 $0x6C00, s3  }
0x235: {  	[tilespmem:s8], [sflag:$0x4] =	stream.linear.gather [hbm4b:s7+s25], $0x10, $0x38;
	[tilespmem:$0x10A00] =	vst v63  }
0x236: {  	s7 =	sadd.s32 $0x50, s6;
	s8 =	sadd.s32 $0x6C80, s3  }
0x237: {  	[tilespmem:s20], [sflag:$0x4] =	stream.linear.gather [hbm4b:s9+s25], $0x10, $0x38;
	[tilespmem:$0x10A00] =	vst v63  }
0x238: {  	s9 =	sadd.s32 $0x60, s6;
	s20 =	sadd.s32 $0x6D00, s3  }
0x239: {  	[tilespmem:s8], [sflag:$0x4] =	stream.linear.gather [hbm4b:s7+s25], $0x10, $0x38;
	[tilespmem:$0x10A00] =	vst v63  }
0x23a: {  	s7 =	sadd.s32 $0x70, s6;
	s8 =	sadd.s32 $0x6D80, s3  }
0x23b: {  	[tilespmem:s20], [sflag:$0x4] =	stream.linear.gather [hbm4b:s9+s25], $0x10, $0x38;
	[tilespmem:$0x10A00] =	vst v63  }
0x23c: {  	s9 =	sadd.s32 $0x18700, s6;
	s20 =	sor.u32 $0x7200, s3  }
0x23d: {  	[tilespmem:s8], [sflag:$0x4] =	stream.linear.gather [hbm4b:s7+s25], $0x10, $0x38;
	[tilespmem:$0x10A00] =	vst v63  }
0x23e: {  	s7 =	sadd.s32 $0x10, s9;
	s8 =	sor.u32 $0x7280, s3  }
0x23f: {  	[tilespmem:s20], [sflag:$0x4] =	stream.linear.gather [hbm4b:s9+s25], $0x10, $0x38;
	[tilespmem:$0x10A00] =	vst v63  }
0x240: {  	s21 =	sor.u32 $0x7300, s3;
	s20 =	sadd.s32 $0x20, s9  }
0x241: {  	[tilespmem:s8], [sflag:$0x4] =	stream.linear.gather [hbm4b:s7+s25], $0x10, $0x38;
	[tilespmem:$0x10A00] =	vst v63  }
0x242: {  	s7 =	sadd.s32 $0x30, s9;
	s8 =	sor.u32 $0x7380, s3  }
0x243: {  	[tilespmem:s21], [sflag:$0x4] =	stream.linear.gather [hbm4b:s20+s25], $0x10, $0x38;
	[tilespmem:$0x10A00] =	vst v63  }
0x244: {  	s20 =	sadd.s32 $0x40, s9;
	s21 =	sadd.s32 $0x7400, s3  }
0x245: {  	[tilespmem:s8], [sflag:$0x4] =	stream.linear.gather [hbm4b:s7+s25], $0x10, $0x38;
	[tilespmem:$0x10A00] =	vst v63  }
0x246: {  	s7 =	sadd.s32 $0x50, s9;
	s8 =	sadd.s32 $0x7480, s3  }
0x247: {  	[tilespmem:s21], [sflag:$0x4] =	stream.linear.gather [hbm4b:s20+s25], $0x10, $0x38;
	[tilespmem:$0x10A00] =	vst v63  }
0x248: {  	s20 =	sadd.s32 $0x60, s9;
	s21 =	sadd.s32 $0x7500, s3  }
0x249: {  	[tilespmem:s8], [sflag:$0x4] =	stream.linear.gather [hbm4b:s7+s25], $0x10, $0x38;
	[tilespmem:$0x10A00] =	vst v63  }
0x24a: {  	s7 =	sadd.s32 $0x70, s9;
	s8 =	sadd.s32 $0x7580, s3  }
0x24b: {  	[tilespmem:s21], [sflag:$0x4] =	stream.linear.gather [hbm4b:s20+s25], $0x10, $0x38;
	[tilespmem:$0x10A00] =	vst v63  }
0x24c: {  	s9 =	sadd.s32 $0x30E00, s6;
	s20 =	sor.u32 $0x7A00, s3  }
0x24d: {  	[tilespmem:s8], [sflag:$0x4] =	stream.linear.gather [hbm4b:s7+s25], $0x10, $0x38;
	[tilespmem:$0x10A00] =	vst v63  }
0x24e: {  	s7 =	sadd.s32 $0x10, s9;
	s8 =	sor.u32 $0x7A80, s3  }
0x24f: {  	[tilespmem:s20], [sflag:$0x4] =	stream.linear.gather [hbm4b:s9+s25], $0x10, $0x38;
	[tilespmem:$0x10A00] =	vst v63  }
0x250: {  	s21 =	sor.u32 $0x7B00, s3;
	s20 =	sadd.s32 $0x20, s9  }
0x251: {  	[tilespmem:s8], [sflag:$0x4] =	stream.linear.gather [hbm4b:s7+s25], $0x10, $0x38;
	[tilespmem:$0x10A00] =	vst v63  }
0x252: {  	s7 =	sadd.s32 $0x30, s9;
	s8 =	sor.u32 $0x7B80, s3  }
0x253: {  	[tilespmem:s21], [sflag:$0x4] =	stream.linear.gather [hbm4b:s20+s25], $0x10, $0x38;
	[tilespmem:$0x10A00] =	vst v63  }
0x254: {  	s20 =	sadd.s32 $0x40, s9;
	s21 =	sadd.s32 $0x7C00, s3  }
0x255: {  	[tilespmem:s8], [sflag:$0x4] =	stream.linear.gather [hbm4b:s7+s25], $0x10, $0x38;
	[tilespmem:$0x10A00] =	vst v63  }
0x256: {  	s7 =	sadd.s32 $0x50, s9;
	s8 =	sadd.s32 $0x7C80, s3  }
0x257: {  	[tilespmem:s21], [sflag:$0x4] =	stream.linear.gather [hbm4b:s20+s25], $0x10, $0x38;
	[tilespmem:$0x10A00] =	vst v63  }
0x258: {  	s20 =	sadd.s32 $0x60, s9;
	s21 =	sadd.s32 $0x7D00, s3  }
0x259: {  	[tilespmem:s8], [sflag:$0x4] =	stream.linear.gather [hbm4b:s7+s25], $0x10, $0x38;
	[tilespmem:$0x10A00] =	vst v63  }
0x25a: {  	s7 =	sadd.s32 $0x70, s9;
	s8 =	sadd.s32 $0x7D80, s3  }
0x25b: {  	[tilespmem:s21], [sflag:$0x4] =	stream.linear.gather [hbm4b:s20+s25], $0x10, $0x38;
	[tilespmem:$0x10A00] =	vst v63  }
0x25c: {  	s6 =	sadd.s32 $0x49500, s6;
	s9 =	sor.u32 $0x8200, s3  }
0x25d: {  	[tilespmem:s8], [sflag:$0x4] =	stream.linear.gather [hbm4b:s7+s25], $0x10, $0x38;
	[tilespmem:$0x10A00] =	vst v63  }
0x25e: {  	s7 =	sadd.s32 $0x10, s6;
	s8 =	sor.u32 $0x8280, s3  }
0x25f: {  	[tilespmem:s9], [sflag:$0x4] =	stream.linear.gather [hbm4b:s6+s25], $0x10, $0x38;
	[tilespmem:$0x10A00] =	vst v63  }
0x260: {  	s20 =	sor.u32 $0x8300, s3;
	s9 =	sadd.s32 $0x20, s6  }
0x261: {  	[tilespmem:s8], [sflag:$0x4] =	stream.linear.gather [hbm4b:s7+s25], $0x10, $0x38;
	[tilespmem:$0x10A00] =	vst v63  }
0x262: {  	s7 =	sadd.s32 $0x30, s6;
	s8 =	sor.u32 $0x8380, s3  }
0x263: {  	[tilespmem:s20], [sflag:$0x4] =	stream.linear.gather [hbm4b:s9+s25], $0x10, $0x38;
	[tilespmem:$0x10A00] =	vst v63  }
0x264: {  	s9 =	sadd.s32 $0x40, s6;
	s20 =	sadd.s32 $0x8400, s3  }
0x265: {  	[tilespmem:s8], [sflag:$0x4] =	stream.linear.gather [hbm4b:s7+s25], $0x10, $0x38;
	[tilespmem:$0x10A00] =	vst v63  }
0x266: {  	s7 =	sadd.s32 $0x50, s6;
	s8 =	sadd.s32 $0x8480, s3  }
0x267: {  	[tilespmem:s20], [sflag:$0x4] =	stream.linear.gather [hbm4b:s9+s25], $0x10, $0x38;
	[tilespmem:$0x10A00] =	vst v63  }
.Ltmp4:
0x268: {  	_ = 	snop;
	(pc) =	sbr.rel @p0 .LBB2_6-.Ltmp4, $4  }
0x269: {  	s9 =	sadd.s32 $0x60, s6;
	s20 =	sadd.s32 $0x8500, s3  }
0x26a: {  	[tilespmem:s8], [sflag:$0x4] =	stream.linear.gather [hbm4b:s7+s25], $0x10, $0x38;
	[tilespmem:$0x10A00] =	vst v63  }
0x26b: {  	s6 =	sadd.s32 $0x70, s6;
	s3 =	sadd.s32 $0x8580, s3  }
0x26c: {  	[tilespmem:s20], [sflag:$0x4] =	stream.linear.gather [hbm4b:s9+s25], $0x10, $0x38;
	[tilespmem:$0x10A00] =	vst v63  }
0x26d: {  	[tilespmem:s3], [sflag:$0x4] =	stream.linear.gather [hbm4b:s6+s25], $0x10, $0x38;
	[tilespmem:$0x10A00] =	vst v63  }
0x26e: {  	s26 =	simm.s32 $0x520  }
0x26f: {  	s28 =	simm.s32 $0x7A0;
	s29 =	simm.s32 $0x530;
	s30 =	simm.s32 $0x7B0  }
0x270: {  	s31 =	smov.u32 s25;
	s0 =	smov.u32 s25;
	s3 =	smov.u32 s25  }
.LBB2_8:
0x271: {  	s5 =	simm.s32 $0x1  }
0x272: {  	_ =	swait.ge [sflag:s5], $0x2000  }
0x273: {  	[sflag:s5] =	ssyncset.done $0x0  }
0x274: {  	s19 =	simm.s32 $0x3;
	[sflag:s5] =	ssyncadd.s32 $0xFFFFE000  }
0x275: {  	_ =	swait.ge [sflag:s19], $0x2000  }
0x276: {  	[sflag:s19] =	ssyncset.done $0x0  }
0x277: {  	s23 =	sshll.u32 s3, $0x5;
	[sflag:s19] =	ssyncadd.s32 $0xFFFFE000  }
0x278: {  	v2 =	vld [tilespmem:s23+$0x0]  }
0x279: {  	v3 =	vld [tilespmem:s23+$0x280];
	_ =	sdelay $0x3  }
0x27a: {  	v4 =	vshra.s32 v2, $0x1F  }
0x27b: {  	v5 =	vshra.s32 v3, $0x1F;
	v4 =	vshrl.u32 v4, $0x1C  }
0x27c: {  	v5 =	vshrl.u32 v5, $0x1C;
	v4 =	vadd.s32 v4, v2  }
0x27d: {  	v5 =	vadd.s32 v5, v3;
	v4 =	vshrl.u32 v4, $0x4  }
0x27e: {  	v5 =	vshrl.u32 v5, $0x4;
	v4 =	vshll.u32 v4, $0x4  }
0x27f: {  	v2 =	vsub.s32 v2, v4;
	v4 =	vshll.u32 v5, $0x4  }
0x280: {  	v5 =	vadd.s32 v1, v2;
	v2 =	vsub.s32 v3, v4  }
0x281: {  	v6 =	vadd.s32 v1, v2;
	v2 =	vshll.u32 v5, $0x3  }
0x282: {  	s20 =	simm.s32 $0x0;
	v2 =	vand.u32 $0xFFFFFC00, v2;
	v4 =	vshll.u32 v6, $0x3  }
0x283: {  	v3 =	vand.u32 $0x7F, v5;
	v4 =	vand.u32 $0xFFFFFC00, v4;
	v20 =	vadd.s32 s20, v2  }
0x284: {  	v5 =	vand.u32 $0x7F, v6;
	v21 =	vadd.s32 s20, v4;
	v6 =	vor.u32 v3, v20  }
0x285: {  	v7 =	vor.u32 v5, v21;
	_ =	sdelay $0x3  }
0x286: {  	s21 =	sshll.u32 s31, $0x2;
	s6 =	sand.u32 $0x3, s25;
	v8 =	vld.idx.msk [tilespmem:v6+s13+$0x0], $0xffff  }
0x287: {  	s6 =	sshll.u32 s6, $0x7;
	s5 =	sand.u32 $0xFFFFF000, s21;
	v6 =	vor.u32 $0x80, v3;
	v9 =	vld.idx.msk [tilespmem:v7+s14+$0x0], $0xffff  }
0x288: {  	s5 =	sor.u32 s6, s5;
	v7 =	vor.u32 $0x80, v5;
	v10 =	vor.u32 v6, v20  }
0x289: {  	s8 =	sshrl.u32 s5, $0x2;
	v11 =	vor.u32 v7, v21  }
0x28a: {  	s5 =	sadd.s32 $0x8C00, s8  }
0x28b: {  	s7 =	sadd.s32 $0xCC00, s8;
	[tilespmem:s5+$0xFFFFFE00] =	vst v8  }
0x28c: {  	[tilespmem:s7+$0xFFFFFE00] =	vst v9  }
0x28d: {  	v10 =	vld.idx.msk [tilespmem:v10+s13+$0x0], $0xffff  }
0x28e: {  	v8 =	vor.u32 $0x100, v3;
	v11 =	vld.idx.msk [tilespmem:v11+s14+$0x0], $0xffff  }
0x28f: {  	v9 =	vor.u32 $0x100, v5;
	v12 =	vor.u32 v8, v20  }
0x290: {  	v13 =	vor.u32 v9, v21;
	_ =	sdelay $0x1  }
0x291: {  	[tilespmem:s5+$0xFFFFFE80] =	vst v10  }
0x292: {  	[tilespmem:s7+$0xFFFFFE80] =	vst v11  }
0x293: {  	v12 =	vld.idx.msk [tilespmem:v12+s13+$0x0], $0xffff  }
0x294: {  	v10 =	vor.u32 $0x180, v3;
	v13 =	vld.idx.msk [tilespmem:v13+s14+$0x0], $0xffff  }
0x295: {  	v11 =	vor.u32 $0x180, v5;
	v14 =	vor.u32 v10, v20  }
0x296: {  	v15 =	vor.u32 v11, v21;
	_ =	sdelay $0x1  }
0x297: {  	[tilespmem:s5+$0xFFFFFF00] =	vst v12  }
0x298: {  	[tilespmem:s7+$0xFFFFFF00] =	vst v13  }
0x299: {  	v14 =	vld.idx.msk [tilespmem:v14+s13+$0x0], $0xffff  }
0x29a: {  	v12 =	vor.u32 $0x200, v3;
	v15 =	vld.idx.msk [tilespmem:v15+s14+$0x0], $0xffff  }
0x29b: {  	s22 =	sand.u32 $0xFFFFFC00, s31;
	v13 =	vor.u32 $0x200, v5;
	v16 =	vor.u32 v12, v20  }
0x29c: {  	s6 =	sadd.s32 s22, s0;
	v17 =	vor.u32 v13, v21  }
0x29d: {  	s9 =	sor.u32 $0x180, s6  }
0x29e: {  	[tilespmem:s9+$0x8A00] =	vst v14  }
0x29f: {  	[tilespmem:s9+$0xCA00] =	vst v15  }
0x2a0: {  	v16 =	vld.idx.msk [tilespmem:v16+s13+$0x0], $0xffff  }
0x2a1: {  	v14 =	vor.u32 $0x280, v3;
	v17 =	vld.idx.msk [tilespmem:v17+s14+$0x0], $0xffff  }
0x2a2: {  	v15 =	vor.u32 $0x280, v5;
	v18 =	vor.u32 v14, v20  }
0x2a3: {  	v19 =	vor.u32 v15, v21;
	_ =	sdelay $0x1  }
0x2a4: {  	[tilespmem:s5+$0x0] =	vst v16  }
0x2a5: {  	[tilespmem:s7+$0x0] =	vst v17  }
0x2a6: {  	v18 =	vld.idx.msk [tilespmem:v18+s13+$0x0], $0xffff  }
0x2a7: {  	v16 =	vor.u32 $0x300, v3;
	v19 =	vld.idx.msk [tilespmem:v19+s14+$0x0], $0xffff  }
0x2a8: {  	v17 =	vor.u32 $0x300, v5;
	v22 =	vor.u32 v16, v20  }
0x2a9: {  	v23 =	vor.u32 v17, v21;
	_ =	sdelay $0x1  }
0x2aa: {  	[tilespmem:s5+$0x80] =	vst v18  }
0x2ab: {  	[tilespmem:s7+$0x80] =	vst v19  }
0x2ac: {  	v22 =	vld.idx.msk [tilespmem:v22+s13+$0x0], $0xffff  }
0x2ad: {  	v18 =	vor.u32 $0x380, v3;
	v23 =	vld.idx.msk [tilespmem:v23+s14+$0x0], $0xffff  }
0x2ae: {  	v19 =	vor.u32 $0x380, v5;
	v20 =	vor.u32 v18, v20  }
0x2af: {  	v24 =	vor.u32 v19, v21;
	_ =	sdelay $0x1  }
0x2b0: {  	[tilespmem:s5+$0x100] =	vst v22  }
0x2b1: {  	[tilespmem:s7+$0x100] =	vst v23  }
0x2b2: {  	s24 =	simm.s32 $0x800;
	v22 =	vld.idx.msk [tilespmem:v20+s13+$0x0], $0xffff  }
0x2b3: {  	s11 =	sand.u32 $0x60, s23;
	s22 =	simm.s32 $0x2;
	s21 =	sadd.s32 $0x8C10, s8;
	v21 =	vadd.s32 s24, v4;
	v20 =	vadd.s32 s24, v2;
	v23 =	vld.idx.msk [tilespmem:v24+s14+$0x0], $0xffff  }
0x2b4: {  	s10 =	sadd.s32 $0xCC10, s8;
	s20 =	sor.u32 $0x380, s6;
	s7 =	sadd.s32 $0x1000, s7;
	v24 =	vor.u32 v5, v21;
	v25 =	vor.u32 v3, v20  }
.LBB2_9:
0x2b5: {  	s6 =	sadd.s32 $0x1000, s6  }
0x2b6: {  	s5 =	sadd.s32 $0x1000, s5;
	s9 =	smov.u32 s22;
	s8 =	sadd.s32 $0x1, s22  }
0x2b7: {  	p0 =	sne.s32 s22, $0x3;
	[tilespmem:s20+$0x8A00] =	vst v22  }
0x2b8: {  	[tilespmem:s20+$0xCA00] =	vst v23  }
0x2b9: {  	v22 =	vld.idx.msk [tilespmem:v25+s13+$0x0], $0xffff  }
0x2ba: {  	v23 =	vld.idx.msk [tilespmem:v24+s14+$0x0], $0xffff;
	_ =	sdelay $0x1  }
0x2bb: {  	v24 =	vor.u32 v6, v20  }
0x2bc: {  	v25 =	vor.u32 v7, v21;
	_ =	sdelay $0x1  }
0x2bd: {  	[tilespmem:s5+$0xFFFFFE00] =	vst v22  }
0x2be: {  	[tilespmem:s7+$0xFFFFFE00] =	vst v23  }
0x2bf: {  	v22 =	vld.idx.msk [tilespmem:v24+s13+$0x0], $0xffff  }
0x2c0: {  	v23 =	vld.idx.msk [tilespmem:v25+s14+$0x0], $0xffff;
	_ =	sdelay $0x1  }
0x2c1: {  	v24 =	vor.u32 v8, v20  }
0x2c2: {  	v25 =	vor.u32 v9, v21;
	_ =	sdelay $0x1  }
0x2c3: {  	[tilespmem:s5+$0xFFFFFE80] =	vst v22  }
0x2c4: {  	[tilespmem:s7+$0xFFFFFE80] =	vst v23  }
0x2c5: {  	v22 =	vld.idx.msk [tilespmem:v24+s13+$0x0], $0xffff  }
0x2c6: {  	v23 =	vld.idx.msk [tilespmem:v25+s14+$0x0], $0xffff;
	_ =	sdelay $0x1  }
0x2c7: {  	v24 =	vor.u32 v10, v20;
	v25 =	vor.u32 v11, v21;
	_ =	sdelay $0x2  }
0x2c8: {  	[tilespmem:s5+$0xFFFFFF00] =	vst v22  }
0x2c9: {  	[tilespmem:s7+$0xFFFFFF00] =	vst v23  }
0x2ca: {  	v22 =	vld.idx.msk [tilespmem:v24+s13+$0x0], $0xffff  }
0x2cb: {  	v23 =	vld.idx.msk [tilespmem:v25+s14+$0x0], $0xffff;
	_ =	sdelay $0x1  }
0x2cc: {  	v24 =	vor.u32 v12, v20  }
0x2cd: {  	v25 =	vor.u32 v13, v21  }
0x2ce: {  	s20 =	sor.u32 $0x180, s6  }
0x2cf: {  	[tilespmem:s20+$0x8A00] =	vst v22  }
0x2d0: {  	[tilespmem:s20+$0xCA00] =	vst v23  }
0x2d1: {  	v22 =	vld.idx.msk [tilespmem:v24+s13+$0x0], $0xffff  }
0x2d2: {  	v23 =	vld.idx.msk [tilespmem:v25+s14+$0x0], $0xffff;
	_ =	sdelay $0x1  }
0x2d3: {  	v24 =	vor.u32 v14, v20  }
0x2d4: {  	v25 =	vor.u32 v15, v21;
	_ =	sdelay $0x1  }
0x2d5: {  	[tilespmem:s5+$0x0] =	vst v22  }
0x2d6: {  	[tilespmem:s7+$0x0] =	vst v23  }
0x2d7: {  	v22 =	vld.idx.msk [tilespmem:v24+s13+$0x0], $0xffff  }
0x2d8: {  	v23 =	vld.idx.msk [tilespmem:v25+s14+$0x0], $0xffff;
	_ =	sdelay $0x1  }
0x2d9: {  	v24 =	vor.u32 v16, v20  }
0x2da: {  	v25 =	vor.u32 v17, v21;
	_ =	sdelay $0x1  }
0x2db: {  	[tilespmem:s5+$0x80] =	vst v22  }
0x2dc: {  	[tilespmem:s7+$0x80] =	vst v23  }
0x2dd: {  	v22 =	vld.idx.msk [tilespmem:v24+s13+$0x0], $0xffff  }
0x2de: {  	v23 =	vld.idx.msk [tilespmem:v25+s14+$0x0], $0xffff;
	_ =	sdelay $0x1  }
0x2df: {  	v20 =	vor.u32 v18, v20;
	v21 =	vor.u32 v19, v21;
	_ =	sdelay $0x2  }
0x2e0: {  	[tilespmem:s5+$0x100] =	vst v22  }
0x2e1: {  	[tilespmem:s7+$0x100] =	vst v23  }
.Ltmp5:
0x2e2: {  	v22 =	vld.idx.msk [tilespmem:v20+s13+$0x0], $0xffff;
	(pc) =	sbr.rel @p0 .LBB2_9-.Ltmp5, $4  }
0x2e3: {  	s9 =	sshll.u32 s9, $0xB;
	v23 =	vld.idx.msk [tilespmem:v21+s14+$0x0], $0xffff  }
0x2e4: {  	v20 =	vadd.s32 s9, v2;
	v21 =	vadd.s32 s9, v4  }
0x2e5: {  	v25 =	vor.u32 v3, v20;
	v24 =	vor.u32 v5, v21  }
0x2e6: {  	s22 =	smov.u32 s8;
	s20 =	sor.u32 $0x380, s6;
	s7 =	sadd.s32 $0x1000, s7  }
0x2e7: {  	_ =	sdelay $0x1  }
0x2e8: {  	[tilespmem:s20+$0x8A00] =	vst v22  }
0x2e9: {  	[tilespmem:s20+$0xCA00] =	vst v23  }
0x2ea: {  	v2 =	vld.idx.msk [tilespmem:v25+s13+$0x0], $0xffff  }
0x2eb: {  	v3 =	vld.idx.msk [tilespmem:v24+s14+$0x0], $0xffff  }
0x2ec: {  	v4 =	vor.u32 v6, v20  }
0x2ed: {  	v5 =	vor.u32 v7, v21  }
0x2ee: {  	s5 =	sadd.s32 $0x1000, s5  }
0x2ef: {  	[tilespmem:s5+$0xFFFFFE00] =	vst v2  }
0x2f0: {  	[tilespmem:s7+$0xFFFFFE00] =	vst v3  }
0x2f1: {  	v2 =	vld.idx.msk [tilespmem:v4+s13+$0x0], $0xffff  }
0x2f2: {  	v3 =	vld.idx.msk [tilespmem:v5+s14+$0x0], $0xffff  }
0x2f3: {  	v52 =	vor.u32 v8, v20  }
0x2f4: {  	v53 =	vor.u32 v9, v21;
	_ =	sdelay $0x1  }
0x2f5: {  	[tilespmem:s5+$0xFFFFFE80] =	vst v2  }
0x2f6: {  	[tilespmem:s7+$0xFFFFFE80] =	vst v3  }
0x2f7: {  	v2 =	vld.idx.msk [tilespmem:v52+s13+$0x0], $0xffff  }
0x2f8: {  	v3 =	vld.idx.msk [tilespmem:v53+s14+$0x0], $0xffff  }
0x2f9: {  	v54 =	vor.u32 v10, v20  }
0x2fa: {  	v55 =	vor.u32 v11, v21;
	_ =	sdelay $0x1  }
0x2fb: {  	[tilespmem:s5+$0xFFFFFF00] =	vst v2  }
0x2fc: {  	[tilespmem:s7+$0xFFFFFF00] =	vst v3  }
0x2fd: {  	v2 =	vld.idx.msk [tilespmem:v54+s13+$0x0], $0xffff  }
0x2fe: {  	v3 =	vld.idx.msk [tilespmem:v55+s14+$0x0], $0xffff  }
0x2ff: {  	v56 =	vor.u32 v12, v20  }
0x300: {  	s6 =	sadd.s32 $0x1000, s6;
	v57 =	vor.u32 v13, v21  }
0x301: {  	s8 =	sor.u32 $0x180, s6  }
0x302: {  	[tilespmem:s8+$0x8A00] =	vst v2  }
0x303: {  	[tilespmem:s8+$0xCA00] =	vst v3  }
0x304: {  	v2 =	vld.idx.msk [tilespmem:v56+s13+$0x0], $0xffff  }
0x305: {  	v3 =	vld.idx.msk [tilespmem:v57+s14+$0x0], $0xffff  }
0x306: {  	v58 =	vor.u32 v14, v20  }
0x307: {  	v59 =	vor.u32 v15, v21;
	_ =	sdelay $0x1  }
0x308: {  	[tilespmem:s5+$0x0] =	vst v2  }
0x309: {  	[tilespmem:s7+$0x0] =	vst v3  }
0x30a: {  	v2 =	vld.idx.msk [tilespmem:v58+s13+$0x0], $0xffff  }
0x30b: {  	v3 =	vld.idx.msk [tilespmem:v59+s14+$0x0], $0xffff  }
0x30c: {  	v60 =	vor.u32 v16, v20  }
0x30d: {  	v61 =	vor.u32 v17, v21;
	_ =	sdelay $0x1  }
0x30e: {  	[tilespmem:s5+$0x80] =	vst v2  }
0x30f: {  	[tilespmem:s7+$0x80] =	vst v3  }
0x310: {  	v2 =	vld.idx.msk [tilespmem:v60+s13+$0x0], $0xffff  }
0x311: {  	v3 =	vld.idx.msk [tilespmem:v61+s14+$0x0], $0xffff  }
0x312: {  	v62 =	vor.u32 v18, v20  }
0x313: {  	v63 =	vor.u32 v19, v21;
	_ =	sdelay $0x1  }
0x314: {  	[tilespmem:s5+$0x100] =	vst v2  }
0x315: {  	[tilespmem:s7+$0x100] =	vst v3  }
0x316: {  	v2 =	vld.idx.msk [tilespmem:v62+s13+$0x0], $0xffff  }
0x317: {  	p0 =	seq.s32 s3, $0xF;
	v3 =	vld.idx.msk [tilespmem:v63+s14+$0x0], $0xffff  }
.Ltmp6:
0x318: {  	_ = 	snop;
	(pc) =	sbr.rel @p0 .LBB2_14-.Ltmp6, $4  }
0x319: {  	_ = 	snop  }
0x31a: {  	s24 =	sor.u32 $0x380, s6  }
0x31b: {  	[tilespmem:s24+$0x8A00] =	vst v2  }
0x31c: {  	s5 =	simm.s32 $0x0;
	[tilespmem:s24+$0xCA00] =	vst v3  }
0x31d: {  	v2 =	vld [tilespmem:s26+$0x0];
	_ =	sdelay $0x4  }
0x31e: {  	(v2sf) =	vpush v2, $0x0;
	_ =	sdelay $0xe  }
0x31f: {  	s6 =	spop (v2sf)  }
0x320: {  	s7 =	sshll.u32 s6, $0x3  }
0x321: {  	[dreg:$0xd] =	wrdreg s11;
	s6 =	sand.u32 $0x70, s6;
	s7 =	sand.u32 $0xFFFFFC00, s7  }
0x322: {  	s8 =	sand.u32 $0x400, s5;
	s11 =	sand.u32 $0x70, s5;
	s6 =	sor.u32 s6, s7  }
0x323: {  	s7 =	sor.u32 s11, s8;
	s12 =	sshrl.u32 s6, $0x3  }
0x324: {  	s15 =	sor.u32 $0xA00, s7;
	s5 =	sadd.s32 s1, s12  }
0x325: {  	v2 =	vld [tilespmem:s28+$0x0];
	[tilespmem:s15], [sflag:$0x1] =	stream.linear.gather [hbm4b:s5+s4], $0x10, $0x38  }
0x326: {  	s8 =	sor.u32 $0xA80, s7;
	s16 =	sadd.s32 $0x10, s5  }
0x327: {  	[tilespmem:s8], [sflag:$0x1] =	stream.linear.gather [hbm4b:s16+s4], $0x10, $0x38;
	[tilespmem:$0x10A00] =	vst v63  }
0x328: {  	s20 =	sor.u32 $0xB00, s7;
	s19 =	sadd.s32 $0x20, s5  }
0x329: {  	[tilespmem:s20], [sflag:$0x1] =	stream.linear.gather [hbm4b:s19+s4], $0x10, $0x38;
	[tilespmem:$0x10A00] =	vst v63  }
0x32a: {  	s24 =	sor.u32 $0xB80, s7;
	s22 =	sadd.s32 $0x30, s5  }
0x32b: {  	[tilespmem:s24], [sflag:$0x1] =	stream.linear.gather [hbm4b:s22+s4], $0x10, $0x38;
	[tilespmem:$0x10A00] =	vst v63  }
0x32c: {  	s9 =	sadd.s32 $0xC00, s7;
	s8 =	sadd.s32 $0x40, s5  }
0x32d: {  	[tilespmem:s9], [sflag:$0x1] =	stream.linear.gather [hbm4b:s8+s4], $0x10, $0x38;
	[tilespmem:$0x10A00] =	vst v63  }
0x32e: {  	s12 =	sadd.s32 $0xC80, s7;
	s11 =	sadd.s32 $0x50, s5  }
0x32f: {  	[tilespmem:s12], [sflag:$0x1] =	stream.linear.gather [hbm4b:s11+s4], $0x10, $0x38;
	[tilespmem:$0x10A00] =	vst v63  }
0x330: {  	s15 =	sadd.s32 $0x60, s5;
	s16 =	sadd.s32 $0xD00, s7  }
0x331: {  	[tilespmem:s16], [sflag:$0x1] =	stream.linear.gather [hbm4b:s15+s4], $0x10, $0x38;
	[tilespmem:$0x10A00] =	vst v63  }
0x332: {  	s19 =	sadd.s32 $0x70, s5;
	s20 =	sadd.s32 $0xD80, s7  }
0x333: {  	[tilespmem:s20], [sflag:$0x1] =	stream.linear.gather [hbm4b:s19+s4], $0x10, $0x38;
	[tilespmem:$0x10A00] =	vst v63  }
0x334: {  	s6 =	sadd.s32 $0xF4280, s5;
	s22 =	sor.u32 $0x1200, s7  }
0x335: {  	[tilespmem:s22], [sflag:$0x1] =	stream.linear.gather [hbm4b:s6+s4], $0x10, $0x38;
	[tilespmem:$0x10A00] =	vst v63  }
0x336: {  	s24 =	sor.u32 $0x1280, s7;
	s9 =	sadd.s32 $0x10, s6  }
0x337: {  	[tilespmem:s24], [sflag:$0x1] =	stream.linear.gather [hbm4b:s9+s4], $0x10, $0x38;
	[tilespmem:$0x10A00] =	vst v63  }
0x338: {  	s11 =	sor.u32 $0x1300, s7;
	s12 =	sadd.s32 $0x20, s6  }
0x339: {  	[tilespmem:s11], [sflag:$0x1] =	stream.linear.gather [hbm4b:s12+s4], $0x10, $0x38;
	[tilespmem:$0x10A00] =	vst v63  }
0x33a: {  	s15 =	sor.u32 $0x1380, s7;
	s16 =	sadd.s32 $0x30, s6  }
0x33b: {  	[tilespmem:s15], [sflag:$0x1] =	stream.linear.gather [hbm4b:s16+s4], $0x10, $0x38;
	[tilespmem:$0x10A00] =	vst v63  }
0x33c: {  	s19 =	sadd.s32 $0x40, s6;
	s20 =	sadd.s32 $0x1400, s7  }
0x33d: {  	[tilespmem:s20], [sflag:$0x1] =	stream.linear.gather [hbm4b:s19+s4], $0x10, $0x38;
	[tilespmem:$0x10A00] =	vst v63  }
0x33e: {  	s22 =	sadd.s32 $0x50, s6;
	s24 =	sadd.s32 $0x1480, s7  }
0x33f: {  	[tilespmem:s24], [sflag:$0x1] =	stream.linear.gather [hbm4b:s22+s4], $0x10, $0x38;
	[tilespmem:$0x10A00] =	vst v63  }
0x340: {  	s11 =	sadd.s32 $0x60, s6;
	s12 =	sadd.s32 $0x1500, s7  }
0x341: {  	[tilespmem:s12], [sflag:$0x1] =	stream.linear.gather [hbm4b:s11+s4], $0x10, $0x38;
	[tilespmem:$0x10A00] =	vst v63  }
0x342: {  	s6 =	sadd.s32 $0x70, s6;
	s15 =	sadd.s32 $0x1580, s7  }
0x343: {  	[tilespmem:s15], [sflag:$0x1] =	stream.linear.gather [hbm4b:s6+s4], $0x10, $0x38;
	[tilespmem:$0x10A00] =	vst v63  }
0x344: {  	s16 =	sor.u32 $0x1A00, s7;
	s6 =	sadd.s32 $0x1E8500, s5  }
0x345: {  	[tilespmem:s16], [sflag:$0x1] =	stream.linear.gather [hbm4b:s6+s4], $0x10, $0x38;
	[tilespmem:$0x10A00] =	vst v63  }
0x346: {  	s20 =	sor.u32 $0x1A80, s7;
	s19 =	sadd.s32 $0x10, s6  }
0x347: {  	[tilespmem:s20], [sflag:$0x1] =	stream.linear.gather [hbm4b:s19+s4], $0x10, $0x38;
	[tilespmem:$0x10A00] =	vst v63  }
0x348: {  	s24 =	sor.u32 $0x1B00, s7;
	s22 =	sadd.s32 $0x20, s6  }
0x349: {  	(v2sf) =	vpush v2, $0x0;
	[tilespmem:s24], [sflag:$0x1] =	stream.linear.gather [hbm4b:s22+s4], $0x10, $0x38;
	[tilespmem:$0x10A00] =	vst v63  }
0x34a: {  	s12 =	sor.u32 $0x1B80, s7;
	s11 =	sadd.s32 $0x30, s6  }
0x34b: {  	[tilespmem:s12], [sflag:$0x1] =	stream.linear.gather [hbm4b:s11+s4], $0x10, $0x38;
	[tilespmem:$0x10A00] =	vst v63  }
0x34c: {  	s15 =	sadd.s32 $0x40, s6;
	s16 =	sadd.s32 $0x1C00, s7  }
0x34d: {  	[tilespmem:s16], [sflag:$0x1] =	stream.linear.gather [hbm4b:s15+s4], $0x10, $0x38;
	[tilespmem:$0x10A00] =	vst v63  }
0x34e: {  	s19 =	sadd.s32 $0x50, s6;
	s20 =	sadd.s32 $0x1C80, s7  }
0x34f: {  	[tilespmem:s20], [sflag:$0x1] =	stream.linear.gather [hbm4b:s19+s4], $0x10, $0x38;
	[tilespmem:$0x10A00] =	vst v63  }
0x350: {  	s22 =	sadd.s32 $0x60, s6;
	s24 =	sadd.s32 $0x1D00, s7  }
0x351: {  	[tilespmem:s24], [sflag:$0x1] =	stream.linear.gather [hbm4b:s22+s4], $0x10, $0x38;
	[tilespmem:$0x10A00] =	vst v63  }
0x352: {  	s9 =	sadd.s32 $0x1D80, s7;
	s6 =	sadd.s32 $0x70, s6  }
0x353: {  	[tilespmem:s9], [sflag:$0x1] =	stream.linear.gather [hbm4b:s6+s4], $0x10, $0x38;
	[tilespmem:$0x10A00] =	vst v63  }
0x354: {  	s5 =	sadd.s32 $0x2DC780, s5;
	s11 =	sor.u32 $0x2200, s7  }
0x355: {  	[tilespmem:s11], [sflag:$0x1] =	stream.linear.gather [hbm4b:s5+s4], $0x10, $0x38;
	[tilespmem:$0x10A00] =	vst v63  }
0x356: {  	s12 =	sadd.s32 $0x10, s5;
	s15 =	sor.u32 $0x2280, s7  }
0x357: {  	[tilespmem:s15], [sflag:$0x1] =	stream.linear.gather [hbm4b:s12+s4], $0x10, $0x38;
	[tilespmem:$0x10A00] =	vst v63  }
0x358: {  	s16 =	spop (v2sf);
	s19 =	sadd.s32 $0x20, s5;
	s20 =	sor.u32 $0x2300, s7  }
0x359: {  	[tilespmem:s20], [sflag:$0x1] =	stream.linear.gather [hbm4b:s19+s4], $0x10, $0x38;
	[tilespmem:$0x10A00] =	vst v63  }
0x35a: {  	s22 =	sshll.u32 s16, $0x3;
	s24 =	sadd.s32 $0x30, s5;
	s20 =	sor.u32 $0x2380, s7  }
0x35b: {  	[tilespmem:s20], [sflag:$0x1] =	stream.linear.gather [hbm4b:s24+s4], $0x10, $0x38;
	[tilespmem:$0x10A00] =	vst v63  }
0x35c: {  	s8 =	sand.u32 $0xFFFFFC00, s22;
	s11 =	sadd.s32 $0x40, s5;
	s12 =	sadd.s32 $0x2400, s7  }
0x35d: {  	[tilespmem:s12], [sflag:$0x1] =	stream.linear.gather [hbm4b:s11+s4], $0x10, $0x38;
	[tilespmem:$0x10A00] =	vst v63  }
0x35e: {  	s6 =	sand.u32 $0x70, s16;
	s16 =	sadd.s32 $0x2480, s7;
	s15 =	sadd.s32 $0x50, s5  }
0x35f: {  	[tilespmem:s16], [sflag:$0x1] =	stream.linear.gather [hbm4b:s15+s4], $0x10, $0x38;
	[tilespmem:$0x10A00] =	vst v63  }
0x360: {  	s6 =	sor.u32 s6, s8;
	s19 =	sadd.s32 $0x60, s5;
	s20 =	sadd.s32 $0x2500, s7  }
0x361: {  	[tilespmem:s20], [sflag:$0x1] =	stream.linear.gather [hbm4b:s19+s4], $0x10, $0x38;
	[tilespmem:$0x10A00] =	vst v63  }
0x362: {  	s22 =	sadd.s32 $0x2580, s7;
	s6 =	sshrl.u32 s6, $0x3;
	s5 =	sadd.s32 $0x70, s5  }
0x363: {  	[tilespmem:s22], [sflag:$0x1] =	stream.linear.gather [hbm4b:s5+s4], $0x10, $0x38;
	[tilespmem:$0x10A00] =	vst v63  }
0x364: {  	s24 =	sor.u32 $0x4A00, s7;
	s5 =	sadd.s32 s2, s6  }
0x365: {  	[tilespmem:s24], [sflag:$0x3] =	stream.linear.gather [hbm4b:s5+s4], $0x10, $0x38;
	[tilespmem:$0x10A00] =	vst v63  }
0x366: {  	s9 =	sor.u32 $0x4A80, s7;
	s8 =	sadd.s32 $0x10, s5  }
0x367: {  	[tilespmem:s9], [sflag:$0x3] =	stream.linear.gather [hbm4b:s8+s4], $0x10, $0x38;
	[tilespmem:$0x10A00] =	vst v63  }
0x368: {  	s12 =	sor.u32 $0x4B00, s7;
	s11 =	sadd.s32 $0x20, s5  }
0x369: {  	[tilespmem:s12], [sflag:$0x3] =	stream.linear.gather [hbm4b:s11+s4], $0x10, $0x38;
	[tilespmem:$0x10A00] =	vst v63  }
0x36a: {  	s16 =	sor.u32 $0x4B80, s7;
	s15 =	sadd.s32 $0x30, s5  }
0x36b: {  	[tilespmem:s16], [sflag:$0x3] =	stream.linear.gather [hbm4b:s15+s4], $0x10, $0x38;
	[tilespmem:$0x10A00] =	vst v63  }
0x36c: {  	s20 =	sadd.s32 $0x4C00, s7;
	s19 =	sadd.s32 $0x40, s5  }
0x36d: {  	[tilespmem:s20], [sflag:$0x3] =	stream.linear.gather [hbm4b:s19+s4], $0x10, $0x38;
	[tilespmem:$0x10A00] =	vst v63  }
0x36e: {  	s22 =	sadd.s32 $0x50, s5;
	s24 =	sadd.s32 $0x4C80, s7  }
0x36f: {  	[tilespmem:s24], [sflag:$0x3] =	stream.linear.gather [hbm4b:s22+s4], $0x10, $0x38;
	[tilespmem:$0x10A00] =	vst v63  }
0x370: {  	s9 =	sadd.s32 $0x60, s5;
	s11 =	sadd.s32 $0x4D00, s7  }
0x371: {  	[tilespmem:s11], [sflag:$0x3] =	stream.linear.gather [hbm4b:s9+s4], $0x10, $0x38;
	[tilespmem:$0x10A00] =	vst v63  }
0x372: {  	s12 =	sadd.s32 $0x70, s5;
	s15 =	sadd.s32 $0x4D80, s7  }
0x373: {  	[tilespmem:s15], [sflag:$0x3] =	stream.linear.gather [hbm4b:s12+s4], $0x10, $0x38;
	[tilespmem:$0x10A00] =	vst v63  }
0x374: {  	s6 =	sadd.s32 $0x18700, s5;
	s16 =	sor.u32 $0x5200, s7  }
0x375: {  	[tilespmem:s16], [sflag:$0x3] =	stream.linear.gather [hbm4b:s6+s4], $0x10, $0x38;
	[tilespmem:$0x10A00] =	vst v63  }
0x376: {  	s19 =	sadd.s32 $0x10, s6;
	s20 =	sor.u32 $0x5280, s7  }
0x377: {  	[tilespmem:s20], [sflag:$0x3] =	stream.linear.gather [hbm4b:s19+s4], $0x10, $0x38;
	[tilespmem:$0x10A00] =	vst v63  }
0x378: {  	s22 =	sadd.s32 $0x20, s6;
	s24 =	sor.u32 $0x5300, s7  }
0x379: {  	[tilespmem:s24], [sflag:$0x3] =	stream.linear.gather [hbm4b:s22+s4], $0x10, $0x38;
	[tilespmem:$0x10A00] =	vst v63  }
0x37a: {  	s9 =	sadd.s32 $0x30, s6;
	s11 =	sor.u32 $0x5380, s7  }
0x37b: {  	[tilespmem:s11], [sflag:$0x3] =	stream.linear.gather [hbm4b:s9+s4], $0x10, $0x38;
	[tilespmem:$0x10A00] =	vst v63  }
0x37c: {  	s12 =	sadd.s32 $0x40, s6;
	s15 =	sadd.s32 $0x5400, s7  }
0x37d: {  	[tilespmem:s15], [sflag:$0x3] =	stream.linear.gather [hbm4b:s12+s4], $0x10, $0x38;
	[tilespmem:$0x10A00] =	vst v63  }
0x37e: {  	s16 =	sadd.s32 $0x50, s6;
	s19 =	sadd.s32 $0x5480, s7  }
0x37f: {  	[tilespmem:s19], [sflag:$0x3] =	stream.linear.gather [hbm4b:s16+s4], $0x10, $0x38;
	[tilespmem:$0x10A00] =	vst v63  }
0x380: {  	s20 =	sadd.s32 $0x60, s6;
	s22 =	sadd.s32 $0x5500, s7  }
0x381: {  	[tilespmem:s22], [sflag:$0x3] =	stream.linear.gather [hbm4b:s20+s4], $0x10, $0x38;
	[tilespmem:$0x10A00] =	vst v63  }
0x382: {  	s6 =	sadd.s32 $0x70, s6;
	s24 =	sadd.s32 $0x5580, s7  }
0x383: {  	[tilespmem:s24], [sflag:$0x3] =	stream.linear.gather [hbm4b:s6+s4], $0x10, $0x38;
	[tilespmem:$0x10A00] =	vst v63  }
0x384: {  	s9 =	sor.u32 $0x5A00, s7;
	s6 =	sadd.s32 $0x30E00, s5  }
0x385: {  	[tilespmem:s9], [sflag:$0x3] =	stream.linear.gather [hbm4b:s6+s4], $0x10, $0x38;
	[tilespmem:$0x10A00] =	vst v63  }
0x386: {  	s12 =	sor.u32 $0x5A80, s7;
	s11 =	sadd.s32 $0x10, s6  }
0x387: {  	[tilespmem:s12], [sflag:$0x3] =	stream.linear.gather [hbm4b:s11+s4], $0x10, $0x38;
	[tilespmem:$0x10A00] =	vst v63  }
0x388: {  	s16 =	sor.u32 $0x5B00, s7;
	s15 =	sadd.s32 $0x20, s6  }
0x389: {  	[tilespmem:s16], [sflag:$0x3] =	stream.linear.gather [hbm4b:s15+s4], $0x10, $0x38;
	[tilespmem:$0x10A00] =	vst v63  }
0x38a: {  	s20 =	sor.u32 $0x5B80, s7;
	s19 =	sadd.s32 $0x30, s6  }
0x38b: {  	[tilespmem:s20], [sflag:$0x3] =	stream.linear.gather [hbm4b:s19+s4], $0x10, $0x38;
	[tilespmem:$0x10A00] =	vst v63  }
0x38c: {  	s24 =	sadd.s32 $0x5C00, s7;
	s22 =	sadd.s32 $0x40, s6  }
0x38d: {  	[tilespmem:s24], [sflag:$0x3] =	stream.linear.gather [hbm4b:s22+s4], $0x10, $0x38;
	[tilespmem:$0x10A00] =	vst v63  }
0x38e: {  	s11 =	sadd.s32 $0x50, s6;
	s12 =	sadd.s32 $0x5C80, s7  }
0x38f: {  	[tilespmem:s12], [sflag:$0x3] =	stream.linear.gather [hbm4b:s11+s4], $0x10, $0x38;
	[tilespmem:$0x10A00] =	vst v63  }
0x390: {  	s15 =	sadd.s32 $0x60, s6;
	s16 =	sadd.s32 $0x5D00, s7  }
0x391: {  	[tilespmem:s16], [sflag:$0x3] =	stream.linear.gather [hbm4b:s15+s4], $0x10, $0x38;
	[tilespmem:$0x10A00] =	vst v63  }
0x392: {  	s6 =	sadd.s32 $0x70, s6;
	s19 =	sadd.s32 $0x5D80, s7  }
0x393: {  	[tilespmem:s19], [sflag:$0x3] =	stream.linear.gather [hbm4b:s6+s4], $0x10, $0x38;
	[tilespmem:$0x10A00] =	vst v63  }
0x394: {  	s8 =	sadd.s32 $0x49500, s5;
	s20 =	sor.u32 $0x6200, s7  }
0x395: {  	[tilespmem:s20], [sflag:$0x3] =	stream.linear.gather [hbm4b:s8+s4], $0x10, $0x38;
	[tilespmem:$0x10A00] =	vst v63  }
0x396: {  	s22 =	sadd.s32 $0x10, s8;
	s24 =	sor.u32 $0x6280, s7  }
0x397: {  	[tilespmem:s24], [sflag:$0x3] =	stream.linear.gather [hbm4b:s22+s4], $0x10, $0x38;
	[tilespmem:$0x10A00] =	vst v63  }
0x398: {  	s9 =	sadd.s32 $0x20, s8;
	s11 =	sor.u32 $0x6300, s7  }
0x399: {  	[tilespmem:s11], [sflag:$0x3] =	stream.linear.gather [hbm4b:s9+s4], $0x10, $0x38;
	[tilespmem:$0x10A00] =	vst v63  }
0x39a: {  	s12 =	sadd.s32 $0x30, s8;
	s15 =	sor.u32 $0x6380, s7  }
0x39b: {  	[tilespmem:s15], [sflag:$0x3] =	stream.linear.gather [hbm4b:s12+s4], $0x10, $0x38;
	[tilespmem:$0x10A00] =	vst v63  }
0x39c: {  	s5 =	sadd.s32 $0x1, s28;
	s16 =	sadd.s32 $0x40, s8;
	s19 =	sadd.s32 $0x6400, s7  }
0x39d: {  	[tilespmem:s19], [sflag:$0x3] =	stream.linear.gather [hbm4b:s16+s4], $0x10, $0x38;
	[tilespmem:$0x10A00] =	vst v63  }
0x39e: {  	s6 =	sadd.s32 $0x1, s26;
	s22 =	sadd.s32 $0x50, s8;
	s24 =	sadd.s32 $0x6480, s7  }
0x39f: {  	[tilespmem:s24], [sflag:$0x3] =	stream.linear.gather [hbm4b:s22+s4], $0x10, $0x38;
	[tilespmem:$0x10A00] =	vst v63  }
0x3a0: {  	s20 =	simm.s32 $0x10;
	s9 =	sadd.s32 $0x60, s8;
	s22 =	sadd.s32 $0x6500, s7  }
0x3a1: {  	s24 =	sadd.s32 $0x70, s8;
	s8 =	sadd.s32 $0x6580, s7;
	s7 =	simm.s32 $0x80  }
.LBB2_12:
0x3a2: {  	[tilespmem:s22], [sflag:$0x3] =	stream.linear.gather [hbm4b:s9+s4], $0x10, $0x38;
	[tilespmem:$0x10A00] =	vst v63  }
0x3a3: {  	p1 =	sne.s32 s20, $0xF0;
	s9 =	smov.u32 s20;
	s20 =	sadd.s32 $0x10, s20  }
0x3a4: {  	[tilespmem:s8], [sflag:$0x3] =	stream.linear.gather [hbm4b:s24+s4], $0x10, $0x38;
	[tilespmem:$0x10A00] =	vst v63  }
0x3a5: {  	v2 =	vld [tilespmem:s6+$0x0];
	_ =	sdelay $0x4  }
0x3a6: {  	(v2sf) =	vpush v2, $0x0;
	_ =	sdelay $0xe  }
0x3a7: {  	s8 =	spop (v2sf)  }
0x3a8: {  	s9 =	sand.u32 $0x70, s9;
	s24 =	sand.u32 $0x400, s7;
	s22 =	sshll.u32 s8, $0x3  }
0x3a9: {  	s15 =	sand.u32 $0x70, s8;
	s8 =	sor.u32 s9, s24;
	s22 =	sand.u32 $0xFFFFFC00, s22  }
0x3aa: {  	v2 =	vld [tilespmem:s5+$0x0];
	s9 =	sor.u32 s15, s22;
	s15 =	sor.u32 $0xA00, s8  }
0x3ab: {  	s9 =	sshrl.u32 s9, $0x3  }
0x3ac: {  	s9 =	sadd.s32 s1, s9  }
0x3ad: {  	[tilespmem:s15], [sflag:$0x1] =	stream.linear.gather [hbm4b:s9+s4], $0x10, $0x38;
	[tilespmem:$0x10A00] =	vst v63  }
0x3ae: {  	s22 =	sor.u32 $0xA80, s8;
	s15 =	sadd.s32 $0x10, s9  }
0x3af: {  	[tilespmem:s22], [sflag:$0x1] =	stream.linear.gather [hbm4b:s15+s4], $0x10, $0x38;
	(v2sf) =	vpush v2, $0x0;
	[tilespmem:$0x10A00] =	vst v63  }
0x3b0: {  	s15 =	sadd.s32 $0x20, s9;
	s22 =	sor.u32 $0xB00, s8  }
0x3b1: {  	[tilespmem:s22], [sflag:$0x1] =	stream.linear.gather [hbm4b:s15+s4], $0x10, $0x38;
	[tilespmem:$0x10A00] =	vst v63  }
0x3b2: {  	s15 =	sadd.s32 $0x30, s9;
	s22 =	sor.u32 $0xB80, s8  }
0x3b3: {  	[tilespmem:s22], [sflag:$0x1] =	stream.linear.gather [hbm4b:s15+s4], $0x10, $0x38;
	[tilespmem:$0x10A00] =	vst v63  }
0x3b4: {  	s15 =	sadd.s32 $0x40, s9;
	s22 =	sadd.s32 $0xC00, s8  }
0x3b5: {  	[tilespmem:s22], [sflag:$0x1] =	stream.linear.gather [hbm4b:s15+s4], $0x10, $0x38;
	[tilespmem:$0x10A00] =	vst v63  }
0x3b6: {  	s15 =	sadd.s32 $0x50, s9;
	s22 =	sadd.s32 $0xC80, s8  }
0x3b7: {  	[tilespmem:s22], [sflag:$0x1] =	stream.linear.gather [hbm4b:s15+s4], $0x10, $0x38;
	[tilespmem:$0x10A00] =	vst v63  }
0x3b8: {  	s24 =	sor.u32 $0x1380, s8;
	s15 =	sadd.s32 $0x60, s9;
	s22 =	sadd.s32 $0xD00, s8  }
0x3b9: {  	[tilespmem:s22], [sflag:$0x1] =	stream.linear.gather [hbm4b:s15+s4], $0x10, $0x38;
	[tilespmem:$0x10A00] =	vst v63  }
0x3ba: {  	s16 =	sor.u32 $0x1300, s8;
	s15 =	sadd.s32 $0x70, s9;
	s22 =	sadd.s32 $0xD80, s8  }
0x3bb: {  	[tilespmem:s22], [sflag:$0x1] =	stream.linear.gather [hbm4b:s15+s4], $0x10, $0x38;
	[tilespmem:$0x10A00] =	vst v63  }
0x3bc: {  	s11 =	sor.u32 $0x1280, s8;
	s15 =	sadd.s32 $0xF4280, s9;
	s22 =	sor.u32 $0x1200, s8  }
0x3bd: {  	[tilespmem:s22], [sflag:$0x1] =	stream.linear.gather [hbm4b:s15+s4], $0x10, $0x38;
	[tilespmem:$0x10A00] =	vst v63  }
0x3be: {  	s12 =	sadd.s32 $0x20, s15;
	s22 =	sadd.s32 $0x10, s15;
	s19 =	spop (v2sf)  }
0x3bf: {  	[tilespmem:s11], [sflag:$0x1] =	stream.linear.gather [hbm4b:s22+s4], $0x10, $0x38;
	[tilespmem:$0x10A00] =	vst v63  }
0x3c0: {  	s11 =	sadd.s32 $0x30, s15;
	s22 =	sshll.u32 s19, $0x3;
	s19 =	sand.u32 $0x70, s19  }
0x3c1: {  	[tilespmem:s16], [sflag:$0x1] =	stream.linear.gather [hbm4b:s12+s4], $0x10, $0x38;
	[tilespmem:$0x10A00] =	vst v63  }
0x3c2: {  	s22 =	sand.u32 $0xFFFFFC00, s22;
	s12 =	sadd.s32 $0x40, s15;
	s16 =	sadd.s32 $0x1400, s8  }
0x3c3: {  	[tilespmem:s24], [sflag:$0x1] =	stream.linear.gather [hbm4b:s11+s4], $0x10, $0x38;
	[tilespmem:$0x10A00] =	vst v63  }
0x3c4: {  	s19 =	sor.u32 s19, s22;
	s11 =	sadd.s32 $0x50, s15;
	s24 =	sadd.s32 $0x1480, s8  }
0x3c5: {  	[tilespmem:s16], [sflag:$0x1] =	stream.linear.gather [hbm4b:s12+s4], $0x10, $0x38;
	[tilespmem:$0x10A00] =	vst v63  }
0x3c6: {  	s22 =	sshrl.u32 s19, $0x3;
	s12 =	sadd.s32 $0x60, s15;
	s16 =	sadd.s32 $0x1500, s8  }
0x3c7: {  	[tilespmem:s24], [sflag:$0x1] =	stream.linear.gather [hbm4b:s11+s4], $0x10, $0x38;
	[tilespmem:$0x10A00] =	vst v63  }
0x3c8: {  	s11 =	sadd.s32 $0x70, s15;
	s15 =	sadd.s32 $0x1580, s8  }
0x3c9: {  	[tilespmem:s16], [sflag:$0x1] =	stream.linear.gather [hbm4b:s12+s4], $0x10, $0x38;
	[tilespmem:$0x10A00] =	vst v63  }
0x3ca: {  	s12 =	sadd.s32 $0x1E8500, s9;
	s16 =	sor.u32 $0x1A00, s8  }
0x3cb: {  	[tilespmem:s15], [sflag:$0x1] =	stream.linear.gather [hbm4b:s11+s4], $0x10, $0x38;
	[tilespmem:$0x10A00] =	vst v63  }
0x3cc: {  	s11 =	sadd.s32 $0x10, s12;
	s15 =	sor.u32 $0x1A80, s8  }
0x3cd: {  	[tilespmem:s16], [sflag:$0x1] =	stream.linear.gather [hbm4b:s12+s4], $0x10, $0x38;
	[tilespmem:$0x10A00] =	vst v63  }
0x3ce: {  	s19 =	sor.u32 $0x1B00, s8;
	s16 =	sadd.s32 $0x20, s12  }
0x3cf: {  	[tilespmem:s15], [sflag:$0x1] =	stream.linear.gather [hbm4b:s11+s4], $0x10, $0x38;
	[tilespmem:$0x10A00] =	vst v63  }
0x3d0: {  	s11 =	sadd.s32 $0x30, s12;
	s15 =	sor.u32 $0x1B80, s8  }
0x3d1: {  	[tilespmem:s19], [sflag:$0x1] =	stream.linear.gather [hbm4b:s16+s4], $0x10, $0x38;
	[tilespmem:$0x10A00] =	vst v63  }
0x3d2: {  	s16 =	sadd.s32 $0x40, s12;
	s19 =	sadd.s32 $0x1C00, s8  }
0x3d3: {  	[tilespmem:s15], [sflag:$0x1] =	stream.linear.gather [hbm4b:s11+s4], $0x10, $0x38;
	[tilespmem:$0x10A00] =	vst v63  }
0x3d4: {  	s11 =	sadd.s32 $0x50, s12;
	s15 =	sadd.s32 $0x1C80, s8  }
0x3d5: {  	[tilespmem:s19], [sflag:$0x1] =	stream.linear.gather [hbm4b:s16+s4], $0x10, $0x38;
	[tilespmem:$0x10A00] =	vst v63  }
0x3d6: {  	s16 =	sadd.s32 $0x60, s12;
	s19 =	sadd.s32 $0x1D00, s8  }
0x3d7: {  	[tilespmem:s15], [sflag:$0x1] =	stream.linear.gather [hbm4b:s11+s4], $0x10, $0x38;
	[tilespmem:$0x10A00] =	vst v63  }
0x3d8: {  	s11 =	sadd.s32 $0x70, s12;
	s12 =	sadd.s32 $0x1D80, s8  }
0x3d9: {  	[tilespmem:s19], [sflag:$0x1] =	stream.linear.gather [hbm4b:s16+s4], $0x10, $0x38;
	[tilespmem:$0x10A00] =	vst v63  }
0x3da: {  	s9 =	sadd.s32 $0x2DC780, s9;
	s15 =	sor.u32 $0x2200, s8  }
0x3db: {  	[tilespmem:s12], [sflag:$0x1] =	stream.linear.gather [hbm4b:s11+s4], $0x10, $0x38;
	[tilespmem:$0x10A00] =	vst v63  }
0x3dc: {  	s11 =	sadd.s32 $0x10, s9;
	s12 =	sor.u32 $0x2280, s8  }
0x3dd: {  	[tilespmem:s15], [sflag:$0x1] =	stream.linear.gather [hbm4b:s9+s4], $0x10, $0x38;
	[tilespmem:$0x10A00] =	vst v63  }
0x3de: {  	s16 =	sor.u32 $0x2300, s8;
	s15 =	sadd.s32 $0x20, s9  }
0x3df: {  	[tilespmem:s12], [sflag:$0x1] =	stream.linear.gather [hbm4b:s11+s4], $0x10, $0x38;
	[tilespmem:$0x10A00] =	vst v63  }
0x3e0: {  	s11 =	sadd.s32 $0x30, s9;
	s12 =	sor.u32 $0x2380, s8  }
0x3e1: {  	[tilespmem:s16], [sflag:$0x1] =	stream.linear.gather [hbm4b:s15+s4], $0x10, $0x38;
	[tilespmem:$0x10A00] =	vst v63  }
0x3e2: {  	s15 =	sadd.s32 $0x40, s9;
	s16 =	sadd.s32 $0x2400, s8  }
0x3e3: {  	[tilespmem:s12], [sflag:$0x1] =	stream.linear.gather [hbm4b:s11+s4], $0x10, $0x38;
	[tilespmem:$0x10A00] =	vst v63  }
0x3e4: {  	s11 =	sadd.s32 $0x50, s9;
	s12 =	sadd.s32 $0x2480, s8  }
0x3e5: {  	[tilespmem:s16], [sflag:$0x1] =	stream.linear.gather [hbm4b:s15+s4], $0x10, $0x38;
	[tilespmem:$0x10A00] =	vst v63  }
0x3e6: {  	s15 =	sadd.s32 $0x60, s9;
	s16 =	sadd.s32 $0x2500, s8  }
0x3e7: {  	[tilespmem:s12], [sflag:$0x1] =	stream.linear.gather [hbm4b:s11+s4], $0x10, $0x38;
	[tilespmem:$0x10A00] =	vst v63  }
0x3e8: {  	s11 =	sadd.s32 $0x70, s9;
	s12 =	sadd.s32 $0x2580, s8  }
0x3e9: {  	[tilespmem:s16], [sflag:$0x1] =	stream.linear.gather [hbm4b:s15+s4], $0x10, $0x38;
	[tilespmem:$0x10A00] =	vst v63  }
0x3ea: {  	s9 =	sadd.s32 s2, s22;
	s15 =	sor.u32 $0x4A00, s8  }
0x3eb: {  	[tilespmem:s12], [sflag:$0x1] =	stream.linear.gather [hbm4b:s11+s4], $0x10, $0x38;
	[tilespmem:$0x10A00] =	vst v63  }
0x3ec: {  	s11 =	sadd.s32 $0x10, s9;
	s12 =	sor.u32 $0x4A80, s8  }
0x3ed: {  	[tilespmem:s15], [sflag:$0x3] =	stream.linear.gather [hbm4b:s9+s4], $0x10, $0x38;
	[tilespmem:$0x10A00] =	vst v63  }
0x3ee: {  	s16 =	sor.u32 $0x4B00, s8;
	s15 =	sadd.s32 $0x20, s9  }
0x3ef: {  	[tilespmem:s12], [sflag:$0x3] =	stream.linear.gather [hbm4b:s11+s4], $0x10, $0x38;
	[tilespmem:$0x10A00] =	vst v63  }
0x3f0: {  	s11 =	sadd.s32 $0x30, s9;
	s12 =	sor.u32 $0x4B80, s8  }
0x3f1: {  	[tilespmem:s16], [sflag:$0x3] =	stream.linear.gather [hbm4b:s15+s4], $0x10, $0x38;
	[tilespmem:$0x10A00] =	vst v63  }
0x3f2: {  	s15 =	sadd.s32 $0x40, s9;
	s16 =	sadd.s32 $0x4C00, s8  }
0x3f3: {  	[tilespmem:s12], [sflag:$0x3] =	stream.linear.gather [hbm4b:s11+s4], $0x10, $0x38;
	[tilespmem:$0x10A00] =	vst v63  }
0x3f4: {  	s11 =	sadd.s32 $0x50, s9;
	s12 =	sadd.s32 $0x4C80, s8  }
0x3f5: {  	[tilespmem:s16], [sflag:$0x3] =	stream.linear.gather [hbm4b:s15+s4], $0x10, $0x38;
	[tilespmem:$0x10A00] =	vst v63  }
0x3f6: {  	s15 =	sadd.s32 $0x60, s9;
	s16 =	sadd.s32 $0x4D00, s8  }
0x3f7: {  	[tilespmem:s12], [sflag:$0x3] =	stream.linear.gather [hbm4b:s11+s4], $0x10, $0x38;
	[tilespmem:$0x10A00] =	vst v63  }
0x3f8: {  	s11 =	sadd.s32 $0x70, s9;
	s12 =	sadd.s32 $0x4D80, s8  }
0x3f9: {  	[tilespmem:s16], [sflag:$0x3] =	stream.linear.gather [hbm4b:s15+s4], $0x10, $0x38;
	[tilespmem:$0x10A00] =	vst v63  }
0x3fa: {  	s15 =	sadd.s32 $0x18700, s9;
	s16 =	sor.u32 $0x5200, s8  }
0x3fb: {  	[tilespmem:s12], [sflag:$0x3] =	stream.linear.gather [hbm4b:s11+s4], $0x10, $0x38;
	[tilespmem:$0x10A00] =	vst v63  }
0x3fc: {  	s11 =	sadd.s32 $0x10, s15;
	s12 =	sor.u32 $0x5280, s8  }
0x3fd: {  	[tilespmem:s16], [sflag:$0x3] =	stream.linear.gather [hbm4b:s15+s4], $0x10, $0x38;
	[tilespmem:$0x10A00] =	vst v63  }
0x3fe: {  	s19 =	sor.u32 $0x5300, s8;
	s16 =	sadd.s32 $0x20, s15  }
0x3ff: {  	[tilespmem:s12], [sflag:$0x3] =	stream.linear.gather [hbm4b:s11+s4], $0x10, $0x38;
	[tilespmem:$0x10A00] =	vst v63  }
0x400: {  	s11 =	sadd.s32 $0x30, s15;
	s12 =	sor.u32 $0x5380, s8  }
0x401: {  	[tilespmem:s19], [sflag:$0x3] =	stream.linear.gather [hbm4b:s16+s4], $0x10, $0x38;
	[tilespmem:$0x10A00] =	vst v63  }
0x402: {  	s16 =	sadd.s32 $0x40, s15;
	s19 =	sadd.s32 $0x5400, s8  }
0x403: {  	[tilespmem:s12], [sflag:$0x3] =	stream.linear.gather [hbm4b:s11+s4], $0x10, $0x38;
	[tilespmem:$0x10A00] =	vst v63  }
0x404: {  	s11 =	sadd.s32 $0x50, s15;
	s12 =	sadd.s32 $0x5480, s8  }
0x405: {  	[tilespmem:s19], [sflag:$0x3] =	stream.linear.gather [hbm4b:s16+s4], $0x10, $0x38;
	[tilespmem:$0x10A00] =	vst v63  }
0x406: {  	s16 =	sadd.s32 $0x60, s15;
	s19 =	sadd.s32 $0x5500, s8  }
0x407: {  	[tilespmem:s12], [sflag:$0x3] =	stream.linear.gather [hbm4b:s11+s4], $0x10, $0x38;
	[tilespmem:$0x10A00] =	vst v63  }
0x408: {  	s11 =	sadd.s32 $0x70, s15;
	s12 =	sadd.s32 $0x5580, s8  }
0x409: {  	[tilespmem:s19], [sflag:$0x3] =	stream.linear.gather [hbm4b:s16+s4], $0x10, $0x38;
	[tilespmem:$0x10A00] =	vst v63  }
0x40a: {  	s15 =	sadd.s32 $0x30E00, s9;
	s16 =	sor.u32 $0x5A00, s8  }
0x40b: {  	[tilespmem:s12], [sflag:$0x3] =	stream.linear.gather [hbm4b:s11+s4], $0x10, $0x38;
	[tilespmem:$0x10A00] =	vst v63  }
0x40c: {  	s11 =	sadd.s32 $0x10, s15;
	s12 =	sor.u32 $0x5A80, s8  }
0x40d: {  	[tilespmem:s16], [sflag:$0x3] =	stream.linear.gather [hbm4b:s15+s4], $0x10, $0x38;
	[tilespmem:$0x10A00] =	vst v63  }
0x40e: {  	s19 =	sor.u32 $0x5B00, s8;
	s16 =	sadd.s32 $0x20, s15  }
0x40f: {  	[tilespmem:s12], [sflag:$0x3] =	stream.linear.gather [hbm4b:s11+s4], $0x10, $0x38;
	[tilespmem:$0x10A00] =	vst v63  }
0x410: {  	s11 =	sadd.s32 $0x30, s15;
	s12 =	sor.u32 $0x5B80, s8  }
0x411: {  	[tilespmem:s19], [sflag:$0x3] =	stream.linear.gather [hbm4b:s16+s4], $0x10, $0x38;
	[tilespmem:$0x10A00] =	vst v63  }
0x412: {  	s16 =	sadd.s32 $0x40, s15;
	s19 =	sadd.s32 $0x5C00, s8  }
0x413: {  	[tilespmem:s12], [sflag:$0x3] =	stream.linear.gather [hbm4b:s11+s4], $0x10, $0x38;
	[tilespmem:$0x10A00] =	vst v63  }
0x414: {  	s11 =	sadd.s32 $0x50, s15;
	s12 =	sadd.s32 $0x5C80, s8  }
0x415: {  	[tilespmem:s19], [sflag:$0x3] =	stream.linear.gather [hbm4b:s16+s4], $0x10, $0x38;
	[tilespmem:$0x10A00] =	vst v63  }
0x416: {  	s16 =	sadd.s32 $0x60, s15;
	s19 =	sadd.s32 $0x5D00, s8  }
0x417: {  	[tilespmem:s12], [sflag:$0x3] =	stream.linear.gather [hbm4b:s11+s4], $0x10, $0x38;
	[tilespmem:$0x10A00] =	vst v63  }
0x418: {  	s11 =	sadd.s32 $0x70, s15;
	s12 =	sadd.s32 $0x5D80, s8  }
0x419: {  	[tilespmem:s19], [sflag:$0x3] =	stream.linear.gather [hbm4b:s16+s4], $0x10, $0x38;
	[tilespmem:$0x10A00] =	vst v63  }
0x41a: {  	s15 =	sadd.s32 $0x49500, s9;
	s9 =	sor.u32 $0x6200, s8  }
0x41b: {  	[tilespmem:s12], [sflag:$0x3] =	stream.linear.gather [hbm4b:s11+s4], $0x10, $0x38;
	[tilespmem:$0x10A00] =	vst v63  }
0x41c: {  	s11 =	sadd.s32 $0x10, s15;
	s12 =	sor.u32 $0x6280, s8  }
0x41d: {  	[tilespmem:s9], [sflag:$0x3] =	stream.linear.gather [hbm4b:s15+s4], $0x10, $0x38;
	[tilespmem:$0x10A00] =	vst v63  }
0x41e: {  	s16 =	sor.u32 $0x6300, s8;
	s9 =	sadd.s32 $0x20, s15  }
0x41f: {  	[tilespmem:s12], [sflag:$0x3] =	stream.linear.gather [hbm4b:s11+s4], $0x10, $0x38;
	[tilespmem:$0x10A00] =	vst v63  }
0x420: {  	s11 =	sadd.s32 $0x30, s15;
	s12 =	sor.u32 $0x6380, s8  }
0x421: {  	[tilespmem:s16], [sflag:$0x3] =	stream.linear.gather [hbm4b:s9+s4], $0x10, $0x38;
	[tilespmem:$0x10A00] =	vst v63  }
0x422: {  	s5 =	sadd.s32 $0x1, s5;
	s9 =	sadd.s32 $0x40, s15;
	s16 =	sadd.s32 $0x6400, s8  }
0x423: {  	[tilespmem:s12], [sflag:$0x3] =	stream.linear.gather [hbm4b:s11+s4], $0x10, $0x38;
	[tilespmem:$0x10A00] =	vst v63  }
.Ltmp7:
0x424: {  	s11 =	sadd.s32 $0x50, s15;
	s12 =	sadd.s32 $0x6480, s8;
	(pc) =	sbr.rel @p1 .LBB2_12-.Ltmp7, $4  }
0x425: {  	[tilespmem:s16], [sflag:$0x3] =	stream.linear.gather [hbm4b:s9+s4], $0x10, $0x38;
	[tilespmem:$0x10A00] =	vst v63  }
0x426: {  	s6 =	sadd.s32 $0x1, s6;
	s22 =	sadd.s32 $0x6500, s8;
	s9 =	sadd.s32 $0x60, s15  }
0x427: {  	[tilespmem:s12], [sflag:$0x3] =	stream.linear.gather [hbm4b:s11+s4], $0x10, $0x38;
	[tilespmem:$0x10A00] =	vst v63  }
0x428: {  	s7 =	sadd.s32 $0x80, s7;
	s24 =	sadd.s32 $0x70, s15;
	s8 =	sadd.s32 $0x6580, s8  }
0x429: {  	[tilespmem:s22], [sflag:$0x3] =	stream.linear.gather [hbm4b:s9+s4], $0x10, $0x38;
	[tilespmem:$0x10A00] =	vst v63  }
0x42a: {  	s11 =	rddreg [dreg:$0xd]  }
0x42b: {  	[tilespmem:s8], [sflag:$0x3] =	stream.linear.gather [hbm4b:s24+s4], $0x10, $0x38;
	[tilespmem:$0x10A00] =	vst v63  }
.LBB2_14:
0x42c: {  	s5 =	simm.s32 $0x2  }
0x42d: {  	_ =	swait.ge [sflag:s5], $0x2000  }
0x42e: {  	[sflag:s5] =	ssyncset.done $0x0  }
0x42f: {  	s6 =	simm.s32 $0x4;
	[sflag:s5] =	ssyncadd.s32 $0xFFFFE000  }
0x430: {  	s22 =	sand.u32 $0x180, s23;
	_ =	swait.ge [sflag:s6], $0x2000  }
0x431: {  	s5 =	sor.u32 s22, s11;
	[sflag:s6] =	ssyncset.done $0x0  }
0x432: {  	s5 =	sor.u32 $0x10, s5;
	[sflag:s6] =	ssyncadd.s32 $0xFFFFE000  }
0x433: {  	v2 =	vld [tilespmem:s5+$0x0]  }
0x434: {  	v3 =	vld [tilespmem:s5+$0x280];
	_ =	sdelay $0x3  }
0x435: {  	v4 =	vshra.s32 v2, $0x1F  }
0x436: {  	v5 =	vshra.s32 v3, $0x1F;
	v4 =	vshrl.u32 v4, $0x1C  }
0x437: {  	v5 =	vshrl.u32 v5, $0x1C;
	v4 =	vadd.s32 v4, v2  }
0x438: {  	v5 =	vadd.s32 v5, v3;
	v4 =	vshrl.u32 v4, $0x4  }
0x439: {  	v5 =	vshrl.u32 v5, $0x4;
	v4 =	vshll.u32 v4, $0x4  }
0x43a: {  	v2 =	vsub.s32 v2, v4;
	v4 =	vshll.u32 v5, $0x4  }
0x43b: {  	v5 =	vadd.s32 v1, v2;
	v2 =	vsub.s32 v3, v4  }
0x43c: {  	v6 =	vadd.s32 v1, v2;
	v2 =	vshll.u32 v5, $0x3  }
0x43d: {  	s23 =	simm.s32 $0x0;
	v2 =	vand.u32 $0xFFFFFC00, v2;
	v4 =	vshll.u32 v6, $0x3  }
0x43e: {  	v3 =	vand.u32 $0x7F, v5;
	v4 =	vand.u32 $0xFFFFFC00, v4;
	v20 =	vadd.s32 s23, v2  }
0x43f: {  	v5 =	vand.u32 $0x7F, v6;
	v6 =	vor.u32 v3, v20;
	v21 =	vadd.s32 s23, v4  }
0x440: {  	v7 =	vor.u32 v5, v21;
	_ =	sdelay $0x3  }
0x441: {  	v9 =	vld.idx.msk [tilespmem:v6+s17+$0x0], $0xffff  }
0x442: {  	v6 =	vor.u32 $0x80, v3;
	v7 =	vld.idx.msk [tilespmem:v7+s18+$0x0], $0xffff  }
0x443: {  	v8 =	vor.u32 $0x80, v5;
	v10 =	vor.u32 v6, v20  }
0x444: {  	v11 =	vor.u32 v8, v21;
	_ =	sdelay $0x1  }
0x445: {  	[tilespmem:s21+$0xFFFFFE00] =	vst v9  }
0x446: {  	[tilespmem:s10+$0xFFFFFE00] =	vst v7  }
0x447: {  	v10 =	vld.idx.msk [tilespmem:v10+s17+$0x0], $0xffff  }
0x448: {  	v7 =	vor.u32 $0x100, v3;
	v11 =	vld.idx.msk [tilespmem:v11+s18+$0x0], $0xffff  }
0x449: {  	v9 =	vor.u32 $0x100, v5;
	v12 =	vor.u32 v7, v20  }
0x44a: {  	v13 =	vor.u32 v9, v21;
	_ =	sdelay $0x1  }
0x44b: {  	[tilespmem:s21+$0xFFFFFE80] =	vst v10  }
0x44c: {  	[tilespmem:s10+$0xFFFFFE80] =	vst v11  }
0x44d: {  	v12 =	vld.idx.msk [tilespmem:v12+s17+$0x0], $0xffff  }
0x44e: {  	v10 =	vor.u32 $0x180, v3;
	v13 =	vld.idx.msk [tilespmem:v13+s18+$0x0], $0xffff  }
0x44f: {  	v11 =	vor.u32 $0x180, v5;
	v14 =	vor.u32 v10, v20  }
0x450: {  	v15 =	vor.u32 v11, v21;
	_ =	sdelay $0x1  }
0x451: {  	[tilespmem:s21+$0xFFFFFF00] =	vst v12  }
0x452: {  	[tilespmem:s10+$0xFFFFFF00] =	vst v13  }
0x453: {  	v14 =	vld.idx.msk [tilespmem:v14+s17+$0x0], $0xffff  }
0x454: {  	v12 =	vor.u32 $0x200, v3;
	v15 =	vld.idx.msk [tilespmem:v15+s18+$0x0], $0xffff  }
0x455: {  	v13 =	vor.u32 $0x200, v5;
	v16 =	vor.u32 v12, v20  }
0x456: {  	v17 =	vor.u32 v13, v21;
	_ =	sdelay $0x1  }
0x457: {  	[tilespmem:s21+$0xFFFFFF80] =	vst v14  }
0x458: {  	[tilespmem:s10+$0xFFFFFF80] =	vst v15  }
0x459: {  	v16 =	vld.idx.msk [tilespmem:v16+s17+$0x0], $0xffff  }
0x45a: {  	v14 =	vor.u32 $0x280, v3;
	v17 =	vld.idx.msk [tilespmem:v17+s18+$0x0], $0xffff  }
0x45b: {  	v15 =	vor.u32 $0x280, v5;
	v18 =	vor.u32 v14, v20  }
0x45c: {  	v19 =	vor.u32 v15, v21;
	_ =	sdelay $0x1  }
0x45d: {  	[tilespmem:s21+$0x0] =	vst v16  }
0x45e: {  	[tilespmem:s10+$0x0] =	vst v17  }
0x45f: {  	v18 =	vld.idx.msk [tilespmem:v18+s17+$0x0], $0xffff  }
0x460: {  	v16 =	vor.u32 $0x300, v3;
	v19 =	vld.idx.msk [tilespmem:v19+s18+$0x0], $0xffff  }
0x461: {  	v17 =	vor.u32 $0x300, v5;
	v22 =	vor.u32 v16, v20  }
0x462: {  	v23 =	vor.u32 v17, v21;
	_ =	sdelay $0x1  }
0x463: {  	[tilespmem:s21+$0x80] =	vst v18  }
0x464: {  	[tilespmem:s10+$0x80] =	vst v19  }
0x465: {  	v22 =	vld.idx.msk [tilespmem:v22+s17+$0x0], $0xffff  }
0x466: {  	v18 =	vor.u32 $0x380, v3;
	v23 =	vld.idx.msk [tilespmem:v23+s18+$0x0], $0xffff  }
0x467: {  	v19 =	vor.u32 $0x380, v5;
	v20 =	vor.u32 v18, v20  }
0x468: {  	v21 =	vor.u32 v19, v21;
	_ =	sdelay $0x1  }
0x469: {  	[tilespmem:s21+$0x100] =	vst v22  }
0x46a: {  	[tilespmem:s10+$0x100] =	vst v23  }
0x46b: {  	s24 =	simm.s32 $0x800;
	v22 =	vld.idx.msk [tilespmem:v20+s17+$0x0], $0xffff  }
0x46c: {  	v23 =	vld.idx.msk [tilespmem:v21+s18+$0x0], $0xffff;
	v20 =	vadd.s32 s24, v2  }
0x46d: {  	v21 =	vadd.s32 s24, v4;
	v24 =	vor.u32 v3, v20  }
0x46e: {  	v25 =	vor.u32 v5, v21;
	_ =	sdelay $0x1  }
0x46f: {  	[tilespmem:s21+$0x180] =	vst v22  }
0x470: {  	[tilespmem:s10+$0x180] =	vst v23  }
0x471: {  	v23 =	vld.idx.msk [tilespmem:v24+s17+$0x0], $0xffff  }
0x472: {  	s5 =	simm.s32 $0x2;
	v22 =	vld.idx.msk [tilespmem:v25+s18+$0x0], $0xffff  }
.LBB2_15:
0x473: {  	p1 =	sne.s32 s5, $0x3  }
0x474: {  	v24 =	vor.u32 v6, v20  }
0x475: {  	v25 =	vor.u32 v8, v21  }
0x476: {  	s21 =	sadd.s32 $0x1000, s21  }
0x477: {  	s10 =	sadd.s32 $0x1000, s10;
	[tilespmem:s21+$0xFFFFFE00] =	vst v23  }
0x478: {  	[tilespmem:s10+$0xFFFFFE00] =	vst v22  }
0x479: {  	v22 =	vld.idx.msk [tilespmem:v24+s17+$0x0], $0xffff  }
0x47a: {  	v23 =	vld.idx.msk [tilespmem:v25+s18+$0x0], $0xffff;
	_ =	sdelay $0x1  }
0x47b: {  	v24 =	vor.u32 v7, v20  }
0x47c: {  	v25 =	vor.u32 v9, v21;
	_ =	sdelay $0x1  }
0x47d: {  	[tilespmem:s21+$0xFFFFFE80] =	vst v22  }
0x47e: {  	[tilespmem:s10+$0xFFFFFE80] =	vst v23  }
0x47f: {  	v22 =	vld.idx.msk [tilespmem:v24+s17+$0x0], $0xffff  }
0x480: {  	v23 =	vld.idx.msk [tilespmem:v25+s18+$0x0], $0xffff;
	_ =	sdelay $0x1  }
0x481: {  	v24 =	vor.u32 v10, v20  }
0x482: {  	v25 =	vor.u32 v11, v21;
	_ =	sdelay $0x1  }
0x483: {  	[tilespmem:s21+$0xFFFFFF00] =	vst v22  }
0x484: {  	[tilespmem:s10+$0xFFFFFF00] =	vst v23  }
0x485: {  	v22 =	vld.idx.msk [tilespmem:v24+s17+$0x0], $0xffff  }
0x486: {  	v23 =	vld.idx.msk [tilespmem:v25+s18+$0x0], $0xffff;
	_ =	sdelay $0x1  }
0x487: {  	v24 =	vor.u32 v12, v20  }
0x488: {  	v25 =	vor.u32 v13, v21;
	_ =	sdelay $0x1  }
0x489: {  	[tilespmem:s21+$0xFFFFFF80] =	vst v22  }
0x48a: {  	[tilespmem:s10+$0xFFFFFF80] =	vst v23  }
0x48b: {  	v22 =	vld.idx.msk [tilespmem:v24+s17+$0x0], $0xffff  }
0x48c: {  	v23 =	vld.idx.msk [tilespmem:v25+s18+$0x0], $0xffff;
	_ =	sdelay $0x1  }
0x48d: {  	v24 =	vor.u32 v14, v20  }
0x48e: {  	v25 =	vor.u32 v15, v21;
	_ =	sdelay $0x1  }
0x48f: {  	[tilespmem:s21+$0x0] =	vst v22  }
0x490: {  	[tilespmem:s10+$0x0] =	vst v23  }
0x491: {  	v22 =	vld.idx.msk [tilespmem:v24+s17+$0x0], $0xffff  }
0x492: {  	v23 =	vld.idx.msk [tilespmem:v25+s18+$0x0], $0xffff;
	_ =	sdelay $0x1  }
0x493: {  	v24 =	vor.u32 v16, v20  }
0x494: {  	v25 =	vor.u32 v17, v21;
	_ =	sdelay $0x1  }
0x495: {  	[tilespmem:s21+$0x80] =	vst v22  }
0x496: {  	[tilespmem:s10+$0x80] =	vst v23  }
0x497: {  	v22 =	vld.idx.msk [tilespmem:v24+s17+$0x0], $0xffff  }
0x498: {  	v23 =	vld.idx.msk [tilespmem:v25+s18+$0x0], $0xffff;
	_ =	sdelay $0x1  }
0x499: {  	v20 =	vor.u32 v18, v20  }
0x49a: {  	v21 =	vor.u32 v19, v21;
	_ =	sdelay $0x1  }
0x49b: {  	[tilespmem:s21+$0x100] =	vst v22  }
0x49c: {  	[tilespmem:s10+$0x100] =	vst v23  }
0x49d: {  	v22 =	vld.idx.msk [tilespmem:v20+s17+$0x0], $0xffff  }
0x49e: {  	s6 =	sshll.u32 s5, $0xB;
	v23 =	vld.idx.msk [tilespmem:v21+s18+$0x0], $0xffff  }
0x49f: {  	v20 =	vadd.s32 s6, v2  }
0x4a0: {  	v24 =	vor.u32 v3, v20;
	v21 =	vadd.s32 s6, v4  }
0x4a1: {  	v25 =	vor.u32 v5, v21  }
.Ltmp8:
0x4a2: {  	(pc) =	sbr.rel @p1 .LBB2_15-.Ltmp8, $4  }
0x4a3: {  	[tilespmem:s21+$0x180] =	vst v22  }
0x4a4: {  	[tilespmem:s10+$0x180] =	vst v23  }
0x4a5: {  	v23 =	vld.idx.msk [tilespmem:v24+s17+$0x0], $0xffff  }
0x4a6: {  	s5 =	sadd.s32 $0x1, s5;
	v22 =	vld.idx.msk [tilespmem:v25+s18+$0x0], $0xffff  }
0x4a7: {  	v2 =	vor.u32 v6, v20  }
0x4a8: {  	v3 =	vor.u32 v8, v21  }
0x4a9: {  	s5 =	sadd.s32 $0x1000, s21  }
0x4aa: {  	s6 =	sadd.s32 $0x1000, s10;
	[tilespmem:s5+$0xFFFFFE00] =	vst v23  }
0x4ab: {  	[tilespmem:s6+$0xFFFFFE00] =	vst v22  }
0x4ac: {  	v2 =	vld.idx.msk [tilespmem:v2+s17+$0x0], $0xffff  }
0x4ad: {  	v3 =	vld.idx.msk [tilespmem:v3+s18+$0x0], $0xffff  }
0x4ae: {  	v4 =	vor.u32 v7, v20  }
0x4af: {  	v5 =	vor.u32 v9, v21;
	_ =	sdelay $0x1  }
0x4b0: {  	[tilespmem:s5+$0xFFFFFE80] =	vst v2  }
0x4b1: {  	[tilespmem:s6+$0xFFFFFE80] =	vst v3  }
0x4b2: {  	v2 =	vld.idx.msk [tilespmem:v4+s17+$0x0], $0xffff  }
0x4b3: {  	v3 =	vld.idx.msk [tilespmem:v5+s18+$0x0], $0xffff  }
0x4b4: {  	v54 =	vor.u32 v10, v20  }
0x4b5: {  	v55 =	vor.u32 v11, v21;
	_ =	sdelay $0x1  }
0x4b6: {  	[tilespmem:s5+$0xFFFFFF00] =	vst v2  }
0x4b7: {  	[tilespmem:s6+$0xFFFFFF00] =	vst v3  }
0x4b8: {  	v2 =	vld.idx.msk [tilespmem:v54+s17+$0x0], $0xffff  }
0x4b9: {  	v3 =	vld.idx.msk [tilespmem:v55+s18+$0x0], $0xffff  }
0x4ba: {  	v56 =	vor.u32 v12, v20  }
0x4bb: {  	v57 =	vor.u32 v13, v21;
	_ =	sdelay $0x1  }
0x4bc: {  	[tilespmem:s5+$0xFFFFFF80] =	vst v2  }
0x4bd: {  	[tilespmem:s6+$0xFFFFFF80] =	vst v3  }
0x4be: {  	v2 =	vld.idx.msk [tilespmem:v56+s17+$0x0], $0xffff  }
0x4bf: {  	v3 =	vld.idx.msk [tilespmem:v57+s18+$0x0], $0xffff  }
0x4c0: {  	v58 =	vor.u32 v14, v20  }
0x4c1: {  	v59 =	vor.u32 v15, v21;
	_ =	sdelay $0x1  }
0x4c2: {  	[tilespmem:s5+$0x0] =	vst v2  }
0x4c3: {  	[tilespmem:s6+$0x0] =	vst v3  }
0x4c4: {  	v2 =	vld.idx.msk [tilespmem:v58+s17+$0x0], $0xffff  }
0x4c5: {  	v3 =	vld.idx.msk [tilespmem:v59+s18+$0x0], $0xffff  }
0x4c6: {  	v60 =	vor.u32 v16, v20  }
0x4c7: {  	v61 =	vor.u32 v17, v21;
	_ =	sdelay $0x1  }
0x4c8: {  	[tilespmem:s5+$0x80] =	vst v2  }
0x4c9: {  	[tilespmem:s6+$0x80] =	vst v3  }
0x4ca: {  	v2 =	vld.idx.msk [tilespmem:v60+s17+$0x0], $0xffff  }
0x4cb: {  	v3 =	vld.idx.msk [tilespmem:v61+s18+$0x0], $0xffff  }
0x4cc: {  	v62 =	vor.u32 v18, v20  }
0x4cd: {  	v63 =	vor.u32 v19, v21;
	_ =	sdelay $0x1  }
0x4ce: {  	[tilespmem:s5+$0x100] =	vst v2  }
0x4cf: {  	[tilespmem:s6+$0x100] =	vst v3  }
0x4d0: {  	v2 =	vld.idx.msk [tilespmem:v62+s17+$0x0], $0xffff  }
0x4d1: {  	v3 =	vld.idx.msk [tilespmem:v63+s18+$0x0], $0xffff  }
.Ltmp9:
0x4d2: {  	_ = 	snop;
	(pc) =	sbr.rel @p0 .LBB2_20-.Ltmp9, $3  }
0x4d3: {  	_ =	sdelay $0x1  }
0x4d4: {  	[tilespmem:s5+$0x180] =	vst v2  }
0x4d5: {  	s5 =	simm.s32 $0x0;
	[tilespmem:s6+$0x180] =	vst v3  }
0x4d6: {  	v2 =	vld [tilespmem:s29+$0x0];
	_ =	sdelay $0x4  }
0x4d7: {  	(v2sf) =	vpush v2, $0x0;
	_ =	sdelay $0xe  }
0x4d8: {  	s6 =	spop (v2sf)  }
0x4d9: {  	s7 =	sshll.u32 s6, $0x3  }
0x4da: {  	s6 =	sand.u32 $0x70, s6;
	s7 =	sand.u32 $0xFFFFFC00, s7  }
0x4db: {  	s8 =	sand.u32 $0x400, s5;
	s19 =	sand.u32 $0x70, s5;
	s6 =	sor.u32 s6, s7  }
0x4dc: {  	s7 =	sor.u32 s19, s8;
	s20 =	sshrl.u32 s6, $0x3  }
0x4dd: {  	s21 =	sor.u32 $0x2A00, s7;
	s5 =	sadd.s32 s1, s20  }
0x4de: {  	v2 =	vld [tilespmem:s30+$0x0];
	[tilespmem:s21], [sflag:$0x2] =	stream.linear.gather [hbm4b:s5+s4], $0x10, $0x38  }
0x4df: {  	s8 =	sor.u32 $0x2A80, s7;
	s22 =	sadd.s32 $0x10, s5  }
0x4e0: {  	[tilespmem:s8], [sflag:$0x2] =	stream.linear.gather [hbm4b:s22+s4], $0x10, $0x38;
	[tilespmem:$0x10A00] =	vst v63  }
0x4e1: {  	s24 =	sor.u32 $0x2B00, s7;
	s23 =	sadd.s32 $0x20, s5  }
0x4e2: {  	[tilespmem:s24], [sflag:$0x2] =	stream.linear.gather [hbm4b:s23+s4], $0x10, $0x38;
	[tilespmem:$0x10A00] =	vst v63  }
0x4e3: {  	s10 =	sor.u32 $0x2B80, s7;
	s9 =	sadd.s32 $0x30, s5  }
0x4e4: {  	[tilespmem:s10], [sflag:$0x2] =	stream.linear.gather [hbm4b:s9+s4], $0x10, $0x38;
	[tilespmem:$0x10A00] =	vst v63  }
0x4e5: {  	s12 =	sadd.s32 $0x2C00, s7;
	s11 =	sadd.s32 $0x40, s5  }
0x4e6: {  	[tilespmem:s12], [sflag:$0x2] =	stream.linear.gather [hbm4b:s11+s4], $0x10, $0x38;
	[tilespmem:$0x10A00] =	vst v63  }
0x4e7: {  	s16 =	sadd.s32 $0x2C80, s7;
	s15 =	sadd.s32 $0x50, s5  }
0x4e8: {  	[tilespmem:s16], [sflag:$0x2] =	stream.linear.gather [hbm4b:s15+s4], $0x10, $0x38;
	[tilespmem:$0x10A00] =	vst v63  }
0x4e9: {  	s20 =	sadd.s32 $0x2D00, s7;
	s19 =	sadd.s32 $0x60, s5  }
0x4ea: {  	[tilespmem:s20], [sflag:$0x2] =	stream.linear.gather [hbm4b:s19+s4], $0x10, $0x38;
	[tilespmem:$0x10A00] =	vst v63  }
0x4eb: {  	s21 =	sadd.s32 $0x70, s5;
	s22 =	sadd.s32 $0x2D80, s7  }
0x4ec: {  	[tilespmem:s22], [sflag:$0x2] =	stream.linear.gather [hbm4b:s21+s4], $0x10, $0x38;
	[tilespmem:$0x10A00] =	vst v63  }
0x4ed: {  	s6 =	sadd.s32 $0xF4280, s5;
	s23 =	sor.u32 $0x3200, s7  }
0x4ee: {  	[tilespmem:s23], [sflag:$0x2] =	stream.linear.gather [hbm4b:s6+s4], $0x10, $0x38;
	[tilespmem:$0x10A00] =	vst v63  }
0x4ef: {  	s24 =	sor.u32 $0x3280, s7;
	s9 =	sadd.s32 $0x10, s6  }
0x4f0: {  	[tilespmem:s24], [sflag:$0x2] =	stream.linear.gather [hbm4b:s9+s4], $0x10, $0x38;
	[tilespmem:$0x10A00] =	vst v63  }
0x4f1: {  	s10 =	sadd.s32 $0x20, s6;
	s9 =	sor.u32 $0x3300, s7  }
0x4f2: {  	[tilespmem:s9], [sflag:$0x2] =	stream.linear.gather [hbm4b:s10+s4], $0x10, $0x38;
	[tilespmem:$0x10A00] =	vst v63  }
0x4f3: {  	s11 =	sor.u32 $0x3380, s7;
	s12 =	sadd.s32 $0x30, s6  }
0x4f4: {  	[tilespmem:s11], [sflag:$0x2] =	stream.linear.gather [hbm4b:s12+s4], $0x10, $0x38;
	[tilespmem:$0x10A00] =	vst v63  }
0x4f5: {  	s15 =	sadd.s32 $0x40, s6;
	s16 =	sadd.s32 $0x3400, s7  }
0x4f6: {  	[tilespmem:s16], [sflag:$0x2] =	stream.linear.gather [hbm4b:s15+s4], $0x10, $0x38;
	[tilespmem:$0x10A00] =	vst v63  }
0x4f7: {  	s19 =	sadd.s32 $0x50, s6;
	s20 =	sadd.s32 $0x3480, s7  }
0x4f8: {  	[tilespmem:s20], [sflag:$0x2] =	stream.linear.gather [hbm4b:s19+s4], $0x10, $0x38;
	[tilespmem:$0x10A00] =	vst v63  }
0x4f9: {  	s21 =	sadd.s32 $0x60, s6;
	s22 =	sadd.s32 $0x3500, s7  }
0x4fa: {  	[tilespmem:s22], [sflag:$0x2] =	stream.linear.gather [hbm4b:s21+s4], $0x10, $0x38;
	[tilespmem:$0x10A00] =	vst v63  }
0x4fb: {  	s6 =	sadd.s32 $0x70, s6;
	s23 =	sadd.s32 $0x3580, s7  }
0x4fc: {  	[tilespmem:s23], [sflag:$0x2] =	stream.linear.gather [hbm4b:s6+s4], $0x10, $0x38;
	[tilespmem:$0x10A00] =	vst v63  }
0x4fd: {  	s24 =	sor.u32 $0x3A00, s7;
	s6 =	sadd.s32 $0x1E8500, s5  }
0x4fe: {  	[tilespmem:s24], [sflag:$0x2] =	stream.linear.gather [hbm4b:s6+s4], $0x10, $0x38;
	[tilespmem:$0x10A00] =	vst v63  }
0x4ff: {  	s10 =	sor.u32 $0x3A80, s7;
	s9 =	sadd.s32 $0x10, s6  }
0x500: {  	[tilespmem:s10], [sflag:$0x2] =	stream.linear.gather [hbm4b:s9+s4], $0x10, $0x38;
	[tilespmem:$0x10A00] =	vst v63  }
0x501: {  	s12 =	sor.u32 $0x3B00, s7;
	s11 =	sadd.s32 $0x20, s6  }
0x502: {  	(v2sf) =	vpush v2, $0x0;
	[tilespmem:s12], [sflag:$0x2] =	stream.linear.gather [hbm4b:s11+s4], $0x10, $0x38;
	[tilespmem:$0x10A00] =	vst v63  }
0x503: {  	s16 =	sor.u32 $0x3B80, s7;
	s15 =	sadd.s32 $0x30, s6  }
0x504: {  	[tilespmem:s16], [sflag:$0x2] =	stream.linear.gather [hbm4b:s15+s4], $0x10, $0x38;
	[tilespmem:$0x10A00] =	vst v63  }
0x505: {  	s20 =	sadd.s32 $0x3C00, s7;
	s19 =	sadd.s32 $0x40, s6  }
0x506: {  	[tilespmem:s20], [sflag:$0x2] =	stream.linear.gather [hbm4b:s19+s4], $0x10, $0x38;
	[tilespmem:$0x10A00] =	vst v63  }
0x507: {  	s22 =	sadd.s32 $0x3C80, s7;
	s21 =	sadd.s32 $0x50, s6  }
0x508: {  	[tilespmem:s22], [sflag:$0x2] =	stream.linear.gather [hbm4b:s21+s4], $0x10, $0x38;
	[tilespmem:$0x10A00] =	vst v63  }
0x509: {  	s23 =	sadd.s32 $0x60, s6;
	s24 =	sadd.s32 $0x3D00, s7  }
0x50a: {  	[tilespmem:s24], [sflag:$0x2] =	stream.linear.gather [hbm4b:s23+s4], $0x10, $0x38;
	[tilespmem:$0x10A00] =	vst v63  }
0x50b: {  	s6 =	sadd.s32 $0x70, s6;
	s10 =	sadd.s32 $0x3D80, s7  }
0x50c: {  	[tilespmem:s10], [sflag:$0x2] =	stream.linear.gather [hbm4b:s6+s4], $0x10, $0x38;
	[tilespmem:$0x10A00] =	vst v63  }
0x50d: {  	s5 =	sadd.s32 $0x2DC780, s5;
	s11 =	sor.u32 $0x4200, s7  }
0x50e: {  	[tilespmem:s11], [sflag:$0x2] =	stream.linear.gather [hbm4b:s5+s4], $0x10, $0x38;
	[tilespmem:$0x10A00] =	vst v63  }
0x50f: {  	s12 =	sadd.s32 $0x10, s5;
	s15 =	sor.u32 $0x4280, s7  }
0x510: {  	[tilespmem:s15], [sflag:$0x2] =	stream.linear.gather [hbm4b:s12+s4], $0x10, $0x38;
	[tilespmem:$0x10A00] =	vst v63  }
0x511: {  	s16 =	spop (v2sf);
	s19 =	sadd.s32 $0x20, s5;
	s20 =	sor.u32 $0x4300, s7  }
0x512: {  	[tilespmem:s20], [sflag:$0x2] =	stream.linear.gather [hbm4b:s19+s4], $0x10, $0x38;
	[tilespmem:$0x10A00] =	vst v63  }
0x513: {  	s21 =	sshll.u32 s16, $0x3;
	s22 =	sadd.s32 $0x30, s5;
	s10 =	sor.u32 $0x4380, s7  }
0x514: {  	[tilespmem:s10], [sflag:$0x2] =	stream.linear.gather [hbm4b:s22+s4], $0x10, $0x38;
	[tilespmem:$0x10A00] =	vst v63  }
0x515: {  	s8 =	sand.u32 $0xFFFFFC00, s21;
	s23 =	sadd.s32 $0x40, s5;
	s24 =	sadd.s32 $0x4400, s7  }
0x516: {  	[tilespmem:s24], [sflag:$0x2] =	stream.linear.gather [hbm4b:s23+s4], $0x10, $0x38;
	[tilespmem:$0x10A00] =	vst v63  }
0x517: {  	s6 =	sand.u32 $0x70, s16;
	s11 =	sadd.s32 $0x50, s5;
	s12 =	sadd.s32 $0x4480, s7  }
0x518: {  	[tilespmem:s12], [sflag:$0x2] =	stream.linear.gather [hbm4b:s11+s4], $0x10, $0x38;
	[tilespmem:$0x10A00] =	vst v63  }
0x519: {  	s16 =	sadd.s32 $0x4500, s7;
	s6 =	sor.u32 s6, s8;
	s15 =	sadd.s32 $0x60, s5  }
0x51a: {  	[tilespmem:s16], [sflag:$0x2] =	stream.linear.gather [hbm4b:s15+s4], $0x10, $0x38;
	[tilespmem:$0x10A00] =	vst v63  }
0x51b: {  	s6 =	sshrl.u32 s6, $0x3;
	s5 =	sadd.s32 $0x70, s5;
	s19 =	sadd.s32 $0x4580, s7  }
0x51c: {  	[tilespmem:s19], [sflag:$0x2] =	stream.linear.gather [hbm4b:s5+s4], $0x10, $0x38;
	[tilespmem:$0x10A00] =	vst v63  }
0x51d: {  	s20 =	sor.u32 $0x6A00, s7;
	s5 =	sadd.s32 s2, s6  }
0x51e: {  	[tilespmem:s20], [sflag:$0x4] =	stream.linear.gather [hbm4b:s5+s4], $0x10, $0x38;
	[tilespmem:$0x10A00] =	vst v63  }
0x51f: {  	s22 =	sor.u32 $0x6A80, s7;
	s21 =	sadd.s32 $0x10, s5  }
0x520: {  	[tilespmem:s22], [sflag:$0x4] =	stream.linear.gather [hbm4b:s21+s4], $0x10, $0x38;
	[tilespmem:$0x10A00] =	vst v63  }
0x521: {  	s24 =	sor.u32 $0x6B00, s7;
	s23 =	sadd.s32 $0x20, s5  }
0x522: {  	[tilespmem:s24], [sflag:$0x4] =	stream.linear.gather [hbm4b:s23+s4], $0x10, $0x38;
	[tilespmem:$0x10A00] =	vst v63  }
0x523: {  	s9 =	sor.u32 $0x6B80, s7;
	s8 =	sadd.s32 $0x30, s5  }
0x524: {  	[tilespmem:s9], [sflag:$0x4] =	stream.linear.gather [hbm4b:s8+s4], $0x10, $0x38;
	[tilespmem:$0x10A00] =	vst v63  }
0x525: {  	s11 =	sadd.s32 $0x6C00, s7;
	s10 =	sadd.s32 $0x40, s5  }
0x526: {  	[tilespmem:s11], [sflag:$0x4] =	stream.linear.gather [hbm4b:s10+s4], $0x10, $0x38;
	[tilespmem:$0x10A00] =	vst v63  }
0x527: {  	s15 =	sadd.s32 $0x6C80, s7;
	s12 =	sadd.s32 $0x50, s5  }
0x528: {  	[tilespmem:s15], [sflag:$0x4] =	stream.linear.gather [hbm4b:s12+s4], $0x10, $0x38;
	[tilespmem:$0x10A00] =	vst v63  }
0x529: {  	s19 =	sadd.s32 $0x6D00, s7;
	s16 =	sadd.s32 $0x60, s5  }
0x52a: {  	[tilespmem:s19], [sflag:$0x4] =	stream.linear.gather [hbm4b:s16+s4], $0x10, $0x38;
	[tilespmem:$0x10A00] =	vst v63  }
0x52b: {  	s20 =	sadd.s32 $0x70, s5;
	s21 =	sadd.s32 $0x6D80, s7  }
0x52c: {  	[tilespmem:s21], [sflag:$0x4] =	stream.linear.gather [hbm4b:s20+s4], $0x10, $0x38;
	[tilespmem:$0x10A00] =	vst v63  }
0x52d: {  	s6 =	sadd.s32 $0x18700, s5;
	s22 =	sor.u32 $0x7200, s7  }
0x52e: {  	[tilespmem:s22], [sflag:$0x4] =	stream.linear.gather [hbm4b:s6+s4], $0x10, $0x38;
	[tilespmem:$0x10A00] =	vst v63  }
0x52f: {  	s23 =	sadd.s32 $0x10, s6;
	s24 =	sor.u32 $0x7280, s7  }
0x530: {  	[tilespmem:s24], [sflag:$0x4] =	stream.linear.gather [hbm4b:s23+s4], $0x10, $0x38;
	[tilespmem:$0x10A00] =	vst v63  }
0x531: {  	s9 =	sadd.s32 $0x20, s6;
	s10 =	sor.u32 $0x7300, s7  }
0x532: {  	[tilespmem:s10], [sflag:$0x4] =	stream.linear.gather [hbm4b:s9+s4], $0x10, $0x38;
	[tilespmem:$0x10A00] =	vst v63  }
0x533: {  	s11 =	sadd.s32 $0x30, s6;
	s12 =	sor.u32 $0x7380, s7  }
0x534: {  	[tilespmem:s12], [sflag:$0x4] =	stream.linear.gather [hbm4b:s11+s4], $0x10, $0x38;
	[tilespmem:$0x10A00] =	vst v63  }
0x535: {  	s15 =	sadd.s32 $0x40, s6;
	s16 =	sadd.s32 $0x7400, s7  }
0x536: {  	[tilespmem:s16], [sflag:$0x4] =	stream.linear.gather [hbm4b:s15+s4], $0x10, $0x38;
	[tilespmem:$0x10A00] =	vst v63  }
0x537: {  	s19 =	sadd.s32 $0x50, s6;
	s20 =	sadd.s32 $0x7480, s7  }
0x538: {  	[tilespmem:s20], [sflag:$0x4] =	stream.linear.gather [hbm4b:s19+s4], $0x10, $0x38;
	[tilespmem:$0x10A00] =	vst v63  }
0x539: {  	s21 =	sadd.s32 $0x60, s6;
	s22 =	sadd.s32 $0x7500, s7  }
0x53a: {  	[tilespmem:s22], [sflag:$0x4] =	stream.linear.gather [hbm4b:s21+s4], $0x10, $0x38;
	[tilespmem:$0x10A00] =	vst v63  }
0x53b: {  	s6 =	sadd.s32 $0x70, s6;
	s23 =	sadd.s32 $0x7580, s7  }
0x53c: {  	[tilespmem:s23], [sflag:$0x4] =	stream.linear.gather [hbm4b:s6+s4], $0x10, $0x38;
	[tilespmem:$0x10A00] =	vst v63  }
0x53d: {  	s24 =	sor.u32 $0x7A00, s7;
	s6 =	sadd.s32 $0x30E00, s5  }
0x53e: {  	[tilespmem:s24], [sflag:$0x4] =	stream.linear.gather [hbm4b:s6+s4], $0x10, $0x38;
	[tilespmem:$0x10A00] =	vst v63  }
0x53f: {  	s10 =	sor.u32 $0x7A80, s7;
	s9 =	sadd.s32 $0x10, s6  }
0x540: {  	[tilespmem:s10], [sflag:$0x4] =	stream.linear.gather [hbm4b:s9+s4], $0x10, $0x38;
	[tilespmem:$0x10A00] =	vst v63  }
0x541: {  	s12 =	sor.u32 $0x7B00, s7;
	s11 =	sadd.s32 $0x20, s6  }
0x542: {  	[tilespmem:s12], [sflag:$0x4] =	stream.linear.gather [hbm4b:s11+s4], $0x10, $0x38;
	[tilespmem:$0x10A00] =	vst v63  }
0x543: {  	s16 =	sor.u32 $0x7B80, s7;
	s15 =	sadd.s32 $0x30, s6  }
0x544: {  	[tilespmem:s16], [sflag:$0x4] =	stream.linear.gather [hbm4b:s15+s4], $0x10, $0x38;
	[tilespmem:$0x10A00] =	vst v63  }
0x545: {  	s20 =	sadd.s32 $0x7C00, s7;
	s19 =	sadd.s32 $0x40, s6  }
0x546: {  	[tilespmem:s20], [sflag:$0x4] =	stream.linear.gather [hbm4b:s19+s4], $0x10, $0x38;
	[tilespmem:$0x10A00] =	vst v63  }
0x547: {  	s22 =	sadd.s32 $0x7C80, s7;
	s21 =	sadd.s32 $0x50, s6  }
0x548: {  	[tilespmem:s22], [sflag:$0x4] =	stream.linear.gather [hbm4b:s21+s4], $0x10, $0x38;
	[tilespmem:$0x10A00] =	vst v63  }
0x549: {  	s8 =	sadd.s32 $0x49500, s5;
	s23 =	sadd.s32 $0x60, s6;
	s24 =	sadd.s32 $0x7D00, s7  }
0x54a: {  	[tilespmem:s24], [sflag:$0x4] =	stream.linear.gather [hbm4b:s23+s4], $0x10, $0x38;
	[tilespmem:$0x10A00] =	vst v63  }
0x54b: {  	s5 =	sadd.s32 $0x1, s30;
	s6 =	sadd.s32 $0x70, s6;
	s9 =	sadd.s32 $0x7D80, s7  }
0x54c: {  	[tilespmem:s9], [sflag:$0x4] =	stream.linear.gather [hbm4b:s6+s4], $0x10, $0x38;
	[tilespmem:$0x10A00] =	vst v63  }
0x54d: {  	s10 =	sor.u32 $0x8200, s7;
	s11 =	sadd.s32 $0x10, s8;
	s12 =	sor.u32 $0x8280, s7  }
0x54e: {  	[tilespmem:s10], [sflag:$0x4] =	stream.linear.gather [hbm4b:s8+s4], $0x10, $0x38;
	[tilespmem:$0x10A00] =	vst v63  }
0x54f: {  	s15 =	sadd.s32 $0x20, s8;
	s16 =	sor.u32 $0x8300, s7;
	s19 =	sadd.s32 $0x30, s8  }
0x550: {  	[tilespmem:s12], [sflag:$0x4] =	stream.linear.gather [hbm4b:s11+s4], $0x10, $0x38;
	[tilespmem:$0x10A00] =	vst v63  }
0x551: {  	s20 =	sor.u32 $0x8380, s7;
	s21 =	sadd.s32 $0x40, s8;
	s22 =	sadd.s32 $0x8400, s7  }
0x552: {  	[tilespmem:s16], [sflag:$0x4] =	stream.linear.gather [hbm4b:s15+s4], $0x10, $0x38;
	[tilespmem:$0x10A00] =	vst v63  }
0x553: {  	s23 =	sadd.s32 $0x50, s8;
	s24 =	sadd.s32 $0x8480, s7;
	s9 =	sadd.s32 $0x60, s8  }
0x554: {  	[tilespmem:s20], [sflag:$0x4] =	stream.linear.gather [hbm4b:s19+s4], $0x10, $0x38;
	[tilespmem:$0x10A00] =	vst v63  }
0x555: {  	s6 =	sadd.s32 $0x1, s29;
	s10 =	simm.s32 $0x10;
	s19 =	sadd.s32 $0x8500, s7  }
0x556: {  	[tilespmem:s22], [sflag:$0x4] =	stream.linear.gather [hbm4b:s21+s4], $0x10, $0x38;
	[tilespmem:$0x10A00] =	vst v63  }
0x557: {  	s20 =	sadd.s32 $0x70, s8;
	s8 =	sadd.s32 $0x8580, s7;
	s7 =	simm.s32 $0x80  }
0x558: {  	[tilespmem:s24], [sflag:$0x4] =	stream.linear.gather [hbm4b:s23+s4], $0x10, $0x38;
	[tilespmem:$0x10A00] =	vst v63  }
.LBB2_18:
0x559: {  	[tilespmem:s19], [sflag:$0x4] =	stream.linear.gather [hbm4b:s9+s4], $0x10, $0x38;
	[tilespmem:$0x10A00] =	vst v63  }
0x55a: {  	p0 =	sne.s32 s10, $0xF0;
	s9 =	smov.u32 s10;
	s10 =	sadd.s32 $0x10, s10  }
0x55b: {  	[tilespmem:s8], [sflag:$0x4] =	stream.linear.gather [hbm4b:s20+s4], $0x10, $0x38;
	[tilespmem:$0x10A00] =	vst v63  }
0x55c: {  	v2 =	vld [tilespmem:s6+$0x0];
	_ =	sdelay $0x4  }
0x55d: {  	(v2sf) =	vpush v2, $0x0;
	_ =	sdelay $0xe  }
0x55e: {  	s8 =	spop (v2sf)  }
0x55f: {  	s12 =	sand.u32 $0x400, s7;
	s9 =	sand.u32 $0x70, s9;
	s11 =	sshll.u32 s8, $0x3  }
0x560: {  	s15 =	sand.u32 $0x70, s8;
	s8 =	sor.u32 s9, s12;
	s11 =	sand.u32 $0xFFFFFC00, s11  }
0x561: {  	v2 =	vld [tilespmem:s5+$0x0];
	s9 =	sor.u32 s15, s11;
	s11 =	sor.u32 $0x2A00, s8  }
0x562: {  	s9 =	sshrl.u32 s9, $0x3  }
0x563: {  	s9 =	sadd.s32 s1, s9  }
0x564: {  	[tilespmem:s11], [sflag:$0x2] =	stream.linear.gather [hbm4b:s9+s4], $0x10, $0x38;
	[tilespmem:$0x10A00] =	vst v63  }
0x565: {  	s12 =	sor.u32 $0x2A80, s8;
	s11 =	sadd.s32 $0x10, s9  }
0x566: {  	[tilespmem:s12], [sflag:$0x2] =	stream.linear.gather [hbm4b:s11+s4], $0x10, $0x38;
	(v2sf) =	vpush v2, $0x0;
	[tilespmem:$0x10A00] =	vst v63  }
0x567: {  	s11 =	sadd.s32 $0x20, s9;
	s12 =	sor.u32 $0x2B00, s8  }
0x568: {  	[tilespmem:s12], [sflag:$0x2] =	stream.linear.gather [hbm4b:s11+s4], $0x10, $0x38;
	[tilespmem:$0x10A00] =	vst v63  }
0x569: {  	s11 =	sadd.s32 $0x30, s9;
	s12 =	sor.u32 $0x2B80, s8  }
0x56a: {  	[tilespmem:s12], [sflag:$0x2] =	stream.linear.gather [hbm4b:s11+s4], $0x10, $0x38;
	[tilespmem:$0x10A00] =	vst v63  }
0x56b: {  	s11 =	sadd.s32 $0x40, s9;
	s12 =	sadd.s32 $0x2C00, s8  }
0x56c: {  	[tilespmem:s12], [sflag:$0x2] =	stream.linear.gather [hbm4b:s11+s4], $0x10, $0x38;
	[tilespmem:$0x10A00] =	vst v63  }
0x56d: {  	s11 =	sadd.s32 $0x50, s9;
	s12 =	sadd.s32 $0x2C80, s8  }
0x56e: {  	[tilespmem:s12], [sflag:$0x2] =	stream.linear.gather [hbm4b:s11+s4], $0x10, $0x38;
	[tilespmem:$0x10A00] =	vst v63  }
0x56f: {  	s15 =	sor.u32 $0x3380, s8;
	s11 =	sadd.s32 $0x60, s9;
	s12 =	sadd.s32 $0x2D00, s8  }
0x570: {  	[tilespmem:s12], [sflag:$0x2] =	stream.linear.gather [hbm4b:s11+s4], $0x10, $0x38;
	[tilespmem:$0x10A00] =	vst v63  }
0x571: {  	s16 =	sor.u32 $0x3300, s8;
	s11 =	sadd.s32 $0x70, s9;
	s12 =	sadd.s32 $0x2D80, s8  }
0x572: {  	[tilespmem:s12], [sflag:$0x2] =	stream.linear.gather [hbm4b:s11+s4], $0x10, $0x38;
	[tilespmem:$0x10A00] =	vst v63  }
0x573: {  	s19 =	sor.u32 $0x3280, s8;
	s11 =	sadd.s32 $0xF4280, s9;
	s12 =	sor.u32 $0x3200, s8  }
0x574: {  	[tilespmem:s12], [sflag:$0x2] =	stream.linear.gather [hbm4b:s11+s4], $0x10, $0x38;
	[tilespmem:$0x10A00] =	vst v63  }
0x575: {  	s20 =	sadd.s32 $0x20, s11;
	s12 =	sadd.s32 $0x10, s11;
	s21 =	spop (v2sf)  }
0x576: {  	[tilespmem:s19], [sflag:$0x2] =	stream.linear.gather [hbm4b:s12+s4], $0x10, $0x38;
	[tilespmem:$0x10A00] =	vst v63  }
0x577: {  	s12 =	sadd.s32 $0x30, s11;
	s19 =	sshll.u32 s21, $0x3;
	s21 =	sand.u32 $0x70, s21  }
0x578: {  	[tilespmem:s16], [sflag:$0x2] =	stream.linear.gather [hbm4b:s20+s4], $0x10, $0x38;
	[tilespmem:$0x10A00] =	vst v63  }
0x579: {  	s19 =	sand.u32 $0xFFFFFC00, s19;
	s16 =	sadd.s32 $0x40, s11;
	s20 =	sadd.s32 $0x3400, s8  }
0x57a: {  	[tilespmem:s15], [sflag:$0x2] =	stream.linear.gather [hbm4b:s12+s4], $0x10, $0x38;
	[tilespmem:$0x10A00] =	vst v63  }
0x57b: {  	s19 =	sor.u32 s21, s19;
	s12 =	sadd.s32 $0x50, s11;
	s15 =	sadd.s32 $0x3480, s8  }
0x57c: {  	[tilespmem:s20], [sflag:$0x2] =	stream.linear.gather [hbm4b:s16+s4], $0x10, $0x38;
	[tilespmem:$0x10A00] =	vst v63  }
0x57d: {  	s19 =	sshrl.u32 s19, $0x3;
	s16 =	sadd.s32 $0x60, s11;
	s20 =	sadd.s32 $0x3500, s8  }
0x57e: {  	[tilespmem:s15], [sflag:$0x2] =	stream.linear.gather [hbm4b:s12+s4], $0x10, $0x38;
	[tilespmem:$0x10A00] =	vst v63  }
0x57f: {  	s11 =	sadd.s32 $0x70, s11;
	s12 =	sadd.s32 $0x3580, s8  }
0x580: {  	[tilespmem:s20], [sflag:$0x2] =	stream.linear.gather [hbm4b:s16+s4], $0x10, $0x38;
	[tilespmem:$0x10A00] =	vst v63  }
0x581: {  	s15 =	sadd.s32 $0x1E8500, s9;
	s16 =	sor.u32 $0x3A00, s8  }
0x582: {  	[tilespmem:s12], [sflag:$0x2] =	stream.linear.gather [hbm4b:s11+s4], $0x10, $0x38;
	[tilespmem:$0x10A00] =	vst v63  }
0x583: {  	s11 =	sadd.s32 $0x10, s15;
	s12 =	sor.u32 $0x3A80, s8  }
0x584: {  	[tilespmem:s16], [sflag:$0x2] =	stream.linear.gather [hbm4b:s15+s4], $0x10, $0x38;
	[tilespmem:$0x10A00] =	vst v63  }
0x585: {  	s20 =	sor.u32 $0x3B00, s8;
	s16 =	sadd.s32 $0x20, s15  }
0x586: {  	[tilespmem:s12], [sflag:$0x2] =	stream.linear.gather [hbm4b:s11+s4], $0x10, $0x38;
	[tilespmem:$0x10A00] =	vst v63  }
0x587: {  	s11 =	sadd.s32 $0x30, s15;
	s12 =	sor.u32 $0x3B80, s8  }
0x588: {  	[tilespmem:s20], [sflag:$0x2] =	stream.linear.gather [hbm4b:s16+s4], $0x10, $0x38;
	[tilespmem:$0x10A00] =	vst v63  }
0x589: {  	s16 =	sadd.s32 $0x40, s15;
	s20 =	sadd.s32 $0x3C00, s8  }
0x58a: {  	[tilespmem:s12], [sflag:$0x2] =	stream.linear.gather [hbm4b:s11+s4], $0x10, $0x38;
	[tilespmem:$0x10A00] =	vst v63  }
0x58b: {  	s11 =	sadd.s32 $0x50, s15;
	s12 =	sadd.s32 $0x3C80, s8  }
0x58c: {  	[tilespmem:s20], [sflag:$0x2] =	stream.linear.gather [hbm4b:s16+s4], $0x10, $0x38;
	[tilespmem:$0x10A00] =	vst v63  }
0x58d: {  	s16 =	sadd.s32 $0x60, s15;
	s20 =	sadd.s32 $0x3D00, s8  }
0x58e: {  	[tilespmem:s12], [sflag:$0x2] =	stream.linear.gather [hbm4b:s11+s4], $0x10, $0x38;
	[tilespmem:$0x10A00] =	vst v63  }
0x58f: {  	s11 =	sadd.s32 $0x70, s15;
	s12 =	sadd.s32 $0x3D80, s8  }
0x590: {  	[tilespmem:s20], [sflag:$0x2] =	stream.linear.gather [hbm4b:s16+s4], $0x10, $0x38;
	[tilespmem:$0x10A00] =	vst v63  }
0x591: {  	s9 =	sadd.s32 $0x2DC780, s9;
	s15 =	sor.u32 $0x4200, s8  }
0x592: {  	[tilespmem:s12], [sflag:$0x2] =	stream.linear.gather [hbm4b:s11+s4], $0x10, $0x38;
	[tilespmem:$0x10A00] =	vst v63  }
0x593: {  	s11 =	sadd.s32 $0x10, s9;
	s12 =	sor.u32 $0x4280, s8  }
0x594: {  	[tilespmem:s15], [sflag:$0x2] =	stream.linear.gather [hbm4b:s9+s4], $0x10, $0x38;
	[tilespmem:$0x10A00] =	vst v63  }
0x595: {  	s16 =	sor.u32 $0x4300, s8;
	s15 =	sadd.s32 $0x20, s9  }
0x596: {  	[tilespmem:s12], [sflag:$0x2] =	stream.linear.gather [hbm4b:s11+s4], $0x10, $0x38;
	[tilespmem:$0x10A00] =	vst v63  }
0x597: {  	s11 =	sadd.s32 $0x30, s9;
	s12 =	sor.u32 $0x4380, s8  }
0x598: {  	[tilespmem:s16], [sflag:$0x2] =	stream.linear.gather [hbm4b:s15+s4], $0x10, $0x38;
	[tilespmem:$0x10A00] =	vst v63  }
0x599: {  	s15 =	sadd.s32 $0x40, s9;
	s16 =	sadd.s32 $0x4400, s8  }
0x59a: {  	[tilespmem:s12], [sflag:$0x2] =	stream.linear.gather [hbm4b:s11+s4], $0x10, $0x38;
	[tilespmem:$0x10A00] =	vst v63  }
0x59b: {  	s11 =	sadd.s32 $0x50, s9;
	s12 =	sadd.s32 $0x4480, s8  }
0x59c: {  	[tilespmem:s16], [sflag:$0x2] =	stream.linear.gather [hbm4b:s15+s4], $0x10, $0x38;
	[tilespmem:$0x10A00] =	vst v63  }
0x59d: {  	s15 =	sadd.s32 $0x60, s9;
	s16 =	sadd.s32 $0x4500, s8  }
0x59e: {  	[tilespmem:s12], [sflag:$0x2] =	stream.linear.gather [hbm4b:s11+s4], $0x10, $0x38;
	[tilespmem:$0x10A00] =	vst v63  }
0x59f: {  	s11 =	sadd.s32 $0x70, s9;
	s12 =	sadd.s32 $0x4580, s8  }
0x5a0: {  	[tilespmem:s16], [sflag:$0x2] =	stream.linear.gather [hbm4b:s15+s4], $0x10, $0x38;
	[tilespmem:$0x10A00] =	vst v63  }
0x5a1: {  	s9 =	sadd.s32 s2, s19;
	s15 =	sor.u32 $0x6A00, s8  }
0x5a2: {  	[tilespmem:s12], [sflag:$0x2] =	stream.linear.gather [hbm4b:s11+s4], $0x10, $0x38;
	[tilespmem:$0x10A00] =	vst v63  }
0x5a3: {  	s11 =	sadd.s32 $0x10, s9;
	s12 =	sor.u32 $0x6A80, s8  }
0x5a4: {  	[tilespmem:s15], [sflag:$0x4] =	stream.linear.gather [hbm4b:s9+s4], $0x10, $0x38;
	[tilespmem:$0x10A00] =	vst v63  }
0x5a5: {  	s16 =	sor.u32 $0x6B00, s8;
	s15 =	sadd.s32 $0x20, s9  }
0x5a6: {  	[tilespmem:s12], [sflag:$0x4] =	stream.linear.gather [hbm4b:s11+s4], $0x10, $0x38;
	[tilespmem:$0x10A00] =	vst v63  }
0x5a7: {  	s11 =	sadd.s32 $0x30, s9;
	s12 =	sor.u32 $0x6B80, s8  }
0x5a8: {  	[tilespmem:s16], [sflag:$0x4] =	stream.linear.gather [hbm4b:s15+s4], $0x10, $0x38;
	[tilespmem:$0x10A00] =	vst v63  }
0x5a9: {  	s15 =	sadd.s32 $0x40, s9;
	s16 =	sadd.s32 $0x6C00, s8  }
0x5aa: {  	[tilespmem:s12], [sflag:$0x4] =	stream.linear.gather [hbm4b:s11+s4], $0x10, $0x38;
	[tilespmem:$0x10A00] =	vst v63  }
0x5ab: {  	s11 =	sadd.s32 $0x50, s9;
	s12 =	sadd.s32 $0x6C80, s8  }
0x5ac: {  	[tilespmem:s16], [sflag:$0x4] =	stream.linear.gather [hbm4b:s15+s4], $0x10, $0x38;
	[tilespmem:$0x10A00] =	vst v63  }
0x5ad: {  	s15 =	sadd.s32 $0x60, s9;
	s16 =	sadd.s32 $0x6D00, s8  }
0x5ae: {  	[tilespmem:s12], [sflag:$0x4] =	stream.linear.gather [hbm4b:s11+s4], $0x10, $0x38;
	[tilespmem:$0x10A00] =	vst v63  }
0x5af: {  	s11 =	sadd.s32 $0x70, s9;
	s12 =	sadd.s32 $0x6D80, s8  }
0x5b0: {  	[tilespmem:s16], [sflag:$0x4] =	stream.linear.gather [hbm4b:s15+s4], $0x10, $0x38;
	[tilespmem:$0x10A00] =	vst v63  }
0x5b1: {  	s15 =	sadd.s32 $0x18700, s9;
	s16 =	sor.u32 $0x7200, s8  }
0x5b2: {  	[tilespmem:s12], [sflag:$0x4] =	stream.linear.gather [hbm4b:s11+s4], $0x10, $0x38;
	[tilespmem:$0x10A00] =	vst v63  }
0x5b3: {  	s11 =	sadd.s32 $0x10, s15;
	s12 =	sor.u32 $0x7280, s8  }
0x5b4: {  	[tilespmem:s16], [sflag:$0x4] =	stream.linear.gather [hbm4b:s15+s4], $0x10, $0x38;
	[tilespmem:$0x10A00] =	vst v63  }
0x5b5: {  	s19 =	sor.u32 $0x7300, s8;
	s16 =	sadd.s32 $0x20, s15  }
0x5b6: {  	[tilespmem:s12], [sflag:$0x4] =	stream.linear.gather [hbm4b:s11+s4], $0x10, $0x38;
	[tilespmem:$0x10A00] =	vst v63  }
0x5b7: {  	s11 =	sadd.s32 $0x30, s15;
	s12 =	sor.u32 $0x7380, s8  }
0x5b8: {  	[tilespmem:s19], [sflag:$0x4] =	stream.linear.gather [hbm4b:s16+s4], $0x10, $0x38;
	[tilespmem:$0x10A00] =	vst v63  }
0x5b9: {  	s16 =	sadd.s32 $0x40, s15;
	s19 =	sadd.s32 $0x7400, s8  }
0x5ba: {  	[tilespmem:s12], [sflag:$0x4] =	stream.linear.gather [hbm4b:s11+s4], $0x10, $0x38;
	[tilespmem:$0x10A00] =	vst v63  }
0x5bb: {  	s11 =	sadd.s32 $0x50, s15;
	s12 =	sadd.s32 $0x7480, s8  }
0x5bc: {  	[tilespmem:s19], [sflag:$0x4] =	stream.linear.gather [hbm4b:s16+s4], $0x10, $0x38;
	[tilespmem:$0x10A00] =	vst v63  }
0x5bd: {  	s16 =	sadd.s32 $0x60, s15;
	s19 =	sadd.s32 $0x7500, s8  }
0x5be: {  	[tilespmem:s12], [sflag:$0x4] =	stream.linear.gather [hbm4b:s11+s4], $0x10, $0x38;
	[tilespmem:$0x10A00] =	vst v63  }
0x5bf: {  	s11 =	sadd.s32 $0x70, s15;
	s12 =	sadd.s32 $0x7580, s8  }
0x5c0: {  	[tilespmem:s19], [sflag:$0x4] =	stream.linear.gather [hbm4b:s16+s4], $0x10, $0x38;
	[tilespmem:$0x10A00] =	vst v63  }
0x5c1: {  	s15 =	sadd.s32 $0x30E00, s9;
	s16 =	sor.u32 $0x7A00, s8  }
0x5c2: {  	[tilespmem:s12], [sflag:$0x4] =	stream.linear.gather [hbm4b:s11+s4], $0x10, $0x38;
	[tilespmem:$0x10A00] =	vst v63  }
0x5c3: {  	s11 =	sadd.s32 $0x10, s15;
	s12 =	sor.u32 $0x7A80, s8  }
0x5c4: {  	[tilespmem:s16], [sflag:$0x4] =	stream.linear.gather [hbm4b:s15+s4], $0x10, $0x38;
	[tilespmem:$0x10A00] =	vst v63  }
0x5c5: {  	s19 =	sor.u32 $0x7B00, s8;
	s16 =	sadd.s32 $0x20, s15  }
0x5c6: {  	[tilespmem:s12], [sflag:$0x4] =	stream.linear.gather [hbm4b:s11+s4], $0x10, $0x38;
	[tilespmem:$0x10A00] =	vst v63  }
0x5c7: {  	s11 =	sadd.s32 $0x30, s15;
	s12 =	sor.u32 $0x7B80, s8  }
0x5c8: {  	[tilespmem:s19], [sflag:$0x4] =	stream.linear.gather [hbm4b:s16+s4], $0x10, $0x38;
	[tilespmem:$0x10A00] =	vst v63  }
0x5c9: {  	s16 =	sadd.s32 $0x40, s15;
	s19 =	sadd.s32 $0x7C00, s8  }
0x5ca: {  	[tilespmem:s12], [sflag:$0x4] =	stream.linear.gather [hbm4b:s11+s4], $0x10, $0x38;
	[tilespmem:$0x10A00] =	vst v63  }
0x5cb: {  	s11 =	sadd.s32 $0x50, s15;
	s12 =	sadd.s32 $0x7C80, s8  }
0x5cc: {  	[tilespmem:s19], [sflag:$0x4] =	stream.linear.gather [hbm4b:s16+s4], $0x10, $0x38;
	[tilespmem:$0x10A00] =	vst v63  }
0x5cd: {  	s16 =	sadd.s32 $0x60, s15;
	s19 =	sadd.s32 $0x7D00, s8  }
0x5ce: {  	[tilespmem:s12], [sflag:$0x4] =	stream.linear.gather [hbm4b:s11+s4], $0x10, $0x38;
	[tilespmem:$0x10A00] =	vst v63  }
0x5cf: {  	s11 =	sadd.s32 $0x70, s15;
	s12 =	sadd.s32 $0x7D80, s8  }
0x5d0: {  	[tilespmem:s19], [sflag:$0x4] =	stream.linear.gather [hbm4b:s16+s4], $0x10, $0x38;
	[tilespmem:$0x10A00] =	vst v63  }
0x5d1: {  	s15 =	sadd.s32 $0x49500, s9;
	s9 =	sor.u32 $0x8200, s8  }
0x5d2: {  	[tilespmem:s12], [sflag:$0x4] =	stream.linear.gather [hbm4b:s11+s4], $0x10, $0x38;
	[tilespmem:$0x10A00] =	vst v63  }
0x5d3: {  	s11 =	sadd.s32 $0x10, s15;
	s12 =	sor.u32 $0x8280, s8  }
0x5d4: {  	[tilespmem:s9], [sflag:$0x4] =	stream.linear.gather [hbm4b:s15+s4], $0x10, $0x38;
	[tilespmem:$0x10A00] =	vst v63  }
0x5d5: {  	s16 =	sor.u32 $0x8300, s8;
	s9 =	sadd.s32 $0x20, s15  }
0x5d6: {  	[tilespmem:s12], [sflag:$0x4] =	stream.linear.gather [hbm4b:s11+s4], $0x10, $0x38;
	[tilespmem:$0x10A00] =	vst v63  }
0x5d7: {  	s11 =	sadd.s32 $0x30, s15;
	s12 =	sor.u32 $0x8380, s8  }
0x5d8: {  	[tilespmem:s16], [sflag:$0x4] =	stream.linear.gather [hbm4b:s9+s4], $0x10, $0x38;
	[tilespmem:$0x10A00] =	vst v63  }
0x5d9: {  	s5 =	sadd.s32 $0x1, s5;
	s9 =	sadd.s32 $0x40, s15;
	s16 =	sadd.s32 $0x8400, s8  }
0x5da: {  	[tilespmem:s12], [sflag:$0x4] =	stream.linear.gather [hbm4b:s11+s4], $0x10, $0x38;
	[tilespmem:$0x10A00] =	vst v63  }
.Ltmp10:
0x5db: {  	s11 =	sadd.s32 $0x50, s15;
	s12 =	sadd.s32 $0x8480, s8;
	(pc) =	sbr.rel @p0 .LBB2_18-.Ltmp10, $4  }
0x5dc: {  	[tilespmem:s16], [sflag:$0x4] =	stream.linear.gather [hbm4b:s9+s4], $0x10, $0x38;
	[tilespmem:$0x10A00] =	vst v63  }
0x5dd: {  	s6 =	sadd.s32 $0x1, s6;
	s19 =	sadd.s32 $0x8500, s8;
	s9 =	sadd.s32 $0x60, s15  }
0x5de: {  	[tilespmem:s12], [sflag:$0x4] =	stream.linear.gather [hbm4b:s11+s4], $0x10, $0x38;
	[tilespmem:$0x10A00] =	vst v63  }
0x5df: {  	s7 =	sadd.s32 $0x80, s7;
	s20 =	sadd.s32 $0x70, s15;
	s8 =	sadd.s32 $0x8580, s8  }
0x5e0: {  	[tilespmem:s19], [sflag:$0x4] =	stream.linear.gather [hbm4b:s9+s4], $0x10, $0x38;
	[tilespmem:$0x10A00] =	vst v63  }
0x5e1: {  	s3 =	sadd.s32 $0x1, s3  }
0x5e2: {  	p0 =	sne.s32 s3, $0x10  }
.Ltmp11:
0x5e3: {  	_ = 	snop;
	(pc) =	sbr.rel @p0 .LBB2_8-.Ltmp11, $4  }
.Ltmp12:
0x5e4: {  	s0 =	sadd.s32 $0x20, s0;
	(pc) =	sbr.rel @!p0 .LBB2_20-.Ltmp12, $4  }
0x5e5: {  	s31 =	sadd.s32 $0x100, s31;
	s25 =	sadd.s32 $0x1, s25;
	s26 =	sadd.s32 $0x20, s26  }
0x5e6: {  	s28 =	sadd.s32 $0x20, s28;
	s29 =	sadd.s32 $0x20, s29;
	s30 =	sadd.s32 $0x20, s30  }
0x5e7: {  	[tilespmem:s8], [sflag:$0x4] =	stream.linear.gather [hbm4b:s20+s4], $0x10, $0x38;
	[tilespmem:$0x10A00] =	vst v63  }
0x5e8: {  	_ = 	snop  }
.LBB2_21:
0x5e9: {  	_ =	sfence.sel $0x180000  }
0x5ea: {  	[bflag:$0x0] =	sbarrier.arrive $0xFFFF  }
0x5eb: {  	_ =	strace $0x90000047  }
0x5ec: {  	s0 =	stileid.u32;
	[bflag:$0x2] =	sbarrier.arrive $0xFFFF  }
0x5ed: {  	p0 =	sne.s32 s0, $0x0;
	s0 =	rddreg [dreg:$0x6]  }
0x5ee: {  	s0 =	sadd.s32 @!p0 $0x100000, s0  }
0x5ef: {  	[sflag:s0] =	ssyncadd.tile.s32 @!p0 $0x1;
	_ =	shalt  }
.Lfunc_end2:
_tile_overlayer_lowered:
.L_overlay_start_2:
0x5f0: {  	(tag) =	ssettag $0x2  }
0x5f1: {  	s0 =	rddreg [dreg:$0x0];
	s2 =	stileid.u32  }
0x5f2: {  	s1 =	rddreg [dreg:$0x1];
	p0 =	sne.s32 s2, $0x0  }
0x5f3: {  	s3 =	rddreg [dreg:$0x2];
	[bflag:$0x3] =	sbarrier.arrive $0xFFFF;
	s2 =	simm.s32 @!p0 $0x1C05  }
0x5f4: {  	[timem:s3], [sflag:s2] =	dma.local @!p0 [hbm:s0], s1  }
0x5f5: {  	s0 =	simm.s32 @!p0 $0x5  }
0x5f6: {  	_ =	swait.ge @!p0 [sflag:s0], s1  }
0x5f7: {  	s1 =	ssub.s32 @!p0 $0x0, s1;
	[sflag:s0] =	ssyncset.done @!p0 $0x0  }
0x5f8: {  	[sflag:s0] =	ssyncadd.s32 @!p0 s1  }
0x5f9: {  	[bflag:$0x3] =	sbarrier.arrive $0xFFFF  }
0x5fa: {  	_ =	shalt  }

</sc_bundles>
